<compile_context>
chip_gen: v7x
topology: tpu7x:2x2x1
jax: 0.10.2.dev20260603
libtpu: 0.0.44.dev20260713+nightly
codegen_flags: <defaults>
</compile_context>

<pallas_src>
import functools

import jax
import jax.numpy as jnp
from jax import lax
from jax.experimental import pallas as pl
from jax.experimental.pallas import tpu as pltpu
from jax.experimental.pallas import tpu_sc as plsc

GRID = 64
EPS = 1e-5
C = 128
P = 102400
NW = 32
RPW = P // NW
CHUNK = 128
NCH = RPW // CHUNK
NOFF = 7
BR = 512


def _flat(c):
    return (c[:, 0] * GRID + c[:, 1]) * GRID + c[:, 2]


def _sc_gather(x_bf16, idx):
    mesh = plsc.VectorSubcoreMesh(core_axis_name="c", subcore_axis_name="s")

    @functools.partial(
        pl.kernel,
        mesh=mesh,
        out_type=jax.ShapeDtypeStruct((NOFF * P, C), jnp.float32),
        scratch_types=(
            [pltpu.VMEM((8, CHUNK), jnp.int32)]
            + [pltpu.VMEM((CHUNK, C), jnp.float32) for _ in range(NOFF)]
            + [pltpu.SemaphoreType.DMA for _ in range(2 * NOFF)]
        ),
    )
    def gather_kernel(x_hbm, idx_hbm, g_hbm, idx_v, b0, b1, b2, b3, b4, b5, b6,
                      g0, g1, g2, g3, g4, g5, g6, w0, w1, w2, w3, w4, w5, w6):
        bufs = [b0, b1, b2, b3, b4, b5, b6]
        gsems = [g0, g1, g2, g3, g4, g5, g6]
        wsems = [w0, w1, w2, w3, w4, w5, w6]
        wid = lax.axis_index("s") * 2 + lax.axis_index("c")
        base = wid * RPW

        def chunk_body(ch, carry):
            r0 = base + ch * CHUNK
            pltpu.sync_copy(
                idx_hbm.at[pl.ds((wid * NCH + ch) * 8, 8)], idx_v)
            gh = [
                pltpu.async_copy(
                    x_hbm.at[idx_v.at[o]],
                    bufs[o], gsems[o])
                for o in range(NOFF)
            ]
            wh = []
            for o in range(NOFF):
                gh[o].wait()
                wh.append(pltpu.async_copy(
                    bufs[o], g_hbm.at[pl.ds(o * P + r0, CHUNK)], wsems[o]))
            for o in range(NOFF):
                wh[o].wait()
            return carry

        lax.fori_loop(0, NCH, chunk_body, 0)

    return gather_kernel(x_bf16, idx).reshape(NOFF, P, C)


def _mm_stats_body(g_ref, w_ref, f_ref, stats_ref, acc_ref):
    i = pl.program_id(0)

    @pl.when(i == 0)
    def _init():
        acc_ref[...] = jnp.zeros_like(acc_ref)

    for d, (mo, po) in enumerate(((0, 1), (2, 3), (4, 5))):
        f = jnp.zeros((BR, C), jnp.float32)
        for k, o in enumerate((mo, 6, po)):
            f = f + lax.dot_general(
                g_ref[o], w_ref[d, k],
                (((1,), (0,)), ((), ())),
                preferred_element_type=jnp.float32,
            )
        f_ref[d] = f.astype(jnp.bfloat16)
        acc_ref[2 * d] += jnp.sum(f, axis=0)
        acc_ref[2 * d + 1] += jnp.sum(f * f, axis=0)
    stats_ref[...] = acc_ref[...]


def _tc_matmul_stats(g, w_all):
    grid = (P // BR,)
    return pl.pallas_call(
        _mm_stats_body,
        grid=grid,
        in_specs=[
            pl.BlockSpec((NOFF, BR, C), lambda i: (0, i, 0)),
            pl.BlockSpec((3, 3, C, C), lambda i: (0, 0, 0, 0)),
        ],
        out_specs=[
            pl.BlockSpec((3, BR, C), lambda i: (0, i, 0)),
            pl.BlockSpec((6, C), lambda i: (0, 0)),
        ],
        out_shape=[
            jax.ShapeDtypeStruct((3, P, C), jnp.bfloat16),
            jax.ShapeDtypeStruct((6, C), jnp.float32),
        ],
        scratch_shapes=[pltpu.VMEM((6, C), jnp.float32)],
    )(g, w_all)


def _finalize_body(f_ref, stats_ref, x_ref, n_inv_ref, o_ref):
    n_inv = n_inv_ref[0]
    s = jnp.zeros_like(x_ref)
    for d in range(3):
        m = stats_ref[2 * d] * n_inv
        var = stats_ref[2 * d + 1] * n_inv - m * m
        inv = 1.0 / jnp.sqrt(var + EPS)
        fd = f_ref[d].astype(jnp.float32)
        s = s + jax.nn.sigmoid((fd - m[None, :]) * inv[None, :])
    o_ref[...] = s * x_ref[...]


def _tc_finalize(f, stats, x, n):
    n_inv = jnp.full((1,), 1.0 / n, jnp.float32)
    br = 1000
    grid = (n // br,)
    return pl.pallas_call(
        _finalize_body,
        grid=grid,
        in_specs=[
            pl.BlockSpec((3, br, C), lambda i: (0, i, 0)),
            pl.BlockSpec((6, C), lambda i: (0, 0)),
            pl.BlockSpec((br, C), lambda i: (i, 0)),
            pl.BlockSpec(memory_space=pltpu.SMEM),
        ],
        out_specs=pl.BlockSpec((br, C), lambda i: (i, 0)),
        out_shape=jax.ShapeDtypeStruct((n, C), jnp.float32),
    )(f, stats, x, n_inv)


def kernel(voxel_features, coors, Wa, Wb, Wc):
    n = voxel_features.shape[0]
    grid = jnp.full((GRID * GRID * GRID,), -1, dtype=jnp.int32)
    grid = grid.at[_flat(coors)].max(jnp.arange(n, dtype=jnp.int32))

    sentinel = n + (jnp.arange(n, dtype=jnp.int32) % (P - n))
    pad_sent = n + jnp.arange(P - n, dtype=jnp.int32)
    offs = ((-1, 0, 0), (1, 0, 0), (0, -1, 0), (0, 1, 0), (0, 0, -1),
            (0, 0, 1), (0, 0, 0))
    idx_list = []
    for (dx, dy, dz) in offs:
        nb = coors + jnp.array([dx, dy, dz], coors.dtype)
        valid = jnp.all((nb >= 0) & (nb < GRID), axis=1)
        fl = jnp.where(valid, _flat(nb), 0)
        ii = grid[fl]
        valid = valid & (ii >= 0)
        idx_list.append(jnp.where(valid, ii, sentinel))
    idx = jnp.stack(idx_list)
    idx = jnp.concatenate(
        [idx, jnp.broadcast_to(pad_sent, (NOFF, P - n))], axis=1)
    idx = idx.reshape(NOFF, NW, NCH, CHUNK).transpose(1, 2, 0, 3)
    idx = jnp.concatenate(
        [idx, jnp.zeros((NW, NCH, 8 - NOFF, CHUNK), jnp.int32)], axis=2)
    idx = idx.reshape(NW * NCH * 8, CHUNK)

    x_pad = jnp.pad(voxel_features, ((0, P - n), (0, 0)))

    g = _sc_gather(x_pad, idx)
    w_all = jnp.stack([Wa, Wb, Wc])
    f, stats = _tc_matmul_stats(g, w_all)
    return _tc_finalize(f, stats, voxel_features, n)

# --- scband reference (transcript-rebuilt; emitter-appended) ---
"""Pipeline reference for scband-asymm-3d-spconv-70523363000606 (READ-ONLY COPY).

The authoritative reference and input builder live on the scoring server;
editing this copy changes nothing except your own understanding.
"""

import jax, jax.numpy as jnp
import numpy as np

GRID = 64
N = 100000
C = 128
EPS = 1e-5

OFF_A = [(-1, 0, 0), (0, 0, 0), (1, 0, 0)]   # conv3x1x1
OFF_B = [(0, -1, 0), (0, 0, 0), (0, 1, 0)]   # conv1x3x1
OFF_C = [(0, 0, -1), (0, 0, 0), (0, 0, 1)]   # conv1x1x3


def _flat(c):
    return (c[:, 0] * GRID + c[:, 1]) * GRID + c[:, 2]


def _build_grid(coors, n):
    grid = jnp.full((GRID * GRID * GRID,), -1, dtype=jnp.int32)
    grid = grid.at[_flat(coors)].set(jnp.arange(n, dtype=jnp.int32))
    return grid


def _subm_conv(x, coors, grid, W, offsets):
    # submanifold sparse conv: for each kernel offset, gather neighbor features
    # via the dense hash grid, apply the per-offset weight, accumulate.
    out = jnp.zeros((x.shape[0], W.shape[2]), dtype=x.dtype)
    for k, (dx, dy, dz) in enumerate(offsets):
        nb = coors + jnp.array([dx, dy, dz], dtype=coors.dtype)
        valid = jnp.all((nb >= 0) & (nb < GRID), axis=1)
        flat = jnp.where(valid, _flat(nb), 0)
        idx = grid[flat]
        valid = valid & (idx >= 0)
        gathered = x[jnp.maximum(idx, 0)]
        out = out + jnp.where(valid[:, None], gathered @ W[k], 0.0)
    return out


def _bn(f):
    # BatchNorm1d, training-mode batch stats, gamma=1, beta=0 (as initialized)
    m = f.mean(axis=0)
    v = f.var(axis=0)
    return (f - m) / jnp.sqrt(v + EPS)


def setup_inputs(seed: int = 0):
    key = jax.random.key(seed)
    k1, k2, k3, k4, k5 = jax.random.split(key, 5)
    voxel_features = jax.random.normal(k1, (N, C), dtype=jnp.float32)
    coors = jax.random.randint(k2, (N, 3), 0, GRID, dtype=jnp.int32)
    scale = 1.0 / np.sqrt(3 * C)
    Wa = jax.random.normal(k3, (3, C, C), dtype=jnp.float32) * scale
    Wb = jax.random.normal(k4, (3, C, C), dtype=jnp.float32) * scale
    Wc = jax.random.normal(k5, (3, C, C), dtype=jnp.float32) * scale
    return {"voxel_features": voxel_features, "coors": coors, "Wa": Wa, "Wb": Wb, "Wc": Wc}


def reference(voxel_features, coors, Wa, Wb, Wc):
    grid = _build_grid(coors, voxel_features.shape[0])
    s1 = jax.nn.sigmoid(_bn(_subm_conv(voxel_features, coors, grid, Wa, OFF_A)))
    s2 = jax.nn.sigmoid(_bn(_subm_conv(voxel_features, coors, grid, Wb, OFF_B)))
    s3 = jax.nn.sigmoid(_bn(_subm_conv(voxel_features, coors, grid, Wc, OFF_C)))
    return (s1 + s2 + s3) * voxel_features

if __name__ == "__main__":
    import jax
    _d = setup_inputs()
    print(jax.jit(kernel)(*tuple(_d.values())))

</pallas_src>

<mosaic_0001>
#map = affine_map<(d0, d1) -> (0, 0)>
module attributes {stable_mosaic.version = 14 : i64} {
  func.func @gather_kernel(%arg0: i32, %arg1: i32, %arg2: memref<102400x128xf32, #tpu.memory_space<hbm>>, %arg3: memref<6400x128xi32, #tpu.memory_space<hbm>>, %arg4: memref<716800x128xf32, #tpu.memory_space<hbm>>, %arg5: memref<8x128xi32, #tpu.memory_space<vmem>>, %arg6: memref<128x128xf32, #tpu.memory_space<vmem>>, %arg7: memref<128x128xf32, #tpu.memory_space<vmem>>, %arg8: memref<128x128xf32, #tpu.memory_space<vmem>>, %arg9: memref<128x128xf32, #tpu.memory_space<vmem>>, %arg10: memref<128x128xf32, #tpu.memory_space<vmem>>, %arg11: memref<128x128xf32, #tpu.memory_space<vmem>>, %arg12: memref<128x128xf32, #tpu.memory_space<vmem>>, %arg13: memref<!tpu.dma_semaphore, #tpu.memory_space<semaphore_mem>>, %arg14: memref<!tpu.dma_semaphore, #tpu.memory_space<semaphore_mem>>, %arg15: memref<!tpu.dma_semaphore, #tpu.memory_space<semaphore_mem>>, %arg16: memref<!tpu.dma_semaphore, #tpu.memory_space<semaphore_mem>>, %arg17: memref<!tpu.dma_semaphore, #tpu.memory_space<semaphore_mem>>, %arg18: memref<!tpu.dma_semaphore, #tpu.memory_space<semaphore_mem>>, %arg19: memref<!tpu.dma_semaphore, #tpu.memory_space<semaphore_mem>>, %arg20: memref<!tpu.dma_semaphore, #tpu.memory_space<semaphore_mem>>, %arg21: memref<!tpu.dma_semaphore, #tpu.memory_space<semaphore_mem>>, %arg22: memref<!tpu.dma_semaphore, #tpu.memory_space<semaphore_mem>>, %arg23: memref<!tpu.dma_semaphore, #tpu.memory_space<semaphore_mem>>, %arg24: memref<!tpu.dma_semaphore, #tpu.memory_space<semaphore_mem>>, %arg25: memref<!tpu.dma_semaphore, #tpu.memory_space<semaphore_mem>>, %arg26: memref<!tpu.dma_semaphore, #tpu.memory_space<semaphore_mem>>) attributes {dimension_semantics = [#tpu.dimension_semantics<core_parallel>, #tpu.dimension_semantics<subcore_parallel>], iteration_bounds = array<i64: 2, 16>, scalar_prefetch = 0 : i64, scratch_operands = 22 : i64, tpu.core_type = #tpu.core_type<sc_vector_subcore>, window_params = [{transform_indices = #map}, {transform_indices = #map}, {transform_indices = #map}]} {
    %mul3A = arith.constant 2 : i32
    %mul3A_0 = arith.muli %arg1, %mul3A : i32
    %add3A = arith.addi %mul3A_0, %arg0 : i32
    %mul3A_1 = arith.constant 3200 : i32
    %mul3A_2 = arith.muli %add3A, %mul3A_1 : i32
    %scan3A = arith.constant 0 : i32
    %scan3A_3 = arith.constant 0 : i32
    %scan3A_4 = arith.constant 25 : i32
    %scan3A_5 = arith.addi %scan3A_3, %scan3A_4 : i32
    %scan3A_6 = arith.constant 1 : i32
    scf.for %scan3A_8 = %scan3A_3 to %scan3A_5 step %scan3A_6  : i32 {
      %mul3A_9 = arith.constant 128 : i32
      %mul3A_10 = arith.muli %scan3A_8, %mul3A_9 : i32
      %add3A_11 = arith.addi %mul3A_2, %mul3A_10 : i32
      %mul3A_12 = arith.constant 25 : i32
      %mul3A_13 = arith.muli %add3A, %mul3A_12 : i32
      %add3A_14 = arith.addi %mul3A_13, %scan3A_8 : i32
      %mul3A_15 = arith.constant 8 : i32
      %mul3A_16 = arith.muli %add3A_14, %mul3A_15 : i32
      "tpu.region"() ({
        %run_scoped3A = tpu.sem_alloc : memref<!tpu.dma_semaphore, #tpu.memory_space<semaphore_mem>>
        %dma_start3A_183 = arith.constant 0 : i32
        %dma_start3A_184 = tpu.memref_slice %arg3[%mul3A_16, %dma_start3A_183] : memref<6400x128xi32, #tpu.memory_space<hbm>> -> memref<8x128xi32, #tpu.memory_space<hbm>>
        %dma_start3A_185 = arith.constant 0 : i32
        %dma_start3A_186 = tpu.memref_slice %arg3[%mul3A_16, %dma_start3A_185] : memref<6400x128xi32, #tpu.memory_space<hbm>> -> memref<8x128xi32, #tpu.memory_space<hbm>>
        tpu.enqueue_dma source(%dma_start3A_186 : memref<8x128xi32, #tpu.memory_space<hbm>>) target(%arg5 : memref<8x128xi32, #tpu.memory_space<vmem>>) target_semaphore(%run_scoped3A : memref<!tpu.dma_semaphore, #tpu.memory_space<semaphore_mem>>)
        %dma_wait3A_187 = arith.constant 0 : i32
        %dma_wait3A_188 = tpu.memref_slice %arg3[%mul3A_16, %dma_wait3A_187] : memref<6400x128xi32, #tpu.memory_space<hbm>> -> memref<8x128xi32, #tpu.memory_space<hbm>>
        %dma_wait3A_189 = arith.constant 0 : i32
        %dma_wait3A_190 = tpu.memref_slice %arg3[%mul3A_16, %dma_wait3A_189] : memref<6400x128xi32, #tpu.memory_space<hbm>> -> memref<8x128xi32, #tpu.memory_space<hbm>>
        tpu.wait_dma2 semaphore(%run_scoped3A : memref<!tpu.dma_semaphore, #tpu.memory_space<semaphore_mem>>) src(%dma_wait3A_190 : memref<8x128xi32, #tpu.memory_space<hbm>>) dst(%arg5 : memref<8x128xi32, #tpu.memory_space<vmem>>)
        tpu.yield
      }) : () -> ()
      %dma_start3A = arith.constant 0 : i32
      %dma_start3A_17 = arith.constant 0 : i32
      %dma_start3A_18 = tpu.memref_slice %arg5[%dma_start3A, %dma_start3A_17] : memref<8x128xi32, #tpu.memory_space<vmem>> -> memref<1x128xi32, #tpu.memory_space<vmem>>
      %dma_start3A_19 = tpu.memref_squeeze %dma_start3A_18 : memref<1x128xi32, #tpu.memory_space<vmem>> -> memref<128xi32, #tpu.memory_space<vmem>>
      %dma_start3A_20 = arith.constant 0 : i32
      %dma_start3A_21 = arith.constant 0 : i32
      %dma_start3A_22 = tpu.memref_slice %arg2[%dma_start3A_20, %dma_start3A_21] : memref<102400x128xf32, #tpu.memory_space<hbm>> -> memref<102400x128xf32, #tpu.memory_space<hbm>>
      tpu.enqueue_indirect_dma source(%dma_start3A_22 : memref<102400x128xf32, #tpu.memory_space<hbm>>) target(%arg6 : memref<128x128xf32, #tpu.memory_space<vmem>>) offsets(%dma_start3A_19 : memref<128xi32, #tpu.memory_space<vmem>>) semaphore(%arg13 : memref<!tpu.dma_semaphore, #tpu.memory_space<semaphore_mem>>)
      %dma_start3A_23 = arith.constant 1 : i32
      %dma_start3A_24 = arith.constant 0 : i32
      %dma_start3A_25 = tpu.memref_slice %arg5[%dma_start3A_23, %dma_start3A_24] : memref<8x128xi32, #tpu.memory_space<vmem>> -> memref<1x128xi32, #tpu.memory_space<vmem>>
      %dma_start3A_26 = tpu.memref_squeeze %dma_start3A_25 : memref<1x128xi32, #tpu.memory_space<vmem>> -> memref<128xi32, #tpu.memory_space<vmem>>
      %dma_start3A_27 = arith.constant 0 : i32
      %dma_start3A_28 = arith.constant 0 : i32
      %dma_start3A_29 = tpu.memref_slice %arg2[%dma_start3A_27, %dma_start3A_28] : memref<102400x128xf32, #tpu.memory_space<hbm>> -> memref<102400x128xf32, #tpu.memory_space<hbm>>
      tpu.enqueue_indirect_dma source(%dma_start3A_29 : memref<102400x128xf32, #tpu.memory_space<hbm>>) target(%arg7 : memref<128x128xf32, #tpu.memory_space<vmem>>) offsets(%dma_start3A_26 : memref<128xi32, #tpu.memory_space<vmem>>) semaphore(%arg14 : memref<!tpu.dma_semaphore, #tpu.memory_space<semaphore_mem>>)
      %dma_start3A_30 = arith.constant 2 : i32
      %dma_start3A_31 = arith.constant 0 : i32
      %dma_start3A_32 = tpu.memref_slice %arg5[%dma_start3A_30, %dma_start3A_31] : memref<8x128xi32, #tpu.memory_space<vmem>> -> memref<1x128xi32, #tpu.memory_space<vmem>>
      %dma_start3A_33 = tpu.memref_squeeze %dma_start3A_32 : memref<1x128xi32, #tpu.memory_space<vmem>> -> memref<128xi32, #tpu.memory_space<vmem>>
      %dma_start3A_34 = arith.constant 0 : i32
      %dma_start3A_35 = arith.constant 0 : i32
      %dma_start3A_36 = tpu.memref_slice %arg2[%dma_start3A_34, %dma_start3A_35] : memref<102400x128xf32, #tpu.memory_space<hbm>> -> memref<102400x128xf32, #tpu.memory_space<hbm>>
      tpu.enqueue_indirect_dma source(%dma_start3A_36 : memref<102400x128xf32, #tpu.memory_space<hbm>>) target(%arg8 : memref<128x128xf32, #tpu.memory_space<vmem>>) offsets(%dma_start3A_33 : memref<128xi32, #tpu.memory_space<vmem>>) semaphore(%arg15 : memref<!tpu.dma_semaphore, #tpu.memory_space<semaphore_mem>>)
      %dma_start3A_37 = arith.constant 3 : i32
      %dma_start3A_38 = arith.constant 0 : i32
      %dma_start3A_39 = tpu.memref_slice %arg5[%dma_start3A_37, %dma_start3A_38] : memref<8x128xi32, #tpu.memory_space<vmem>> -> memref<1x128xi32, #tpu.memory_space<vmem>>
      %dma_start3A_40 = tpu.memref_squeeze %dma_start3A_39 : memref<1x128xi32, #tpu.memory_space<vmem>> -> memref<128xi32, #tpu.memory_space<vmem>>
      %dma_start3A_41 = arith.constant 0 : i32
      %dma_start3A_42 = arith.constant 0 : i32
      %dma_start3A_43 = tpu.memref_slice %arg2[%dma_start3A_41, %dma_start3A_42] : memref<102400x128xf32, #tpu.memory_space<hbm>> -> memref<102400x128xf32, #tpu.memory_space<hbm>>
      tpu.enqueue_indirect_dma source(%dma_start3A_43 : memref<102400x128xf32, #tpu.memory_space<hbm>>) target(%arg9 : memref<128x128xf32, #tpu.memory_space<vmem>>) offsets(%dma_start3A_40 : memref<128xi32, #tpu.memory_space<vmem>>) semaphore(%arg16 : memref<!tpu.dma_semaphore, #tpu.memory_space<semaphore_mem>>)
      %dma_start3A_44 = arith.constant 4 : i32
      %dma_start3A_45 = arith.constant 0 : i32
      %dma_start3A_46 = tpu.memref_slice %arg5[%dma_start3A_44, %dma_start3A_45] : memref<8x128xi32, #tpu.memory_space<vmem>> -> memref<1x128xi32, #tpu.memory_space<vmem>>
      %dma_start3A_47 = tpu.memref_squeeze %dma_start3A_46 : memref<1x128xi32, #tpu.memory_space<vmem>> -> memref<128xi32, #tpu.memory_space<vmem>>
      %dma_start3A_48 = arith.constant 0 : i32
      %dma_start3A_49 = arith.constant 0 : i32
      %dma_start3A_50 = tpu.memref_slice %arg2[%dma_start3A_48, %dma_start3A_49] : memref<102400x128xf32, #tpu.memory_space<hbm>> -> memref<102400x128xf32, #tpu.memory_space<hbm>>
      tpu.enqueue_indirect_dma source(%dma_start3A_50 : memref<102400x128xf32, #tpu.memory_space<hbm>>) target(%arg10 : memref<128x128xf32, #tpu.memory_space<vmem>>) offsets(%dma_start3A_47 : memref<128xi32, #tpu.memory_space<vmem>>) semaphore(%arg17 : memref<!tpu.dma_semaphore, #tpu.memory_space<semaphore_mem>>)
      %dma_start3A_51 = arith.constant 5 : i32
      %dma_start3A_52 = arith.constant 0 : i32
      %dma_start3A_53 = tpu.memref_slice %arg5[%dma_start3A_51, %dma_start3A_52] : memref<8x128xi32, #tpu.memory_space<vmem>> -> memref<1x128xi32, #tpu.memory_space<vmem>>
      %dma_start3A_54 = tpu.memref_squeeze %dma_start3A_53 : memref<1x128xi32, #tpu.memory_space<vmem>> -> memref<128xi32, #tpu.memory_space<vmem>>
      %dma_start3A_55 = arith.constant 0 : i32
      %dma_start3A_56 = arith.constant 0 : i32
      %dma_start3A_57 = tpu.memref_slice %arg2[%dma_start3A_55, %dma_start3A_56] : memref<102400x128xf32, #tpu.memory_space<hbm>> -> memref<102400x128xf32, #tpu.memory_space<hbm>>
      tpu.enqueue_indirect_dma source(%dma_start3A_57 : memref<102400x128xf32, #tpu.memory_space<hbm>>) target(%arg11 : memref<128x128xf32, #tpu.memory_space<vmem>>) offsets(%dma_start3A_54 : memref<128xi32, #tpu.memory_space<vmem>>) semaphore(%arg18 : memref<!tpu.dma_semaphore, #tpu.memory_space<semaphore_mem>>)
      %dma_start3A_58 = arith.constant 6 : i32
      %dma_start3A_59 = arith.constant 0 : i32
      %dma_start3A_60 = tpu.memref_slice %arg5[%dma_start3A_58, %dma_start3A_59] : memref<8x128xi32, #tpu.memory_space<vmem>> -> memref<1x128xi32, #tpu.memory_space<vmem>>
      %dma_start3A_61 = tpu.memref_squeeze %dma_start3A_60 : memref<1x128xi32, #tpu.memory_space<vmem>> -> memref<128xi32, #tpu.memory_space<vmem>>
      %dma_start3A_62 = arith.constant 0 : i32
      %dma_start3A_63 = arith.constant 0 : i32
      %dma_start3A_64 = tpu.memref_slice %arg2[%dma_start3A_62, %dma_start3A_63] : memref<102400x128xf32, #tpu.memory_space<hbm>> -> memref<102400x128xf32, #tpu.memory_space<hbm>>
      tpu.enqueue_indirect_dma source(%dma_start3A_64 : memref<102400x128xf32, #tpu.memory_space<hbm>>) target(%arg12 : memref<128x128xf32, #tpu.memory_space<vmem>>) offsets(%dma_start3A_61 : memref<128xi32, #tpu.memory_space<vmem>>) semaphore(%arg19 : memref<!tpu.dma_semaphore, #tpu.memory_space<semaphore_mem>>)
      %dma_wait3A = arith.constant 0 : i32
      %dma_wait3A_65 = arith.constant 0 : i32
      %dma_wait3A_66 = tpu.memref_slice %arg5[%dma_wait3A, %dma_wait3A_65] : memref<8x128xi32, #tpu.memory_space<vmem>> -> memref<1x128xi32, #tpu.memory_space<vmem>>
      %dma_wait3A_67 = tpu.memref_squeeze %dma_wait3A_66 : memref<1x128xi32, #tpu.memory_space<vmem>> -> memref<128xi32, #tpu.memory_space<vmem>>
      %dma_wait3A_68 = arith.constant 0 : i32
      %dma_wait3A_69 = arith.constant 0 : i32
      %dma_wait3A_70 = tpu.memref_slice %arg2[%dma_wait3A_68, %dma_wait3A_69] : memref<102400x128xf32, #tpu.memory_space<hbm>> -> memref<102400x128xf32, #tpu.memory_space<hbm>>
      tpu.wait_indirect_dma semaphore(%arg13 : memref<!tpu.dma_semaphore, #tpu.memory_space<semaphore_mem>>) src(%dma_wait3A_70 : memref<102400x128xf32, #tpu.memory_space<hbm>>) dst(%arg6 : memref<128x128xf32, #tpu.memory_space<vmem>>)
      %add3A_71 = arith.constant 0 : i32
      %add3A_72 = arith.addi %add3A_71, %add3A_11 : i32
      %dma_start3A_73 = arith.constant 0 : i32
      %dma_start3A_74 = tpu.memref_slice %arg4[%add3A_72, %dma_start3A_73] : memref<716800x128xf32, #tpu.memory_space<hbm>> -> memref<128x128xf32, #tpu.memory_space<hbm>>
      %dma_start3A_75 = arith.constant 0 : i32
      %dma_start3A_76 = tpu.memref_slice %arg4[%add3A_72, %dma_start3A_75] : memref<716800x128xf32, #tpu.memory_space<hbm>> -> memref<128x128xf32, #tpu.memory_space<hbm>>
      tpu.enqueue_dma source(%arg6 : memref<128x128xf32, #tpu.memory_space<vmem>>) target(%dma_start3A_76 : memref<128x128xf32, #tpu.memory_space<hbm>>) target_semaphore(%arg20 : memref<!tpu.dma_semaphore, #tpu.memory_space<semaphore_mem>>)
      %dma_wait3A_77 = arith.constant 1 : i32
      %dma_wait3A_78 = arith.constant 0 : i32
      %dma_wait3A_79 = tpu.memref_slice %arg5[%dma_wait3A_77, %dma_wait3A_78] : memref<8x128xi32, #tpu.memory_space<vmem>> -> memref<1x128xi32, #tpu.memory_space<vmem>>
      %dma_wait3A_80 = tpu.memref_squeeze %dma_wait3A_79 : memref<1x128xi32, #tpu.memory_space<vmem>> -> memref<128xi32, #tpu.memory_space<vmem>>
      %dma_wait3A_81 = arith.constant 0 : i32
      %dma_wait3A_82 = arith.constant 0 : i32
      %dma_wait3A_83 = tpu.memref_slice %arg2[%dma_wait3A_81, %dma_wait3A_82] : memref<102400x128xf32, #tpu.memory_space<hbm>> -> memref<102400x128xf32, #tpu.memory_space<hbm>>
      tpu.wait_indirect_dma semaphore(%arg14 : memref<!tpu.dma_semaphore, #tpu.memory_space<semaphore_mem>>) src(%dma_wait3A_83 : memref<102400x128xf32, #tpu.memory_space<hbm>>) dst(%arg7 : memref<128x128xf32, #tpu.memory_space<vmem>>)
      %add3A_84 = arith.constant 102400 : i32
      %add3A_85 = arith.addi %add3A_84, %add3A_11 : i32
      %dma_start3A_86 = arith.constant 0 : i32
      %dma_start3A_87 = tpu.memref_slice %arg4[%add3A_85, %dma_start3A_86] : memref<716800x128xf32, #tpu.memory_space<hbm>> -> memref<128x128xf32, #tpu.memory_space<hbm>>
      %dma_start3A_88 = arith.constant 0 : i32
      %dma_start3A_89 = tpu.memref_slice %arg4[%add3A_85, %dma_start3A_88] : memref<716800x128xf32, #tpu.memory_space<hbm>> -> memref<128x128xf32, #tpu.memory_space<hbm>>
      tpu.enqueue_dma source(%arg7 : memref<128x128xf32, #tpu.memory_space<vmem>>) target(%dma_start3A_89 : memref<128x128xf32, #tpu.memory_space<hbm>>) target_semaphore(%arg21 : memref<!tpu.dma_semaphore, #tpu.memory_space<semaphore_mem>>)
      %dma_wait3A_90 = arith.constant 2 : i32
      %dma_wait3A_91 = arith.constant 0 : i32
      %dma_wait3A_92 = tpu.memref_slice %arg5[%dma_wait3A_90, %dma_wait3A_91] : memref<8x128xi32, #tpu.memory_space<vmem>> -> memref<1x128xi32, #tpu.memory_space<vmem>>
      %dma_wait3A_93 = tpu.memref_squeeze %dma_wait3A_92 : memref<1x128xi32, #tpu.memory_space<vmem>> -> memref<128xi32, #tpu.memory_space<vmem>>
      %dma_wait3A_94 = arith.constant 0 : i32
      %dma_wait3A_95 = arith.constant 0 : i32
      %dma_wait3A_96 = tpu.memref_slice %arg2[%dma_wait3A_94, %dma_wait3A_95] : memref<102400x128xf32, #tpu.memory_space<hbm>> -> memref<102400x128xf32, #tpu.memory_space<hbm>>
      tpu.wait_indirect_dma semaphore(%arg15 : memref<!tpu.dma_semaphore, #tpu.memory_space<semaphore_mem>>) src(%dma_wait3A_96 : memref<102400x128xf32, #tpu.memory_space<hbm>>) dst(%arg8 : memref<128x128xf32, #tpu.memory_space<vmem>>)
      %add3A_97 = arith.constant 204800 : i32
      %add3A_98 = arith.addi %add3A_97, %add3A_11 : i32
      %dma_start3A_99 = arith.constant 0 : i32
      %dma_start3A_100 = tpu.memref_slice %arg4[%add3A_98, %dma_start3A_99] : memref<716800x128xf32, #tpu.memory_space<hbm>> -> memref<128x128xf32, #tpu.memory_space<hbm>>
      %dma_start3A_101 = arith.constant 0 : i32
      %dma_start3A_102 = tpu.memref_slice %arg4[%add3A_98, %dma_start3A_101] : memref<716800x128xf32, #tpu.memory_space<hbm>> -> memref<128x128xf32, #tpu.memory_space<hbm>>
      tpu.enqueue_dma source(%arg8 : memref<128x128xf32, #tpu.memory_space<vmem>>) target(%dma_start3A_102 : memref<128x128xf32, #tpu.memory_space<hbm>>) target_semaphore(%arg22 : memref<!tpu.dma_semaphore, #tpu.memory_space<semaphore_mem>>)
      %dma_wait3A_103 = arith.constant 3 : i32
      %dma_wait3A_104 = arith.constant 0 : i32
      %dma_wait3A_105 = tpu.memref_slice %arg5[%dma_wait3A_103, %dma_wait3A_104] : memref<8x128xi32, #tpu.memory_space<vmem>> -> memref<1x128xi32, #tpu.memory_space<vmem>>
      %dma_wait3A_106 = tpu.memref_squeeze %dma_wait3A_105 : memref<1x128xi32, #tpu.memory_space<vmem>> -> memref<128xi32, #tpu.memory_space<vmem>>
      %dma_wait3A_107 = arith.constant 0 : i32
      %dma_wait3A_108 = arith.constant 0 : i32
      %dma_wait3A_109 = tpu.memref_slice %arg2[%dma_wait3A_107, %dma_wait3A_108] : memref<102400x128xf32, #tpu.memory_space<hbm>> -> memref<102400x128xf32, #tpu.memory_space<hbm>>
      tpu.wait_indirect_dma semaphore(%arg16 : memref<!tpu.dma_semaphore, #tpu.memory_space<semaphore_mem>>) src(%dma_wait3A_109 : memref<102400x128xf32, #tpu.memory_space<hbm>>) dst(%arg9 : memref<128x128xf32, #tpu.memory_space<vmem>>)
      %add3A_110 = arith.constant 307200 : i32
      %add3A_111 = arith.addi %add3A_110, %add3A_11 : i32
      %dma_start3A_112 = arith.constant 0 : i32
      %dma_start3A_113 = tpu.memref_slice %arg4[%add3A_111, %dma_start3A_112] : memref<716800x128xf32, #tpu.memory_space<hbm>> -> memref<128x128xf32, #tpu.memory_space<hbm>>
      %dma_start3A_114 = arith.constant 0 : i32
      %dma_start3A_115 = tpu.memref_slice %arg4[%add3A_111, %dma_start3A_114] : memref<716800x128xf32, #tpu.memory_space<hbm>> -> memref<128x128xf32, #tpu.memory_space<hbm>>
      tpu.enqueue_dma source(%arg9 : memref<128x128xf32, #tpu.memory_space<vmem>>) target(%dma_start3A_115 : memref<128x128xf32, #tpu.memory_space<hbm>>) target_semaphore(%arg23 : memref<!tpu.dma_semaphore, #tpu.memory_space<semaphore_mem>>)
      %dma_wait3A_116 = arith.constant 4 : i32
      %dma_wait3A_117 = arith.constant 0 : i32
      %dma_wait3A_118 = tpu.memref_slice %arg5[%dma_wait3A_116, %dma_wait3A_117] : memref<8x128xi32, #tpu.memory_space<vmem>> -> memref<1x128xi32, #tpu.memory_space<vmem>>
      %dma_wait3A_119 = tpu.memref_squeeze %dma_wait3A_118 : memref<1x128xi32, #tpu.memory_space<vmem>> -> memref<128xi32, #tpu.memory_space<vmem>>
      %dma_wait3A_120 = arith.constant 0 : i32
      %dma_wait3A_121 = arith.constant 0 : i32
      %dma_wait3A_122 = tpu.memref_slice %arg2[%dma_wait3A_120, %dma_wait3A_121] : memref<102400x128xf32, #tpu.memory_space<hbm>> -> memref<102400x128xf32, #tpu.memory_space<hbm>>
      tpu.wait_indirect_dma semaphore(%arg17 : memref<!tpu.dma_semaphore, #tpu.memory_space<semaphore_mem>>) src(%dma_wait3A_122 : memref<102400x128xf32, #tpu.memory_space<hbm>>) dst(%arg10 : memref<128x128xf32, #tpu.memory_space<vmem>>)
      %add3A_123 = arith.constant 409600 : i32
      %add3A_124 = arith.addi %add3A_123, %add3A_11 : i32
      %dma_start3A_125 = arith.constant 0 : i32
      %dma_start3A_126 = tpu.memref_slice %arg4[%add3A_124, %dma_start3A_125] : memref<716800x128xf32, #tpu.memory_space<hbm>> -> memref<128x128xf32, #tpu.memory_space<hbm>>
      %dma_start3A_127 = arith.constant 0 : i32
      %dma_start3A_128 = tpu.memref_slice %arg4[%add3A_124, %dma_start3A_127] : memref<716800x128xf32, #tpu.memory_space<hbm>> -> memref<128x128xf32, #tpu.memory_space<hbm>>
      tpu.enqueue_dma source(%arg10 : memref<128x128xf32, #tpu.memory_space<vmem>>) target(%dma_start3A_128 : memref<128x128xf32, #tpu.memory_space<hbm>>) target_semaphore(%arg24 : memref<!tpu.dma_semaphore, #tpu.memory_space<semaphore_mem>>)
      %dma_wait3A_129 = arith.constant 5 : i32
      %dma_wait3A_130 = arith.constant 0 : i32
      %dma_wait3A_131 = tpu.memref_slice %arg5[%dma_wait3A_129, %dma_wait3A_130] : memref<8x128xi32, #tpu.memory_space<vmem>> -> memref<1x128xi32, #tpu.memory_space<vmem>>
      %dma_wait3A_132 = tpu.memref_squeeze %dma_wait3A_131 : memref<1x128xi32, #tpu.memory_space<vmem>> -> memref<128xi32, #tpu.memory_space<vmem>>
      %dma_wait3A_133 = arith.constant 0 : i32
      %dma_wait3A_134 = arith.constant 0 : i32
      %dma_wait3A_135 = tpu.memref_slice %arg2[%dma_wait3A_133, %dma_wait3A_134] : memref<102400x128xf32, #tpu.memory_space<hbm>> -> memref<102400x128xf32, #tpu.memory_space<hbm>>
      tpu.wait_indirect_dma semaphore(%arg18 : memref<!tpu.dma_semaphore, #tpu.memory_space<semaphore_mem>>) src(%dma_wait3A_135 : memref<102400x128xf32, #tpu.memory_space<hbm>>) dst(%arg11 : memref<128x128xf32, #tpu.memory_space<vmem>>)
      %add3A_136 = arith.constant 512000 : i32
      %add3A_137 = arith.addi %add3A_136, %add3A_11 : i32
      %dma_start3A_138 = arith.constant 0 : i32
      %dma_start3A_139 = tpu.memref_slice %arg4[%add3A_137, %dma_start3A_138] : memref<716800x128xf32, #tpu.memory_space<hbm>> -> memref<128x128xf32, #tpu.memory_space<hbm>>
      %dma_start3A_140 = arith.constant 0 : i32
      %dma_start3A_141 = tpu.memref_slice %arg4[%add3A_137, %dma_start3A_140] : memref<716800x128xf32, #tpu.memory_space<hbm>> -> memref<128x128xf32, #tpu.memory_space<hbm>>
      tpu.enqueue_dma source(%arg11 : memref<128x128xf32, #tpu.memory_space<vmem>>) target(%dma_start3A_141 : memref<128x128xf32, #tpu.memory_space<hbm>>) target_semaphore(%arg25 : memref<!tpu.dma_semaphore, #tpu.memory_space<semaphore_mem>>)
      %dma_wait3A_142 = arith.constant 6 : i32
      %dma_wait3A_143 = arith.constant 0 : i32
      %dma_wait3A_144 = tpu.memref_slice %arg5[%dma_wait3A_142, %dma_wait3A_143] : memref<8x128xi32, #tpu.memory_space<vmem>> -> memref<1x128xi32, #tpu.memory_space<vmem>>
      %dma_wait3A_145 = tpu.memref_squeeze %dma_wait3A_144 : memref<1x128xi32, #tpu.memory_space<vmem>> -> memref<128xi32, #tpu.memory_space<vmem>>
      %dma_wait3A_146 = arith.constant 0 : i32
      %dma_wait3A_147 = arith.constant 0 : i32
      %dma_wait3A_148 = tpu.memref_slice %arg2[%dma_wait3A_146, %dma_wait3A_147] : memref<102400x128xf32, #tpu.memory_space<hbm>> -> memref<102400x128xf32, #tpu.memory_space<hbm>>
      tpu.wait_indirect_dma semaphore(%arg19 : memref<!tpu.dma_semaphore, #tpu.memory_space<semaphore_mem>>) src(%dma_wait3A_148 : memref<102400x128xf32, #tpu.memory_space<hbm>>) dst(%arg12 : memref<128x128xf32, #tpu.memory_space<vmem>>)
      %add3A_149 = arith.constant 614400 : i32
      %add3A_150 = arith.addi %add3A_149, %add3A_11 : i32
      %dma_start3A_151 = arith.constant 0 : i32
      %dma_start3A_152 = tpu.memref_slice %arg4[%add3A_150, %dma_start3A_151] : memref<716800x128xf32, #tpu.memory_space<hbm>> -> memref<128x128xf32, #tpu.memory_space<hbm>>
      %dma_start3A_153 = arith.constant 0 : i32
      %dma_start3A_154 = tpu.memref_slice %arg4[%add3A_150, %dma_start3A_153] : memref<716800x128xf32, #tpu.memory_space<hbm>> -> memref<128x128xf32, #tpu.memory_space<hbm>>
      tpu.enqueue_dma source(%arg12 : memref<128x128xf32, #tpu.memory_space<vmem>>) target(%dma_start3A_154 : memref<128x128xf32, #tpu.memory_space<hbm>>) target_semaphore(%arg26 : memref<!tpu.dma_semaphore, #tpu.memory_space<semaphore_mem>>)
      %dma_wait3A_155 = arith.constant 0 : i32
      %dma_wait3A_156 = tpu.memref_slice %arg4[%add3A_72, %dma_wait3A_155] : memref<716800x128xf32, #tpu.memory_space<hbm>> -> memref<128x128xf32, #tpu.memory_space<hbm>>
      %dma_wait3A_157 = arith.constant 0 : i32
      %dma_wait3A_158 = tpu.memref_slice %arg4[%add3A_72, %dma_wait3A_157] : memref<716800x128xf32, #tpu.memory_space<hbm>> -> memref<128x128xf32, #tpu.memory_space<hbm>>
      tpu.wait_dma2 semaphore(%arg20 : memref<!tpu.dma_semaphore, #tpu.memory_space<semaphore_mem>>) src(%arg6 : memref<128x128xf32, #tpu.memory_space<vmem>>) dst(%dma_wait3A_158 : memref<128x128xf32, #tpu.memory_space<hbm>>)
      %dma_wait3A_159 = arith.constant 0 : i32
      %dma_wait3A_160 = tpu.memref_slice %arg4[%add3A_85, %dma_wait3A_159] : memref<716800x128xf32, #tpu.memory_space<hbm>> -> memref<128x128xf32, #tpu.memory_space<hbm>>
      %dma_wait3A_161 = arith.constant 0 : i32
      %dma_wait3A_162 = tpu.memref_slice %arg4[%add3A_85, %dma_wait3A_161] : memref<716800x128xf32, #tpu.memory_space<hbm>> -> memref<128x128xf32, #tpu.memory_space<hbm>>
      tpu.wait_dma2 semaphore(%arg21 : memref<!tpu.dma_semaphore, #tpu.memory_space<semaphore_mem>>) src(%arg7 : memref<128x128xf32, #tpu.memory_space<vmem>>) dst(%dma_wait3A_162 : memref<128x128xf32, #tpu.memory_space<hbm>>)
      %dma_wait3A_163 = arith.constant 0 : i32
      %dma_wait3A_164 = tpu.memref_slice %arg4[%add3A_98, %dma_wait3A_163] : memref<716800x128xf32, #tpu.memory_space<hbm>> -> memref<128x128xf32, #tpu.memory_space<hbm>>
      %dma_wait3A_165 = arith.constant 0 : i32
      %dma_wait3A_166 = tpu.memref_slice %arg4[%add3A_98, %dma_wait3A_165] : memref<716800x128xf32, #tpu.memory_space<hbm>> -> memref<128x128xf32, #tpu.memory_space<hbm>>
      tpu.wait_dma2 semaphore(%arg22 : memref<!tpu.dma_semaphore, #tpu.memory_space<semaphore_mem>>) src(%arg8 : memref<128x128xf32, #tpu.memory_space<vmem>>) dst(%dma_wait3A_166 : memref<128x128xf32, #tpu.memory_space<hbm>>)
      %dma_wait3A_167 = arith.constant 0 : i32
      %dma_wait3A_168 = tpu.memref_slice %arg4[%add3A_111, %dma_wait3A_167] : memref<716800x128xf32, #tpu.memory_space<hbm>> -> memref<128x128xf32, #tpu.memory_space<hbm>>
      %dma_wait3A_169 = arith.constant 0 : i32
      %dma_wait3A_170 = tpu.memref_slice %arg4[%add3A_111, %dma_wait3A_169] : memref<716800x128xf32, #tpu.memory_space<hbm>> -> memref<128x128xf32, #tpu.memory_space<hbm>>
      tpu.wait_dma2 semaphore(%arg23 : memref<!tpu.dma_semaphore, #tpu.memory_space<semaphore_mem>>) src(%arg9 : memref<128x128xf32, #tpu.memory_space<vmem>>) dst(%dma_wait3A_170 : memref<128x128xf32, #tpu.memory_space<hbm>>)
      %dma_wait3A_171 = arith.constant 0 : i32
      %dma_wait3A_172 = tpu.memref_slice %arg4[%add3A_124, %dma_wait3A_171] : memref<716800x128xf32, #tpu.memory_space<hbm>> -> memref<128x128xf32, #tpu.memory_space<hbm>>
      %dma_wait3A_173 = arith.constant 0 : i32
      %dma_wait3A_174 = tpu.memref_slice %arg4[%add3A_124, %dma_wait3A_173] : memref<716800x128xf32, #tpu.memory_space<hbm>> -> memref<128x128xf32, #tpu.memory_space<hbm>>
      tpu.wait_dma2 semaphore(%arg24 : memref<!tpu.dma_semaphore, #tpu.memory_space<semaphore_mem>>) src(%arg10 : memref<128x128xf32, #tpu.memory_space<vmem>>) dst(%dma_wait3A_174 : memref<128x128xf32, #tpu.memory_space<hbm>>)
      %dma_wait3A_175 = arith.constant 0 : i32
      %dma_wait3A_176 = tpu.memref_slice %arg4[%add3A_137, %dma_wait3A_175] : memref<716800x128xf32, #tpu.memory_space<hbm>> -> memref<128x128xf32, #tpu.memory_space<hbm>>
      %dma_wait3A_177 = arith.constant 0 : i32
      %dma_wait3A_178 = tpu.memref_slice %arg4[%add3A_137, %dma_wait3A_177] : memref<716800x128xf32, #tpu.memory_space<hbm>> -> memref<128x128xf32, #tpu.memory_space<hbm>>
      tpu.wait_dma2 semaphore(%arg25 : memref<!tpu.dma_semaphore, #tpu.memory_space<semaphore_mem>>) src(%arg11 : memref<128x128xf32, #tpu.memory_space<vmem>>) dst(%dma_wait3A_178 : memref<128x128xf32, #tpu.memory_space<hbm>>)
      %dma_wait3A_179 = arith.constant 0 : i32
      %dma_wait3A_180 = tpu.memref_slice %arg4[%add3A_150, %dma_wait3A_179] : memref<716800x128xf32, #tpu.memory_space<hbm>> -> memref<128x128xf32, #tpu.memory_space<hbm>>
      %dma_wait3A_181 = arith.constant 0 : i32
      %dma_wait3A_182 = tpu.memref_slice %arg4[%add3A_150, %dma_wait3A_181] : memref<716800x128xf32, #tpu.memory_space<hbm>> -> memref<128x128xf32, #tpu.memory_space<hbm>>
      tpu.wait_dma2 semaphore(%arg26 : memref<!tpu.dma_semaphore, #tpu.memory_space<semaphore_mem>>) src(%arg12 : memref<128x128xf32, #tpu.memory_space<vmem>>) dst(%dma_wait3A_182 : memref<128x128xf32, #tpu.memory_space<hbm>>)
    }
    %scan3A_7 = arith.constant 25 : i32
    return
  }
}

module attributes {stable_mosaic.version = 14 : i64} {
  func.func @_mm_stats_body(%arg0: i32, %arg1: memref<7x512x128xf32, #tpu.memory_space<vmem>>, %arg2: memref<3x3x128x128xf32, #tpu.memory_space<vmem>>, %arg3: memref<3x512x128xbf16, #tpu.memory_space<vmem>>, %arg4: memref<6x128xf32, #tpu.memory_space<vmem>>, %arg5: memref<6x128xf32, #tpu.memory_space<vmem>>) attributes {dimension_semantics = [#tpu.dimension_semantics<arbitrary>], iteration_bounds = array<i64: 200>, scalar_prefetch = 0 : i64, scratch_operands = 1 : i64, tpu.core_type = #tpu.core_type<tc>, window_params = [{transform_indices = @transform_0, window_bounds = array<i64: 7, 512, 128>}, {pipeline_mode = #tpu.pipeline_mode<synchronous>, transform_indices = @transform_1, window_bounds = array<i64: 3, 3, 128, 128>}, {transform_indices = @transform_2, window_bounds = array<i64: 3, 512, 128>}, {pipeline_mode = #tpu.pipeline_mode<synchronous>, transform_indices = @transform_3, window_bounds = array<i64: 6, 128>}]} {
    %eq3A = arith.constant 0 : i32
    %eq3A_0 = arith.cmpi eq, %arg0, %eq3A : i32
    %convert_element_type3A = arith.extui %eq3A_0 : i1 to i32
    %cond3A = arith.constant 0 : i32
    %cond3A_1 = arith.cmpi ne, %convert_element_type3A, %cond3A : i32
    scf.if %cond3A_1 {
      %broadcast_in_dim3A_229 = arith.constant 0.000000e+00 : f32
      %broadcast_in_dim3A_230 = vector.broadcast %broadcast_in_dim3A_229 : f32 to vector<6x128xf32>
      %swap3A_231 = arith.constant 0 : index
      %swap3A_232 = arith.constant 0 : index
      %swap3A_233 = vector.load %arg5[%swap3A_231, %swap3A_232] : memref<6x128xf32, #tpu.memory_space<vmem>>, vector<6x128xf32>
      tpu.vector_store %arg5[%swap3A_231, %swap3A_232], %broadcast_in_dim3A_230 {strides = array<i32>} : memref<6x128xf32, #tpu.memory_space<vmem>>, vector<6x128xf32>,
    } else {
    }
    %broadcast_in_dim3A = arith.constant 0.000000e+00 : f32
    %broadcast_in_dim3A_2 = vector.broadcast %broadcast_in_dim3A : f32 to vector<512x128xf32>
    %get3A = arith.constant 0 : index
    %get3A_3 = arith.constant 0 : index
    %get3A_4 = arith.constant 0 : index
    %get3A_5 = vector.load %arg1[%get3A, %get3A_3, %get3A_4] : memref<7x512x128xf32, #tpu.memory_space<vmem>>, vector<1x512x128xf32>
    %get3A_6 = vector.shape_cast %get3A_5 : vector<1x512x128xf32> to vector<512x128xf32>
    %get3A_7 = arith.constant 0 : index
    %get3A_8 = arith.constant 0 : index
    %get3A_9 = arith.constant 0 : index
    %get3A_10 = arith.constant 0 : index
    %get3A_11 = vector.load %arg2[%get3A_7, %get3A_8, %get3A_9, %get3A_10] : memref<3x3x128x128xf32, #tpu.memory_space<vmem>>, vector<1x1x128x128xf32>
    %get3A_12 = vector.shape_cast %get3A_11 : vector<1x1x128x128xf32> to vector<128x128xf32>
    %dot_general3A = arith.constant dense<0.000000e+00> : vector<512x128xf32>
    %dot_general3A_13 = tpu.matmul %get3A_6, %get3A_12, %dot_general3A {dimension_numbers = #tpu.dot_dimension_numbers<[1], [0], [0], [1], [0, 0, 1, 1], [], []>, transpose_lhs_hint = false} : vector<512x128xf32>, vector<128x128xf32>, vector<512x128xf32> -> vector<512x128xf32>
    %add3A = arith.addf %broadcast_in_dim3A_2, %dot_general3A_13 : vector<512x128xf32>
    %get3A_14 = arith.constant 6 : index
    %get3A_15 = arith.constant 0 : index
    %get3A_16 = arith.constant 0 : index
    %get3A_17 = vector.load %arg1[%get3A_14, %get3A_15, %get3A_16] : memref<7x512x128xf32, #tpu.memory_space<vmem>>, vector<1x512x128xf32>
    %get3A_18 = vector.shape_cast %get3A_17 : vector<1x512x128xf32> to vector<512x128xf32>
    %get3A_19 = arith.constant 0 : index
    %get3A_20 = arith.constant 1 : index
    %get3A_21 = arith.constant 0 : index
    %get3A_22 = arith.constant 0 : index
    %get3A_23 = vector.load %arg2[%get3A_19, %get3A_20, %get3A_21, %get3A_22] : memref<3x3x128x128xf32, #tpu.memory_space<vmem>>, vector<1x1x128x128xf32>
    %get3A_24 = vector.shape_cast %get3A_23 : vector<1x1x128x128xf32> to vector<128x128xf32>
    %dot_general3A_25 = arith.constant dense<0.000000e+00> : vector<512x128xf32>
    %dot_general3A_26 = tpu.matmul %get3A_18, %get3A_24, %dot_general3A_25 {dimension_numbers = #tpu.dot_dimension_numbers<[1], [0], [0], [1], [0, 0, 1, 1], [], []>, transpose_lhs_hint = false} : vector<512x128xf32>, vector<128x128xf32>, vector<512x128xf32> -> vector<512x128xf32>
    %add3A_27 = arith.addf %add3A, %dot_general3A_26 : vector<512x128xf32>
    %get3A_28 = arith.constant 1 : index
    %get3A_29 = arith.constant 0 : index
    %get3A_30 = arith.constant 0 : index
    %get3A_31 = vector.load %arg1[%get3A_28, %get3A_29, %get3A_30] : memref<7x512x128xf32, #tpu.memory_space<vmem>>, vector<1x512x128xf32>
    %get3A_32 = vector.shape_cast %get3A_31 : vector<1x512x128xf32> to vector<512x128xf32>
    %get3A_33 = arith.constant 0 : index
    %get3A_34 = arith.constant 2 : index
    %get3A_35 = arith.constant 0 : index
    %get3A_36 = arith.constant 0 : index
    %get3A_37 = vector.load %arg2[%get3A_33, %get3A_34, %get3A_35, %get3A_36] : memref<3x3x128x128xf32, #tpu.memory_space<vmem>>, vector<1x1x128x128xf32>
    %get3A_38 = vector.shape_cast %get3A_37 : vector<1x1x128x128xf32> to vector<128x128xf32>
    %dot_general3A_39 = arith.constant dense<0.000000e+00> : vector<512x128xf32>
    %dot_general3A_40 = tpu.matmul %get3A_32, %get3A_38, %dot_general3A_39 {dimension_numbers = #tpu.dot_dimension_numbers<[1], [0], [0], [1], [0, 0, 1, 1], [], []>, transpose_lhs_hint = false} : vector<512x128xf32>, vector<128x128xf32>, vector<512x128xf32> -> vector<512x128xf32>
    %add3A_41 = arith.addf %add3A_27, %dot_general3A_40 : vector<512x128xf32>
    %convert_element_type3A_42 = arith.truncf %add3A_41 : vector<512x128xf32> to vector<512x128xbf16>
    %swap3A = arith.constant 0 : index
    %swap3A_43 = arith.constant 0 : index
    %swap3A_44 = arith.constant 0 : index
    %swap3A_45 = vector.load %arg3[%swap3A, %swap3A_43, %swap3A_44] : memref<3x512x128xbf16, #tpu.memory_space<vmem>>, vector<1x512x128xbf16>
    %swap3A_46 = vector.shape_cast %swap3A_45 : vector<1x512x128xbf16> to vector<512x128xbf16>
    %swap3A_47 = vector.shape_cast %convert_element_type3A_42 : vector<512x128xbf16> to vector<1x512x128xbf16>
    tpu.vector_store %arg3[%swap3A, %swap3A_43, %swap3A_44], %swap3A_47 {strides = array<i32>} : memref<3x512x128xbf16, #tpu.memory_space<vmem>>, vector<1x512x128xbf16>,
    %get3A_48 = arith.constant 0 : index
    %get3A_49 = arith.constant 0 : index
    %get3A_50 = vector.load %arg5[%get3A_48, %get3A_49] : memref<6x128xf32, #tpu.memory_space<vmem>>, vector<1x128xf32>
    %get3A_51 = vector.shape_cast %get3A_50 : vector<1x128xf32> to vector<128xf32>
    %reduce_sum3A = arith.constant dense<0.000000e+00> : vector<128xf32>
    %reduce_sum3A_52 = vector.multi_reduction <add>, %add3A_41, %reduce_sum3A [0] : vector<512x128xf32> to vector<128xf32>
    %add3A_53 = arith.addf %get3A_51, %reduce_sum3A_52 : vector<128xf32>
    %swap3A_54 = arith.constant 0 : index
    %swap3A_55 = arith.constant 0 : index
    %swap3A_56 = vector.load %arg5[%swap3A_54, %swap3A_55] : memref<6x128xf32, #tpu.memory_space<vmem>>, vector<1x128xf32>
    %swap3A_57 = vector.shape_cast %swap3A_56 : vector<1x128xf32> to vector<128xf32>
    %swap3A_58 = vector.shape_cast %add3A_53 : vector<128xf32> to vector<1x128xf32>
    tpu.vector_store %arg5[%swap3A_54, %swap3A_55], %swap3A_58 {strides = array<i32>} : memref<6x128xf32, #tpu.memory_space<vmem>>, vector<1x128xf32>,
    %get3A_59 = arith.constant 1 : index
    %get3A_60 = arith.constant 0 : index
    %get3A_61 = vector.load %arg5[%get3A_59, %get3A_60] : memref<6x128xf32, #tpu.memory_space<vmem>>, vector<1x128xf32>
    %get3A_62 = vector.shape_cast %get3A_61 : vector<1x128xf32> to vector<128xf32>
    %mul3A = arith.mulf %add3A_41, %add3A_41 : vector<512x128xf32>
    %reduce_sum3A_63 = arith.constant dense<0.000000e+00> : vector<128xf32>
    %reduce_sum3A_64 = vector.multi_reduction <add>, %mul3A, %reduce_sum3A_63 [0] : vector<512x128xf32> to vector<128xf32>
    %add3A_65 = arith.addf %get3A_62, %reduce_sum3A_64 : vector<128xf32>
    %swap3A_66 = arith.constant 1 : index
    %swap3A_67 = arith.constant 0 : index
    %swap3A_68 = vector.load %arg5[%swap3A_66, %swap3A_67] : memref<6x128xf32, #tpu.memory_space<vmem>>, vector<1x128xf32>
    %swap3A_69 = vector.shape_cast %swap3A_68 : vector<1x128xf32> to vector<128xf32>
    %swap3A_70 = vector.shape_cast %add3A_65 : vector<128xf32> to vector<1x128xf32>
    tpu.vector_store %arg5[%swap3A_66, %swap3A_67], %swap3A_70 {strides = array<i32>} : memref<6x128xf32, #tpu.memory_space<vmem>>, vector<1x128xf32>,
    %broadcast_in_dim3A_71 = arith.constant 0.000000e+00 : f32
    %broadcast_in_dim3A_72 = vector.broadcast %broadcast_in_dim3A_71 : f32 to vector<512x128xf32>
    %get3A_73 = arith.constant 2 : index
    %get3A_74 = arith.constant 0 : index
    %get3A_75 = arith.constant 0 : index
    %get3A_76 = vector.load %arg1[%get3A_73, %get3A_74, %get3A_75] : memref<7x512x128xf32, #tpu.memory_space<vmem>>, vector<1x512x128xf32>
    %get3A_77 = vector.shape_cast %get3A_76 : vector<1x512x128xf32> to vector<512x128xf32>
    %get3A_78 = arith.constant 1 : index
    %get3A_79 = arith.constant 0 : index
    %get3A_80 = arith.constant 0 : index
    %get3A_81 = arith.constant 0 : index
    %get3A_82 = vector.load %arg2[%get3A_78, %get3A_79, %get3A_80, %get3A_81] : memref<3x3x128x128xf32, #tpu.memory_space<vmem>>, vector<1x1x128x128xf32>
    %get3A_83 = vector.shape_cast %get3A_82 : vector<1x1x128x128xf32> to vector<128x128xf32>
    %dot_general3A_84 = arith.constant dense<0.000000e+00> : vector<512x128xf32>
    %dot_general3A_85 = tpu.matmul %get3A_77, %get3A_83, %dot_general3A_84 {dimension_numbers = #tpu.dot_dimension_numbers<[1], [0], [0], [1], [0, 0, 1, 1], [], []>, transpose_lhs_hint = false} : vector<512x128xf32>, vector<128x128xf32>, vector<512x128xf32> -> vector<512x128xf32>
    %add3A_86 = arith.addf %broadcast_in_dim3A_72, %dot_general3A_85 : vector<512x128xf32>
    %get3A_87 = arith.constant 6 : index
    %get3A_88 = arith.constant 0 : index
    %get3A_89 = arith.constant 0 : index
    %get3A_90 = vector.load %arg1[%get3A_87, %get3A_88, %get3A_89] : memref<7x512x128xf32, #tpu.memory_space<vmem>>, vector<1x512x128xf32>
    %get3A_91 = vector.shape_cast %get3A_90 : vector<1x512x128xf32> to vector<512x128xf32>
    %get3A_92 = arith.constant 1 : index
    %get3A_93 = arith.constant 1 : index
    %get3A_94 = arith.constant 0 : index
    %get3A_95 = arith.constant 0 : index
    %get3A_96 = vector.load %arg2[%get3A_92, %get3A_93, %get3A_94, %get3A_95] : memref<3x3x128x128xf32, #tpu.memory_space<vmem>>, vector<1x1x128x128xf32>
    %get3A_97 = vector.shape_cast %get3A_96 : vector<1x1x128x128xf32> to vector<128x128xf32>
    %dot_general3A_98 = arith.constant dense<0.000000e+00> : vector<512x128xf32>
    %dot_general3A_99 = tpu.matmul %get3A_91, %get3A_97, %dot_general3A_98 {dimension_numbers = #tpu.dot_dimension_numbers<[1], [0], [0], [1], [0, 0, 1, 1], [], []>, transpose_lhs_hint = false} : vector<512x128xf32>, vector<128x128xf32>, vector<512x128xf32> -> vector<512x128xf32>
    %add3A_100 = arith.addf %add3A_86, %dot_general3A_99 : vector<512x128xf32>
    %get3A_101 = arith.constant 3 : index
    %get3A_102 = arith.constant 0 : index
    %get3A_103 = arith.constant 0 : index
    %get3A_104 = vector.load %arg1[%get3A_101, %get3A_102, %get3A_103] : memref<7x512x128xf32, #tpu.memory_space<vmem>>, vector<1x512x128xf32>
    %get3A_105 = vector.shape_cast %get3A_104 : vector<1x512x128xf32> to vector<512x128xf32>
    %get3A_106 = arith.constant 1 : index
    %get3A_107 = arith.constant 2 : index
    %get3A_108 = arith.constant 0 : index
    %get3A_109 = arith.constant 0 : index
    %get3A_110 = vector.load %arg2[%get3A_106, %get3A_107, %get3A_108, %get3A_109] : memref<3x3x128x128xf32, #tpu.memory_space<vmem>>, vector<1x1x128x128xf32>
    %get3A_111 = vector.shape_cast %get3A_110 : vector<1x1x128x128xf32> to vector<128x128xf32>
    %dot_general3A_112 = arith.constant dense<0.000000e+00> : vector<512x128xf32>
    %dot_general3A_113 = tpu.matmul %get3A_105, %get3A_111, %dot_general3A_112 {dimension_numbers = #tpu.dot_dimension_numbers<[1], [0], [0], [1], [0, 0, 1, 1], [], []>, transpose_lhs_hint = false} : vector<512x128xf32>, vector<128x128xf32>, vector<512x128xf32> -> vector<512x128xf32>
    %add3A_114 = arith.addf %add3A_100, %dot_general3A_113 : vector<512x128xf32>
    %convert_element_type3A_115 = arith.truncf %add3A_114 : vector<512x128xf32> to vector<512x128xbf16>
    %swap3A_116 = arith.constant 1 : index
    %swap3A_117 = arith.constant 0 : index
    %swap3A_118 = arith.constant 0 : index
    %swap3A_119 = vector.load %arg3[%swap3A_116, %swap3A_117, %swap3A_118] : memref<3x512x128xbf16, #tpu.memory_space<vmem>>, vector<1x512x128xbf16>
    %swap3A_120 = vector.shape_cast %swap3A_119 : vector<1x512x128xbf16> to vector<512x128xbf16>
    %swap3A_121 = vector.shape_cast %convert_element_type3A_115 : vector<512x128xbf16> to vector<1x512x128xbf16>
    tpu.vector_store %arg3[%swap3A_116, %swap3A_117, %swap3A_118], %swap3A_121 {strides = array<i32>} : memref<3x512x128xbf16, #tpu.memory_space<vmem>>, vector<1x512x128xbf16>,
    %get3A_122 = arith.constant 2 : index
    %get3A_123 = arith.constant 0 : index
    %get3A_124 = vector.load %arg5[%get3A_122, %get3A_123] : memref<6x128xf32, #tpu.memory_space<vmem>>, vector<1x128xf32>
    %get3A_125 = vector.shape_cast %get3A_124 : vector<1x128xf32> to vector<128xf32>
    %reduce_sum3A_126 = arith.constant dense<0.000000e+00> : vector<128xf32>
    %reduce_sum3A_127 = vector.multi_reduction <add>, %add3A_114, %reduce_sum3A_126 [0] : vector<512x128xf32> to vector<128xf32>
    %add3A_128 = arith.addf %get3A_125, %reduce_sum3A_127 : vector<128xf32>
    %swap3A_129 = arith.constant 2 : index
    %swap3A_130 = arith.constant 0 : index
    %swap3A_131 = vector.load %arg5[%swap3A_129, %swap3A_130] : memref<6x128xf32, #tpu.memory_space<vmem>>, vector<1x128xf32>
    %swap3A_132 = vector.shape_cast %swap3A_131 : vector<1x128xf32> to vector<128xf32>
    %swap3A_133 = vector.shape_cast %add3A_128 : vector<128xf32> to vector<1x128xf32>
    tpu.vector_store %arg5[%swap3A_129, %swap3A_130], %swap3A_133 {strides = array<i32>} : memref<6x128xf32, #tpu.memory_space<vmem>>, vector<1x128xf32>,
    %get3A_134 = arith.constant 3 : index
    %get3A_135 = arith.constant 0 : index
    %get3A_136 = vector.load %arg5[%get3A_134, %get3A_135] : memref<6x128xf32, #tpu.memory_space<vmem>>, vector<1x128xf32>
    %get3A_137 = vector.shape_cast %get3A_136 : vector<1x128xf32> to vector<128xf32>
    %mul3A_138 = arith.mulf %add3A_114, %add3A_114 : vector<512x128xf32>
    %reduce_sum3A_139 = arith.constant dense<0.000000e+00> : vector<128xf32>
    %reduce_sum3A_140 = vector.multi_reduction <add>, %mul3A_138, %reduce_sum3A_139 [0] : vector<512x128xf32> to vector<128xf32>
    %add3A_141 = arith.addf %get3A_137, %reduce_sum3A_140 : vector<128xf32>
    %swap3A_142 = arith.constant 3 : index
    %swap3A_143 = arith.constant 0 : index
    %swap3A_144 = vector.load %arg5[%swap3A_142, %swap3A_143] : memref<6x128xf32, #tpu.memory_space<vmem>>, vector<1x128xf32>
    %swap3A_145 = vector.shape_cast %swap3A_144 : vector<1x128xf32> to vector<128xf32>
    %swap3A_146 = vector.shape_cast %add3A_141 : vector<128xf32> to vector<1x128xf32>
    tpu.vector_store %arg5[%swap3A_142, %swap3A_143], %swap3A_146 {strides = array<i32>} : memref<6x128xf32, #tpu.memory_space<vmem>>, vector<1x128xf32>,
    %broadcast_in_dim3A_147 = arith.constant 0.000000e+00 : f32
    %broadcast_in_dim3A_148 = vector.broadcast %broadcast_in_dim3A_147 : f32 to vector<512x128xf32>
    %get3A_149 = arith.constant 4 : index
    %get3A_150 = arith.constant 0 : index
    %get3A_151 = arith.constant 0 : index
    %get3A_152 = vector.load %arg1[%get3A_149, %get3A_150, %get3A_151] : memref<7x512x128xf32, #tpu.memory_space<vmem>>, vector<1x512x128xf32>
    %get3A_153 = vector.shape_cast %get3A_152 : vector<1x512x128xf32> to vector<512x128xf32>
    %get3A_154 = arith.constant 2 : index
    %get3A_155 = arith.constant 0 : index
    %get3A_156 = arith.constant 0 : index
    %get3A_157 = arith.constant 0 : index
    %get3A_158 = vector.load %arg2[%get3A_154, %get3A_155, %get3A_156, %get3A_157] : memref<3x3x128x128xf32, #tpu.memory_space<vmem>>, vector<1x1x128x128xf32>
    %get3A_159 = vector.shape_cast %get3A_158 : vector<1x1x128x128xf32> to vector<128x128xf32>
    %dot_general3A_160 = arith.constant dense<0.000000e+00> : vector<512x128xf32>
    %dot_general3A_161 = tpu.matmul %get3A_153, %get3A_159, %dot_general3A_160 {dimension_numbers = #tpu.dot_dimension_numbers<[1], [0], [0], [1], [0, 0, 1, 1], [], []>, transpose_lhs_hint = false} : vector<512x128xf32>, vector<128x128xf32>, vector<512x128xf32> -> vector<512x128xf32>
    %add3A_162 = arith.addf %broadcast_in_dim3A_148, %dot_general3A_161 : vector<512x128xf32>
    %get3A_163 = arith.constant 6 : index
    %get3A_164 = arith.constant 0 : index
    %get3A_165 = arith.constant 0 : index
    %get3A_166 = vector.load %arg1[%get3A_163, %get3A_164, %get3A_165] : memref<7x512x128xf32, #tpu.memory_space<vmem>>, vector<1x512x128xf32>
    %get3A_167 = vector.shape_cast %get3A_166 : vector<1x512x128xf32> to vector<512x128xf32>
    %get3A_168 = arith.constant 2 : index
    %get3A_169 = arith.constant 1 : index
    %get3A_170 = arith.constant 0 : index
    %get3A_171 = arith.constant 0 : index
    %get3A_172 = vector.load %arg2[%get3A_168, %get3A_169, %get3A_170, %get3A_171] : memref<3x3x128x128xf32, #tpu.memory_space<vmem>>, vector<1x1x128x128xf32>
    %get3A_173 = vector.shape_cast %get3A_172 : vector<1x1x128x128xf32> to vector<128x128xf32>
    %dot_general3A_174 = arith.constant dense<0.000000e+00> : vector<512x128xf32>
    %dot_general3A_175 = tpu.matmul %get3A_167, %get3A_173, %dot_general3A_174 {dimension_numbers = #tpu.dot_dimension_numbers<[1], [0], [0], [1], [0, 0, 1, 1], [], []>, transpose_lhs_hint = false} : vector<512x128xf32>, vector<128x128xf32>, vector<512x128xf32> -> vector<512x128xf32>
    %add3A_176 = arith.addf %add3A_162, %dot_general3A_175 : vector<512x128xf32>
    %get3A_177 = arith.constant 5 : index
    %get3A_178 = arith.constant 0 : index
    %get3A_179 = arith.constant 0 : index
    %get3A_180 = vector.load %arg1[%get3A_177, %get3A_178, %get3A_179] : memref<7x512x128xf32, #tpu.memory_space<vmem>>, vector<1x512x128xf32>
    %get3A_181 = vector.shape_cast %get3A_180 : vector<1x512x128xf32> to vector<512x128xf32>
    %get3A_182 = arith.constant 2 : index
    %get3A_183 = arith.constant 2 : index
    %get3A_184 = arith.constant 0 : index
    %get3A_185 = arith.constant 0 : index
    %get3A_186 = vector.load %arg2[%get3A_182, %get3A_183, %get3A_184, %get3A_185] : memref<3x3x128x128xf32, #tpu.memory_space<vmem>>, vector<1x1x128x128xf32>
    %get3A_187 = vector.shape_cast %get3A_186 : vector<1x1x128x128xf32> to vector<128x128xf32>
    %dot_general3A_188 = arith.constant dense<0.000000e+00> : vector<512x128xf32>
    %dot_general3A_189 = tpu.matmul %get3A_181, %get3A_187, %dot_general3A_188 {dimension_numbers = #tpu.dot_dimension_numbers<[1], [0], [0], [1], [0, 0, 1, 1], [], []>, transpose_lhs_hint = false} : vector<512x128xf32>, vector<128x128xf32>, vector<512x128xf32> -> vector<512x128xf32>
    %add3A_190 = arith.addf %add3A_176, %dot_general3A_189 : vector<512x128xf32>
    %convert_element_type3A_191 = arith.truncf %add3A_190 : vector<512x128xf32> to vector<512x128xbf16>
    %swap3A_192 = arith.constant 2 : index
    %swap3A_193 = arith.constant 0 : index
    %swap3A_194 = arith.constant 0 : index
    %swap3A_195 = vector.load %arg3[%swap3A_192, %swap3A_193, %swap3A_194] : memref<3x512x128xbf16, #tpu.memory_space<vmem>>, vector<1x512x128xbf16>
    %swap3A_196 = vector.shape_cast %swap3A_195 : vector<1x512x128xbf16> to vector<512x128xbf16>
    %swap3A_197 = vector.shape_cast %convert_element_type3A_191 : vector<512x128xbf16> to vector<1x512x128xbf16>
    tpu.vector_store %arg3[%swap3A_192, %swap3A_193, %swap3A_194], %swap3A_197 {strides = array<i32>} : memref<3x512x128xbf16, #tpu.memory_space<vmem>>, vector<1x512x128xbf16>,
    %get3A_198 = arith.constant 4 : index
    %get3A_199 = arith.constant 0 : index
    %get3A_200 = vector.load %arg5[%get3A_198, %get3A_199] : memref<6x128xf32, #tpu.memory_space<vmem>>, vector<1x128xf32>
    %get3A_201 = vector.shape_cast %get3A_200 : vector<1x128xf32> to vector<128xf32>
    %reduce_sum3A_202 = arith.constant dense<0.000000e+00> : vector<128xf32>
    %reduce_sum3A_203 = vector.multi_reduction <add>, %add3A_190, %reduce_sum3A_202 [0] : vector<512x128xf32> to vector<128xf32>
    %add3A_204 = arith.addf %get3A_201, %reduce_sum3A_203 : vector<128xf32>
    %swap3A_205 = arith.constant 4 : index
    %swap3A_206 = arith.constant 0 : index
    %swap3A_207 = vector.load %arg5[%swap3A_205, %swap3A_206] : memref<6x128xf32, #tpu.memory_space<vmem>>, vector<1x128xf32>
    %swap3A_208 = vector.shape_cast %swap3A_207 : vector<1x128xf32> to vector<128xf32>
    %swap3A_209 = vector.shape_cast %add3A_204 : vector<128xf32> to vector<1x128xf32>
    tpu.vector_store %arg5[%swap3A_205, %swap3A_206], %swap3A_209 {strides = array<i32>} : memref<6x128xf32, #tpu.memory_space<vmem>>, vector<1x128xf32>,
    %get3A_210 = arith.constant 5 : index
    %get3A_211 = arith.constant 0 : index
    %get3A_212 = vector.load %arg5[%get3A_210, %get3A_211] : memref<6x128xf32, #tpu.memory_space<vmem>>, vector<1x128xf32>
    %get3A_213 = vector.shape_cast %get3A_212 : vector<1x128xf32> to vector<128xf32>
    %mul3A_214 = arith.mulf %add3A_190, %add3A_190 : vector<512x128xf32>
    %reduce_sum3A_215 = arith.constant dense<0.000000e+00> : vector<128xf32>
    %reduce_sum3A_216 = vector.multi_reduction <add>, %mul3A_214, %reduce_sum3A_215 [0] : vector<512x128xf32> to vector<128xf32>
    %add3A_217 = arith.addf %get3A_213, %reduce_sum3A_216 : vector<128xf32>
    %swap3A_218 = arith.constant 5 : index
    %swap3A_219 = arith.constant 0 : index
    %swap3A_220 = vector.load %arg5[%swap3A_218, %swap3A_219] : memref<6x128xf32, #tpu.memory_space<vmem>>, vector<1x128xf32>
    %swap3A_221 = vector.shape_cast %swap3A_220 : vector<1x128xf32> to vector<128xf32>
    %swap3A_222 = vector.shape_cast %add3A_217 : vector<128xf32> to vector<1x128xf32>
    tpu.vector_store %arg5[%swap3A_218, %swap3A_219], %swap3A_222 {strides = array<i32>} : memref<6x128xf32, #tpu.memory_space<vmem>>, vector<1x128xf32>,
    %get3A_223 = arith.constant 0 : index
    %get3A_224 = arith.constant 0 : index
    %get3A_225 = vector.load %arg5[%get3A_223, %get3A_224] : memref<6x128xf32, #tpu.memory_space<vmem>>, vector<6x128xf32>
    %swap3A_226 = arith.constant 0 : index
    %swap3A_227 = arith.constant 0 : index
    %swap3A_228 = vector.load %arg4[%swap3A_226, %swap3A_227] : memref<6x128xf32, #tpu.memory_space<vmem>>, vector<6x128xf32>
    tpu.vector_store %arg4[%swap3A_226, %swap3A_227], %get3A_225 {strides = array<i32>} : memref<6x128xf32, #tpu.memory_space<vmem>>, vector<6x128xf32>,
    return
  }
  func.func @transform_0(%arg0: i32) -> (i32, i32, i32) {
    %c0_i32 = arith.constant 0 : i32
    %c0_i32_0 = arith.constant 0 : i32
    %c0_i32_1 = arith.constant 0 : i32
    return %c0_i32, %arg0, %c0_i32_0 : i32, i32, i32
  }
  func.func @transform_1(%arg0: i32) -> (i32, i32, i32, i32) {
    %c0_i32 = arith.constant 0 : i32
    %c0_i32_0 = arith.constant 0 : i32
    %c0_i32_1 = arith.constant 0 : i32
    %c0_i32_2 = arith.constant 0 : i32
    %c0_i32_3 = arith.constant 0 : i32
    return %c0_i32, %c0_i32_0, %c0_i32_1, %c0_i32_2 : i32, i32, i32, i32
  }
  func.func @transform_2(%arg0: i32) -> (i32, i32, i32) {
    %c0_i32 = arith.constant 0 : i32
    %c0_i32_0 = arith.constant 0 : i32
    %c0_i32_1 = arith.constant 0 : i32
    return %c0_i32, %arg0, %c0_i32_0 : i32, i32, i32
  }
  func.func @transform_3(%arg0: i32) -> (i32, i32) {
    %c0_i32 = arith.constant 0 : i32
    %c0_i32_0 = arith.constant 0 : i32
    %c0_i32_1 = arith.constant 0 : i32
    return %c0_i32, %c0_i32_0 : i32, i32
  }
}

module attributes {stable_mosaic.version = 14 : i64} {
  func.func @_finalize_body(%arg0: i32, %arg1: memref<3x1000x128xbf16, #tpu.memory_space<vmem>>, %arg2: memref<6x128xf32, #tpu.memory_space<vmem>>, %arg3: memref<1000x128xf32, #tpu.memory_space<vmem>>, %arg4: memref<1xf32, #tpu.memory_space<smem>>, %arg5: memref<1000x128xf32, #tpu.memory_space<vmem>>) attributes {dimension_semantics = [#tpu.dimension_semantics<arbitrary>], iteration_bounds = array<i64: 100>, scalar_prefetch = 0 : i64, scratch_operands = 0 : i64, tpu.core_type = #tpu.core_type<tc>, window_params = [{transform_indices = @transform_0, window_bounds = array<i64: 3, 1000, 128>}, {pipeline_mode = #tpu.pipeline_mode<synchronous>, transform_indices = @transform_1, window_bounds = array<i64: 6, 128>}, {transform_indices = @transform_2, window_bounds = array<i64: 1000, 128>}, {transform_indices = @transform_3, window_bounds = array<i64: 1>}, {transform_indices = @transform_4, window_bounds = array<i64: 1000, 128>}]} {
    %get3A = arith.constant 0 : index
    %get3A_0 = memref.load %arg4[%get3A] : memref<1xf32, #tpu.memory_space<smem>>
    %broadcast_in_dim3A = arith.constant 0.000000e+00 : f32
    %broadcast_in_dim3A_1 = vector.broadcast %broadcast_in_dim3A : f32 to vector<1000x128xf32>
    %get3A_2 = arith.constant 0 : index
    %get3A_3 = arith.constant 0 : index
    %get3A_4 = vector.load %arg2[%get3A_2, %get3A_3] : memref<6x128xf32, #tpu.memory_space<vmem>>, vector<1x128xf32>
    %get3A_5 = vector.shape_cast %get3A_4 : vector<1x128xf32> to vector<128xf32>
    %mul3A = vector.broadcast %get3A_0 : f32 to vector<128xf32>
    %mul3A_6 = arith.mulf %get3A_5, %mul3A : vector<128xf32>
    %get3A_7 = arith.constant 1 : index
    %get3A_8 = arith.constant 0 : index
    %get3A_9 = vector.load %arg2[%get3A_7, %get3A_8] : memref<6x128xf32, #tpu.memory_space<vmem>>, vector<1x128xf32>
    %get3A_10 = vector.shape_cast %get3A_9 : vector<1x128xf32> to vector<128xf32>
    %mul3A_11 = vector.broadcast %get3A_0 : f32 to vector<128xf32>
    %mul3A_12 = arith.mulf %get3A_10, %mul3A_11 : vector<128xf32>
    %mul3A_13 = arith.mulf %mul3A_6, %mul3A_6 : vector<128xf32>
    %sub3A = arith.subf %mul3A_12, %mul3A_13 : vector<128xf32>
    %add3A = arith.constant 9.99999974E-6 : f32
    %add3A_14 = vector.broadcast %add3A : f32 to vector<128xf32>
    %add3A_15 = arith.addf %sub3A, %add3A_14 : vector<128xf32>
    %sqrt3A = math.sqrt %add3A_15 : vector<128xf32>
    %div3A = arith.constant 1.000000e+00 : f32
    %div3A_16 = vector.broadcast %div3A : f32 to vector<128xf32>
    %div3A_17 = arith.divf %div3A_16, %sqrt3A : vector<128xf32>
    %get3A_18 = arith.constant 0 : index
    %get3A_19 = arith.constant 0 : index
    %get3A_20 = arith.constant 0 : index
    %get3A_21 = vector.load %arg1[%get3A_18, %get3A_19, %get3A_20] : memref<3x1000x128xbf16, #tpu.memory_space<vmem>>, vector<1x1000x128xbf16>
    %get3A_22 = vector.shape_cast %get3A_21 : vector<1x1000x128xbf16> to vector<1000x128xbf16>
    %convert_element_type3A = arith.extf %get3A_22 : vector<1000x128xbf16> to vector<1000x128xf32>
    %broadcast_in_dim3A_23 = vector.shape_cast %mul3A_6 : vector<128xf32> to vector<1x128xf32>
    %sub3A_24 = vector.broadcast %broadcast_in_dim3A_23 : vector<1x128xf32> to vector<1000x128xf32>
    %sub3A_25 = arith.subf %convert_element_type3A, %sub3A_24 : vector<1000x128xf32>
    %broadcast_in_dim3A_26 = vector.shape_cast %div3A_17 : vector<128xf32> to vector<1x128xf32>
    %mul3A_27 = vector.broadcast %broadcast_in_dim3A_26 : vector<1x128xf32> to vector<1000x128xf32>
    %mul3A_28 = arith.mulf %sub3A_25, %mul3A_27 : vector<1000x128xf32>
    %logistic3A = arith.negf %mul3A_28 : vector<1000x128xf32>
    %logistic3A_29 = math.exp %logistic3A : vector<1000x128xf32>
    %logistic3A_30 = arith.constant 1.000000e+00 : f32
    %logistic3A_31 = vector.broadcast %logistic3A_30 : f32 to vector<1000x128xf32>
    %logistic3A_32 = arith.addf %logistic3A_31, %logistic3A_29 : vector<1000x128xf32>
    %logistic3A_33 = arith.divf %logistic3A_31, %logistic3A_32 : vector<1000x128xf32>
    %add3A_34 = arith.addf %broadcast_in_dim3A_1, %logistic3A_33 : vector<1000x128xf32>
    %get3A_35 = arith.constant 2 : index
    %get3A_36 = arith.constant 0 : index
    %get3A_37 = vector.load %arg2[%get3A_35, %get3A_36] : memref<6x128xf32, #tpu.memory_space<vmem>>, vector<1x128xf32>
    %get3A_38 = vector.shape_cast %get3A_37 : vector<1x128xf32> to vector<128xf32>
    %mul3A_39 = vector.broadcast %get3A_0 : f32 to vector<128xf32>
    %mul3A_40 = arith.mulf %get3A_38, %mul3A_39 : vector<128xf32>
    %get3A_41 = arith.constant 3 : index
    %get3A_42 = arith.constant 0 : index
    %get3A_43 = vector.load %arg2[%get3A_41, %get3A_42] : memref<6x128xf32, #tpu.memory_space<vmem>>, vector<1x128xf32>
    %get3A_44 = vector.shape_cast %get3A_43 : vector<1x128xf32> to vector<128xf32>
    %mul3A_45 = vector.broadcast %get3A_0 : f32 to vector<128xf32>
    %mul3A_46 = arith.mulf %get3A_44, %mul3A_45 : vector<128xf32>
    %mul3A_47 = arith.mulf %mul3A_40, %mul3A_40 : vector<128xf32>
    %sub3A_48 = arith.subf %mul3A_46, %mul3A_47 : vector<128xf32>
    %add3A_49 = arith.constant 9.99999974E-6 : f32
    %add3A_50 = vector.broadcast %add3A_49 : f32 to vector<128xf32>
    %add3A_51 = arith.addf %sub3A_48, %add3A_50 : vector<128xf32>
    %sqrt3A_52 = math.sqrt %add3A_51 : vector<128xf32>
    %div3A_53 = arith.constant 1.000000e+00 : f32
    %div3A_54 = vector.broadcast %div3A_53 : f32 to vector<128xf32>
    %div3A_55 = arith.divf %div3A_54, %sqrt3A_52 : vector<128xf32>
    %get3A_56 = arith.constant 1 : index
    %get3A_57 = arith.constant 0 : index
    %get3A_58 = arith.constant 0 : index
    %get3A_59 = vector.load %arg1[%get3A_56, %get3A_57, %get3A_58] : memref<3x1000x128xbf16, #tpu.memory_space<vmem>>, vector<1x1000x128xbf16>
    %get3A_60 = vector.shape_cast %get3A_59 : vector<1x1000x128xbf16> to vector<1000x128xbf16>
    %convert_element_type3A_61 = arith.extf %get3A_60 : vector<1000x128xbf16> to vector<1000x128xf32>
    %broadcast_in_dim3A_62 = vector.shape_cast %mul3A_40 : vector<128xf32> to vector<1x128xf32>
    %sub3A_63 = vector.broadcast %broadcast_in_dim3A_62 : vector<1x128xf32> to vector<1000x128xf32>
    %sub3A_64 = arith.subf %convert_element_type3A_61, %sub3A_63 : vector<1000x128xf32>
    %broadcast_in_dim3A_65 = vector.shape_cast %div3A_55 : vector<128xf32> to vector<1x128xf32>
    %mul3A_66 = vector.broadcast %broadcast_in_dim3A_65 : vector<1x128xf32> to vector<1000x128xf32>
    %mul3A_67 = arith.mulf %sub3A_64, %mul3A_66 : vector<1000x128xf32>
    %logistic3A_68 = arith.negf %mul3A_67 : vector<1000x128xf32>
    %logistic3A_69 = math.exp %logistic3A_68 : vector<1000x128xf32>
    %logistic3A_70 = arith.constant 1.000000e+00 : f32
    %logistic3A_71 = vector.broadcast %logistic3A_70 : f32 to vector<1000x128xf32>
    %logistic3A_72 = arith.addf %logistic3A_71, %logistic3A_69 : vector<1000x128xf32>
    %logistic3A_73 = arith.divf %logistic3A_71, %logistic3A_72 : vector<1000x128xf32>
    %add3A_74 = arith.addf %add3A_34, %logistic3A_73 : vector<1000x128xf32>
    %get3A_75 = arith.constant 4 : index
    %get3A_76 = arith.constant 0 : index
    %get3A_77 = vector.load %arg2[%get3A_75, %get3A_76] : memref<6x128xf32, #tpu.memory_space<vmem>>, vector<1x128xf32>
    %get3A_78 = vector.shape_cast %get3A_77 : vector<1x128xf32> to vector<128xf32>
    %mul3A_79 = vector.broadcast %get3A_0 : f32 to vector<128xf32>
    %mul3A_80 = arith.mulf %get3A_78, %mul3A_79 : vector<128xf32>
    %get3A_81 = arith.constant 5 : index
    %get3A_82 = arith.constant 0 : index
    %get3A_83 = vector.load %arg2[%get3A_81, %get3A_82] : memref<6x128xf32, #tpu.memory_space<vmem>>, vector<1x128xf32>
    %get3A_84 = vector.shape_cast %get3A_83 : vector<1x128xf32> to vector<128xf32>
    %mul3A_85 = vector.broadcast %get3A_0 : f32 to vector<128xf32>
    %mul3A_86 = arith.mulf %get3A_84, %mul3A_85 : vector<128xf32>
    %mul3A_87 = arith.mulf %mul3A_80, %mul3A_80 : vector<128xf32>
    %sub3A_88 = arith.subf %mul3A_86, %mul3A_87 : vector<128xf32>
    %add3A_89 = arith.constant 9.99999974E-6 : f32
    %add3A_90 = vector.broadcast %add3A_89 : f32 to vector<128xf32>
    %add3A_91 = arith.addf %sub3A_88, %add3A_90 : vector<128xf32>
    %sqrt3A_92 = math.sqrt %add3A_91 : vector<128xf32>
    %div3A_93 = arith.constant 1.000000e+00 : f32
    %div3A_94 = vector.broadcast %div3A_93 : f32 to vector<128xf32>
    %div3A_95 = arith.divf %div3A_94, %sqrt3A_92 : vector<128xf32>
    %get3A_96 = arith.constant 2 : index
    %get3A_97 = arith.constant 0 : index
    %get3A_98 = arith.constant 0 : index
    %get3A_99 = vector.load %arg1[%get3A_96, %get3A_97, %get3A_98] : memref<3x1000x128xbf16, #tpu.memory_space<vmem>>, vector<1x1000x128xbf16>
    %get3A_100 = vector.shape_cast %get3A_99 : vector<1x1000x128xbf16> to vector<1000x128xbf16>
    %convert_element_type3A_101 = arith.extf %get3A_100 : vector<1000x128xbf16> to vector<1000x128xf32>
    %broadcast_in_dim3A_102 = vector.shape_cast %mul3A_80 : vector<128xf32> to vector<1x128xf32>
    %sub3A_103 = vector.broadcast %broadcast_in_dim3A_102 : vector<1x128xf32> to vector<1000x128xf32>
    %sub3A_104 = arith.subf %convert_element_type3A_101, %sub3A_103 : vector<1000x128xf32>
    %broadcast_in_dim3A_105 = vector.shape_cast %div3A_95 : vector<128xf32> to vector<1x128xf32>
    %mul3A_106 = vector.broadcast %broadcast_in_dim3A_105 : vector<1x128xf32> to vector<1000x128xf32>
    %mul3A_107 = arith.mulf %sub3A_104, %mul3A_106 : vector<1000x128xf32>
    %logistic3A_108 = arith.negf %mul3A_107 : vector<1000x128xf32>
    %logistic3A_109 = math.exp %logistic3A_108 : vector<1000x128xf32>
    %logistic3A_110 = arith.constant 1.000000e+00 : f32
    %logistic3A_111 = vector.broadcast %logistic3A_110 : f32 to vector<1000x128xf32>
    %logistic3A_112 = arith.addf %logistic3A_111, %logistic3A_109 : vector<1000x128xf32>
    %logistic3A_113 = arith.divf %logistic3A_111, %logistic3A_112 : vector<1000x128xf32>
    %add3A_114 = arith.addf %add3A_74, %logistic3A_113 : vector<1000x128xf32>
    %get3A_115 = arith.constant 0 : index
    %get3A_116 = arith.constant 0 : index
    %get3A_117 = vector.load %arg3[%get3A_115, %get3A_116] : memref<1000x128xf32, #tpu.memory_space<vmem>>, vector<1000x128xf32>
    %mul3A_118 = arith.mulf %add3A_114, %get3A_117 : vector<1000x128xf32>
    %swap3A = arith.constant 0 : index
    %swap3A_119 = arith.constant 0 : index
    %swap3A_120 = vector.load %arg5[%swap3A, %swap3A_119] : memref<1000x128xf32, #tpu.memory_space<vmem>>, vector<1000x128xf32>
    tpu.vector_store %arg5[%swap3A, %swap3A_119], %mul3A_118 {strides = array<i32>} : memref<1000x128xf32, #tpu.memory_space<vmem>>, vector<1000x128xf32>,
    return
  }
  func.func @transform_0(%arg0: i32) -> (i32, i32, i32) {
    %c0_i32 = arith.constant 0 : i32
    %c0_i32_0 = arith.constant 0 : i32
    %c0_i32_1 = arith.constant 0 : i32
    return %c0_i32, %arg0, %c0_i32_0 : i32, i32, i32
  }
  func.func @transform_1(%arg0: i32) -> (i32, i32) {
    %c0_i32 = arith.constant 0 : i32
    %c0_i32_0 = arith.constant 0 : i32
    %c0_i32_1 = arith.constant 0 : i32
    return %c0_i32, %c0_i32_0 : i32, i32
  }
  func.func @transform_2(%arg0: i32) -> (i32, i32) {
    %c0_i32 = arith.constant 0 : i32
    %c0_i32_0 = arith.constant 0 : i32
    return %arg0, %c0_i32 : i32, i32
  }
  func.func @transform_3(%arg0: i32) -> i32 {
    %c0_i32 = arith.constant 0 : i32
    %c0_i32_0 = arith.constant 0 : i32
    return %c0_i32 : i32
  }
  func.func @transform_4(%arg0: i32) -> (i32, i32) {
    %c0_i32 = arith.constant 0 : i32
    %c0_i32_0 = arith.constant 0 : i32
    return %arg0, %c0_i32 : i32, i32
  }
}

</mosaic_0001>

<sc_bundles>
// kernel: gather_offload_async_start.1
scs
__scs_entry_jumppad:
0x0: {  	(pc) =	sbr.rel $0x88, $3  }
0x1: {  	(tag) =	ssettag $0x0;
	lr =	simm.s32 $0x1  }
0x2: {  	[smem:$0x3F9C] =	sst lr;
	_ =	strace $0xD0000000  }
0x3: {  	_ = 	snop  }
0x4: {  	_ = 	snop  }
0x5: {  	_ = 	snop  }
0x6: {  	_ = 	snop  }
0x7: {  	_ = 	snop  }
__scs_overlays_trampoline_lowered:
0x8: {  	[smem:$0x3FAB] =	sst s0  }
0x9: {  	[smem:$0x3FAC] =	sst s1  }
0xa: {  	[smem:$0x3FAD] =	sst s2  }
0xb: {  	[smem:$0x3FAE] =	sst s3  }
0xc: {  	[smem:$0x3FAF] =	sst s4  }
0xd: {  	[smem:$0x3FB0] =	sst s5  }
0xe: {  	[smem:$0x3FB1] =	sst s6  }
0xf: {  	[smem:$0x3FB2] =	sst s7  }
0x10: {  	[smem:$0x3FB3] =	sst s8  }
0x11: {  	[smem:$0x3FB4] =	sst s9;
	s0 =	simm.s32 @!p0 $0x0  }
0x12: {  	s1 =	sld [smem:$0x3F9A];
	s0 =	simm.s32 @p0 $0x1  }
0x13: {  	[smem:$0x3FB5] =	sst s0;
	s0 =	simm.s32 @!p1 $0x0  }
0x14: {  	s2 =	sld [smem:$0x3F99];
	s0 =	simm.s32 @p1 $0x1  }
0x15: {  	[smem:$0x3FB6] =	sst s0;
	s0 =	simm.s32 @!p2 $0x0  }
0x16: {  	s3 =	sld [smem:$0x3FDB];
	s0 =	simm.s32 @p2 $0x1  }
0x17: {  	s4 =	simm.s32 $0x1BF5;
	[smem:$0x3FB8] =	sst s0  }
0x18: {  	s0 =	sld [smem:$0x3F9B];
	_ =	swait.ge [sflag:s4], $0x0  }
0x19: {  	s7 =	sld [smem:$0x3F9C]  }
0x1a: {  	s8 =	sadd.s32 $0xFFFFE003, lr  }
0x1b: {  	s9 =	sadd.s32 $0xFFFFFEF7, lr;
	s5 =	simm.s32 $0xFFFFFFFF;
	p2 =	slt.u32 s8, $0xFFFFF086  }
0x1c: {  	p1 =	slt.u32 s9, $0xF7A;
	s5 =	simm.s32 @!p2 $0x0  }
0x1d: {  	s5 =	simm.s32 @p1 $0x1;
	p0 =	seq.s32 s7, s2  }
0x1e: {  	s7 =	smul.u32 @!p0 $0xF7A, s2;
	p2 =	seq.s32 @!p0 s5, $0x0  }
0x1f: {  	s9 =	smul.u32 $0xF7A, s1;
	s8 =	simm.s32 @!p0 $0x1BF5;
	p2 =	por !p2, p0  }
0x20: {  	[sflag:s8] =	ssyncset.s32 @!p0 $0xFFFFF086;
	s6 =	sadd.s32 @!p0 s3, s7;
	s7 =	simm.s32 @!p0 $0x108  }
0x21: {  	s3 =	sadd.s32 s3, s9;
	s6 =	sadd.s32 @!p0 $0x88, s6;
	s7 =	simm.s32 @p2 $0x1082  }
0x22: {  	[simem:s7], [sflag:s8] =	dma.local @!p0 [hbm:s6], $0xF7A  }
0x23: {  	s9 =	sor.u32 $0xD0000000, s2;
	s6 =	simm.s32 $0x108;
	_ =	swait.ge @!p0 [sflag:s8], $0x0  }
0x24: {  	s3 =	sadd.s32 $0x88, s3;
	s6 =	simm.s32 @!p1 $0x1082;
	[sflag:s4] =	ssyncset.s32 $0xFFFFF086  }
0x25: {  	[simem:s6], [sflag:s4] =	dma.local [hbm:s3], $0xF7A  }
0x26: {  	[smem:$0x3F9C] =	sst s1;
	(tag) =	ssettag s2;
	_ =	strace s9  }
0x27: {  	s1 =	sld [smem:$0x3FAC]  }
0x28: {  	s2 =	sld [smem:$0x3FAD]  }
0x29: {  	s4 =	sld [smem:$0x3FAF]  }
0x2a: {  	p0 =	seq.s32 s5, $0x0;
	s5 =	sld [smem:$0x3FB0]  }
0x2b: {  	s6 =	sld [smem:$0x3FB1]  }
0x2c: {  	s7 =	sld [smem:$0x3FB2]  }
0x2d: {  	s3 =	simm.s32 $0x108;
	s8 =	sld [smem:$0x3FB3]  }
0x2e: {  	s3 =	simm.s32 @!p0 $0x1082;
	s9 =	sld [smem:$0x3FB4]  }
0x2f: {  	lr =	sadd.s32 s0, s3;
	s0 =	sld [smem:$0x3FAB]  }
0x30: {  	s3 =	sld [smem:$0x3FAE]  }
0x31: {  	[smem:$0x3FB7] =	sst s10  }
0x32: {  	s10 =	sld [smem:$0x3FB5];
	_ =	sdelay $0x3  }
0x33: {  	p0 =	seq.s32 s10, $0x1;
	s10 =	sld [smem:$0x3FB7];
	_ =	sdelay $0x3  }
0x34: {  	[smem:$0x3FB7] =	sst s10  }
0x35: {  	s10 =	sld [smem:$0x3FB6];
	_ =	sdelay $0x3  }
0x36: {  	p1 =	seq.s32 s10, $0x1;
	s10 =	sld [smem:$0x3FB7];
	_ =	sdelay $0x3  }
0x37: {  	[smem:$0x3FB7] =	sst s10  }
0x38: {  	s10 =	sld [smem:$0x3FB8]  }
0x39: {  	_ = 	snop;
	(pc) =	sbr.ind lr, $3  }
0x3a: {  	_ = 	snop  }
0x3b: {  	_ = 	snop  }
0x3c: {  	p2 =	seq.s32 s10, $0x1;
	s10 =	sld [smem:$0x3FB7]  }
0x3d: {  	_ =	shalt  }
0x3e: {  	_ =	shalt  }
0x3f: {  	_ =	shalt  }
0x40: {  	_ =	shalt  }
0x41: {  	_ =	shalt  }
0x42: {  	_ =	shalt  }
0x43: {  	_ =	shalt  }
0x44: {  	_ =	shalt  }
0x45: {  	_ =	shalt  }
0x46: {  	_ =	shalt  }
0x47: {  	_ =	shalt  }
0x48: {  	_ =	shalt  }
0x49: {  	_ =	shalt  }
0x4a: {  	_ =	shalt  }
0x4b: {  	_ =	shalt  }
0x4c: {  	_ =	shalt  }
0x4d: {  	_ =	shalt  }
0x4e: {  	_ =	shalt  }
0x4f: {  	_ =	shalt  }
0x50: {  	_ =	shalt  }
0x51: {  	_ =	shalt  }
0x52: {  	_ =	shalt  }
0x53: {  	_ =	shalt  }
0x54: {  	_ =	shalt  }
0x55: {  	_ =	shalt  }
0x56: {  	_ =	shalt  }
0x57: {  	_ =	shalt  }
0x58: {  	_ =	shalt  }
0x59: {  	_ =	shalt  }
0x5a: {  	_ =	shalt  }
0x5b: {  	_ =	shalt  }
0x5c: {  	_ =	shalt  }
0x5d: {  	_ =	shalt  }
0x5e: {  	_ =	shalt  }
0x5f: {  	_ =	shalt  }
0x60: {  	_ =	shalt  }
0x61: {  	_ =	shalt  }
0x62: {  	_ =	shalt  }
0x63: {  	_ =	shalt  }
0x64: {  	_ =	shalt  }
0x65: {  	_ =	shalt  }
0x66: {  	_ =	shalt  }
0x67: {  	_ =	shalt  }
0x68: {  	_ =	shalt  }
0x69: {  	_ =	shalt  }
0x6a: {  	_ =	shalt  }
0x6b: {  	_ =	shalt  }
0x6c: {  	_ =	shalt  }
0x6d: {  	_ =	shalt  }
0x6e: {  	_ =	shalt  }
0x6f: {  	_ =	shalt  }
0x70: {  	_ =	shalt  }
0x71: {  	_ =	shalt  }
0x72: {  	_ =	shalt  }
0x73: {  	_ =	shalt  }
0x74: {  	_ =	shalt  }
0x75: {  	_ =	shalt  }
0x76: {  	_ =	shalt  }
0x77: {  	_ =	shalt  }
0x78: {  	_ =	shalt  }
0x79: {  	_ =	shalt  }
0x7a: {  	_ =	shalt  }
0x7b: {  	_ =	shalt  }
0x7c: {  	_ =	shalt  }
0x7d: {  	_ =	shalt  }
0x7e: {  	_ =	shalt  }
0x7f: {  	_ =	shalt  }
0x80: {  	_ =	shalt  }
0x81: {  	_ =	shalt  }
0x82: {  	_ =	shalt  }
0x83: {  	_ =	shalt  }
0x84: {  	_ =	shalt  }
0x85: {  	_ =	shalt  }
0x86: {  	_ =	shalt  }
0x87: {  	_ =	shalt  }
.Lfunc_end0:
.L_simem_size_0:
called_computation.2_lowered:
.L_overlay_start_0:
0x88: {  	s2 =	sld [smem:$0x3FD9]  }
0x89: {  	s3 =	sld [smem:$0x3FFE];
	_ =	sdelay $0x1  }
0x8a: {  	s1 =	srdreg.scid  }
0x8b: {  	s0 =	sand.u32 $0x1, s1  }
0x8c: {  	s17 =	sshll.u32 s0, $0xA;
	s2 =	sadd.s32 s3, s2  }
0x8d: {  	s2 =	sadd.s32 s2, s17  }
0x8e: {  	[smem:$0x3FC3] =	sst s2  }
0x8f: {  	_ = 	snop  }
0x90: {  	s18 =	sld [smem:$0x3FD0];
	(tm) =	ssettm $0x1  }
0x91: {  	s19 =	sld [smem:$0x3FFB];
	_ =	sdelay $0x3  }
0x92: {  	_ =	strace s19  }
0x93: {  	s2 =	sld [smem:$0x3FFC];
	_ =	sdelay $0x3  }
0x94: {  	_ =	strace s2  }
0x95: {  	s2 =	sld [smem:$0x3FFD];
	_ =	sdelay $0x3  }
0x96: {  	_ =	strace s2  }
0x97: {  	_ =	strace $0x8FFFFFFF  }
0x98: {  	s20 =	sld [smem:$0x3FDB];
	_ =	sdelay $0x1  }
0x99: {  	s4 =	simm.s32 $_scs_section_size  }
0x9a: {  	s5 =	simm.s32 $_size__tile_overlayer_lowered;
	s6 =	simm.s32 $_tile_overlayer_lowered  }
0x9b: {  	s7 =	simm.s32 $0x1BFF;
	s21 =	sshll.u32 s6, $0x1;
	s4 =	sadd.s32 s4, s20  }
0x9c: {  	s22 =	simm.s32 $0x0;
	s5 =	sshll.u32 s5, $0x1;
	s6 =	sadd.s32 s21, s4  }
0x9d: {  	[timem:s22], [sflag:s7] =	dma.local [hbm:s6], s5  }
0x9e: {  	_ =	swait.ge [sflag:s7], s5  }
0x9f: {  	s5 =	ssub.s32 $0x0, s5;
	[sflag:s7] =	ssyncset.done $0x0  }
0xa0: {  	[sflag:s7] =	ssyncadd.s32 s5;
	_ =	sdelay $0x1  }
0xa1: {  	s23 =	simm.s32 $0x1B8B  }
0xa2: {  	_ =	swait.ge [sflag:s23], $0x1  }
0xa3: {  	[sflag:s23] =	ssyncset.done $0x0  }
0xa4: {  	[sflag:s23] =	ssyncadd.s32 $0xFFFFFFFF  }
0xa5: {  	s5 =	sld [smem:$0x0]  }
0xa6: {  	s6 =	sand.u32 $0xFFFFFFFE, s1  }
0xa7: {  	p0 =	sne.s32 s1, s6  }
0xa8: {  	s6 =	sshll.u32 @p0 s6, $0xE  }
0xa9: {  	s6 =	sadd.s32 @p0 $0x11B8D, s6;
	s7 =	sshll.u32 @p0 s5, $0x11  }
0xaa: {  	s6 =	sor.u32 @p0 s7, s6  }
0xab: {  	[sflag:s6] =	ssyncadd.remote.s32 @p0 $0x1;
	_ =	sdelay $0x1  }
0xac: {  	s6 =	simm.s32 @p0 $0x1B8D  }
0xad: {  	_ =	swait.eq @p0 [sflag:s6], $0x1  }
0xae: {  	[sflag:s6] =	ssyncadd.s32 @p0 $0xFFFFFFFF  }
0xaf: {  	s7 =	sshll.u32 @!p0 s1, $0xE  }
0xb0: {  	s7 =	sor.u32 @!p0 $0x4000, s7;
	s6 =	simm.s32 @!p0 $0x1B8D  }
0xb1: {  	s5 =	sshll.u32 @!p0 s5, $0x11;
	s7 =	sadd.s32 @!p0 $0x11B8D, s7;
	_ =	swait.eq @!p0 [sflag:s6], $0x1  }
0xb2: {  	s5 =	sor.u32 @!p0 s5, s7;
	[sflag:s6] =	ssyncadd.s32 @!p0 $0xFFFFFFFF  }
0xb3: {  	s25 =	simm.s32 $0x1B8E;
	s24 =	sld [smem:$0x3FFE];
	[sflag:s5] =	ssyncadd.remote.s32 @!p0 $0x1  }
0xb4: {  	s26 =	simm.s32 $execute0_lowered;
	[smem:$0x3FD2] =	sst s25  }
0xb5: {  	s6 =	sshll.u32 s26, $0x1;
	_ =	strace $0x8000005B;
	[dreg:$0x1] =	wrdreg $0xFFFFFFFF  }
0xb6: {  	s28 =	simm.s32 $_size_execute0_lowered;
	s4 =	sadd.s32 s4, s6;
	[dreg:$0x0] =	wrdreg $0x0  }
0xb7: {  	s6 =	sshll.u32 s28, $0x1;
	[dreg:$0x2] =	wrdreg s4  }
0xb8: {  	[dreg:$0x3] =	wrdreg s6  }
0xb9: {  	[dreg:$0x4] =	wrdreg $0xC0  }
0xba: {  	_ =	task [dreg:s22], $0x5FFFF  }
0xbb: {  	[dreg:$0x1] =	wrdreg $0xFFFFFFFF  }
0xbc: {  	[dreg:$0x0] =	wrdreg $0x60  }
0xbd: {  	[dreg:$0x2] =	wrdreg s18  }
0xbe: {  	[dreg:$0x3] =	wrdreg s24  }
0xbf: {  	[dreg:$0x4] =	wrdreg $0x9  }
0xc0: {  	_ =	task.clear_ibuf [dreg:s22], $0x5FFFF;
	_ =	strace $0x9000005B  }
0xc1: {  	s29 =	simm.s32 $0x9;
	_ =	strace $0x8000005D  }
0xc2: {  	_ =	swait.ge [sflag:s29], $0x1  }
0xc3: {  	[sflag:s29] =	ssyncadd.s32 $0xFFFFFFFF  }
0xc4: {  	_ =	strace $0x9000005D  }
0xc5: {  	_ =	sfence  }
0xc6: {  	s30 =	sld [smem:$0x0];
	_ =	sdelay $0x2  }
0xc7: {  	s31 =	sshll.u32 s1, $0xD;
	s1 =	sshrl.u32 s1, $0x2  }
0xc8: {  	s4 =	sand.u32 $0x4000, s31;
	s1 =	sadd.s32 s1, s30  }
0xc9: {  	s0 =	sor.u32 s4, s0;
	s1 =	sshll.u32 s1, $0x11  }
0xca: {  	s0 =	sor.u32 s1, s0  }
0xcb: {  	s0 =	sadd.s32 $0x8F2B, s0  }
0xcc: {  	[sflag:s0] =	ssyncadd.remote.s32 $0x1  }
0xcd: {  	_ =	sfence.sel $0xFFFF  }
0xce: {  	[dreg:$0x0] =	wrdreg $0xFFFFFFFF;
	(pc) =	sbr.abs _section_cstart, $3  }
0xcf: {  	[dreg:$0x1] =	wrdreg $0xFFFFFFFF  }
0xd0: {  	_ =	task.clear_ibuf [dreg:s22], $0x2FFFF;
	_ =	strace $0x9FFFFFFF  }
0xd1: {  	(tm) =	ssettm $0x7FFFFFFF  }
tec
execute0_lowered:
.L_overlay_start_1:
0x0: {  	(tag) =	ssettag $0x1  }
0x1: {  	s2 =	rddreg [dreg:$0x0]  }
0x2: {  	s8 =	rddreg [dreg:$0x1]  }
0x3: {  	s0 =	rddreg [dreg:$0x2];
	s1 =	stileid.u32  }
0x4: {  	s3 =	srdreg.scid;
	_ =	strace $0x8000005C;
	s4 =	simm.s32 $0x1  }
0x5: {  	s7 =	simm.s32 $0x1;
	s9 =	simm.s32 $0x1;
	s10 =	simm.s32 $0x3  }
0x6: {  	s13 =	simm.s32 $0x0;
	s5 =	sand.u32 $0x1, s3;
	s6 =	sshll.u32 s1, $0x1  }
0x7: {  	s12 =	simm.s32 $0x0;
	s3 =	sadd.s32 $0x12A00, s8;
	s5 =	sor.u32 s6, s5  }
.Ltmp0:
0x8: {  	[sflag:s4] =	ssyncpa.u1 $0x0;
	p0 =	slt.u32 s5, $0x13;
	(pc) =	sbr.rel .LBB2_1-.Ltmp0, $4  }
0x9: {  	s6 =	simm.s32 $0x2;
	s7 =	simm.s32 @!p0 $0x0;
	p0 =	sne.s32 s5, $0x12  }
0xa: {  	[sflag:s6] =	ssyncpa.u1 $0x0;
	s5 =	smul.u32 $0x7D0, s5;
	s9 =	simm.s32 @!p0 $0x0  }
0xb: {  	s8 =	sadd.s32 $0x1F200, s8;
	[sflag:s10] =	ssyncpa.u1 $0x0;
	s7 =	sadd.s32 s9, s7  }
0xc: {  	vm0 =	vmmov $0xffff;
	s10 =	simm.s32 $0x0;
	s11 =	smov.u32 s5;
	s9 =	sadd.s32 $0x1, s7  }
.LBB2_4:
0xd: {  	v2 =	vnsel vm1, $0x0, v2  }
0xe: {  	vm1 =	vgt.s32 v0, $0x0;
	v2 =	vmin.u32 v2, $0x3FFFF  }
0xf: {  	v0 =	vnsel vm1, $0x0, v0  }
0x10: {  	v0 =	vmin.u32 v0, $0x3FFFF  }
0x11: {  	[tilespmem:s18], [sflag:$0x1] =	stream.indirect_vreg.gather [hbm4b:s2+s10], $0x1, v1, vm0, $0x4038;
	[tilespmem:$0x1F40] =	vst v63  }
0x12: {  	(ifvalue) =	ssetifvalue $0x7FFFFFFF  }
0x13: {  	[tilespmem:s15], [sflag:$0x1] =	stream.indirect_vreg.gather [hbm4b:s2+s10], $0x1, v2, vm0, $0x4038;
	[tilespmem:$0x1F40] =	vst v63  }
0x14: {  	s29 =	sadd.s32 $0x10, s15;
	(ifvalue) =	ssetifvalue $0x7FFFFFFF  }
0x15: {  	[tilespmem:s29], [sflag:$0x1] =	stream.indirect_vreg.gather [hbm4b:s2+s10], $0x1, v0, vm0, $0x4038;
	[tilespmem:$0x1F40] =	vst v63  }
0x16: {  	_ =	swait.ge [sflag:s4], $0x7D0  }
0x17: {  	s30 =	sshrl.u32 s13, $0x3;
	[sflag:s4] =	ssyncset.done $0x0  }
0x18: {  	s31 =	sand.u32 $0x7, s13;
	s15 =	sadd.s32 s8, s30;
	[sflag:s4] =	ssyncadd.s32 $0xFFFFF830  }
0x19: {  	[hbm4b:s15+s31] =	stream.linear.scatter [tilespmem:s14], [sflag:$0x3], $0x7D0, $0x38;
	[tilespmem:$0x1F40] =	vst v63  }
.LBB2_5:
0x1a: {  	s15 =	sadd.s32 $0xFA00, s11  }
0x1b: {  	p1 =	sgt.s32 s15, $0x1869F  }
0x1c: {  	s15 =	smov.u32 @p1 s5;
	p1 =	sne.s32 s12, s9  }
.Ltmp1:
0x1d: {  	p0 =	slt.u32 s12, $0x2;
	(pc) =	sbr.rel @!p1 .LBB2_6-.Ltmp1, $4  }
0x1e: {  	s14 =	simm.s32 @!p0 $0x3  }
0x1f: {  	_ =	swait.ge @!p0 [sflag:s14], $0x7D0  }
0x20: {  	s16 =	sadd.s32 $0x1, s12;
	s13 =	smov.u32 s11;
	[sflag:s14] =	ssyncset.done @!p0 $0x0  }
0x21: {  	s12 =	smov.u32 s16;
	s11 =	smov.u32 s15;
	[sflag:s14] =	ssyncadd.s32 @!p0 $0xFFFFF830  }
.LBB2_1:
0x22: {  	p0 =	sge.u32 s12, s7  }
0x23: {  	s14 =	sxor.u32 @!p0 $0x1, s12  }
0x24: {  	s14 =	smul.u32 @!p0 $0x1F40, s14  }
0x25: {  	s31 =	sadd.s32 $0xFFFFFFFF, s12;
	s15 =	sshrl.u32 @!p0 s11, $0x3  }
0x26: {  	s16 =	sand.u32 @!p0 $0x7, s11;
	s15 =	sadd.s32 @!p0 s3, s15;
	s14 =	sshra.s32 @!p0 s14, $0x2  }
0x27: {  	[tilespmem:s14], [sflag:$0x2] =	stream.linear.gather @!p0 [hbm4b:s15+s16], $0x7D0, $0x38;
	[tilespmem:$0x1F40] =	vst v63  }
0x28: {  	p0 =	sge.u32 s31, s7  }
.Ltmp2:
0x29: {  	_ = 	snop;
	(pc) =	sbr.rel @p0 .LBB2_5-.Ltmp2, $1  }
0x2a: {  	_ =	sdelay $0x3  }
0x2b: {  	s14 =	sand.u32 $0x1, s12  }
0x2c: {  	_ =	swait.ge [sflag:s6], $0x7D0;
	p0 =	seq.s32 s14, $0x1;
	s14 =	simm.s32 $0x7D0  }
0x2d: {  	[sflag:s6] =	ssyncset.done $0x0;
	s14 =	simm.s32 @!p0 $0x0  }
0x2e: {  	[sflag:s6] =	ssyncadd.s32 $0xFFFFF830;
	(ifvalue) =	ssetifvalue $0x7FFFFFFF;
	v0 =	vld.msk [tilespmem:s14+$0x0 ss:$0x1], $0xffff;
	_ =	sdelay $0x4  }
0x2f: {  	s15 =	sadd.s32 $0x10, s14;
	vm1 =	vgt.s32 v0, $0x0  }
0x30: {  	v2 =	vld.msk [tilespmem:s15+$0x0 ss:$0x1], $0xffff;
	v1 =	vnsel vm1, $0x0, v0  }
0x31: {  	v1 =	vmin.u32 v1, $0x3FFFF;
	_ =	sdelay $0x2  }
0x32: {  	s17 =	simm.s32 $0x20;
	s14 =	sadd.s32 $0xFA0, s14;
	s16 =	sadd.s32 $0x10, s15  }
0x33: {  	s15 =	sadd.s32 $0x10, s14;
	s18 =	smov.u32 s14;
	v0 =	vld.msk [tilespmem:s16+$0x0 ss:$0x1], $0xffff;
	vm1 =	vgt.s32 v2, $0x0;
	(ifvalue) =	ssetifvalue $0x7FFFFFFF  }
.LBB2_3:
0x34: {  	[tilespmem:s18], [sflag:$0x1] =	stream.indirect_vreg.gather [hbm4b:s2+s10], $0x1, v1, vm0, $0x4038;
	[tilespmem:$0x1F40] =	vst v63  }
0x35: {  	s17 =	sadd.s32 $0x10, s17  }
0x36: {  	v2 =	vnsel vm1, $0x0, v2;
	p0 =	slt.u32 s17, $0x7C0  }
.Ltmp3:
0x37: {  	s18 =	smov.u32 s15;
	v1 =	vmin.u32 v2, $0x3FFFF;
	(pc) =	sbr.rel @p0 .LBB2_3-.Ltmp3, $3  }
0x38: {  	_ =	sdelay $0x1  }
0x39: {  	s16 =	sadd.s32 $0x10, s16  }
0x3a: {  	vm1 =	vgt.s32 v0, $0x0;
	s15 =	sadd.s32 $0x10, s15;
	v2 =	vmov v0;
	(ifvalue) =	ssetifvalue $0x7FFFFFFF;
	v0 =	vld.msk [tilespmem:s16+$0x0 ss:$0x1], $0xffff  }
.Ltmp4:
0x3b: {  	_ = 	snop;
	(pc) =	sbr.rel .LBB2_4-.Ltmp4, $1  }
0x3c: {  	_ =	sdelay $0x3  }
.LBB2_6:
0x3d: {  	_ =	sfence.sel $0x180000  }
0x3e: {  	s2 =	simm.s32 $0x2;
	[bflag:$0x0] =	sbarrier.arrive $0xFFFF  }
0x3f: {  	s30 =	simm.s32 $0x3;
	[sflag:s2] =	ssyncpa.u1 $0x1  }
0x40: {  	s31 =	simm.s32 $0x1;
	[sflag:s30] =	ssyncpa.u1 $0x1  }
0x41: {  	[sflag:s31] =	ssyncpa.u1 $0x1  }
0x42: {  	p0 =	sne.s32 s1, $0x0;
	_ =	strace $0x9000005C  }
0x43: {  	s0 =	sadd.s32 @!p0 $0x100000, s0;
	[bflag:$0x2] =	sbarrier.arrive $0xFFFF  }
0x44: {  	[sflag:s0] =	ssyncadd.tile.s32 @!p0 $0x1;
	_ =	shalt  }
.Lfunc_end2:
_tile_overlayer_lowered:
.L_overlay_start_2:
0x45: {  	(tag) =	ssettag $0x2  }
0x46: {  	s0 =	rddreg [dreg:$0x0];
	s2 =	stileid.u32  }
0x47: {  	s1 =	rddreg [dreg:$0x1];
	p0 =	sne.s32 s2, $0x0  }
0x48: {  	s3 =	rddreg [dreg:$0x2];
	[bflag:$0x3] =	sbarrier.arrive $0xFFFF;
	s2 =	simm.s32 @!p0 $0x1C01  }
0x49: {  	[timem:s3], [sflag:s2] =	dma.local @!p0 [hbm:s0], s1  }
0x4a: {  	s0 =	simm.s32 @!p0 $0x1  }
0x4b: {  	_ =	swait.ge @!p0 [sflag:s0], s1  }
0x4c: {  	s1 =	ssub.s32 @!p0 $0x0, s1;
	[sflag:s0] =	ssyncset.done @!p0 $0x0  }
0x4d: {  	[sflag:s0] =	ssyncadd.s32 @!p0 s1  }
0x4e: {  	[bflag:$0x3] =	sbarrier.arrive $0xFFFF  }
0x4f: {  	_ =	shalt  }

// kernel: gather_offload_async_start.2
scs
__scs_entry_jumppad:
0x0: {  	(pc) =	sbr.rel $0x88, $3  }
0x1: {  	(tag) =	ssettag $0x0;
	lr =	simm.s32 $0x1  }
0x2: {  	[smem:$0x3F9C] =	sst lr;
	_ =	strace $0xD0000000  }
0x3: {  	_ = 	snop  }
0x4: {  	_ = 	snop  }
0x5: {  	_ = 	snop  }
0x6: {  	_ = 	snop  }
0x7: {  	_ = 	snop  }
__scs_overlays_trampoline_lowered:
0x8: {  	[smem:$0x3FAB] =	sst s0  }
0x9: {  	[smem:$0x3FAC] =	sst s1  }
0xa: {  	[smem:$0x3FAD] =	sst s2  }
0xb: {  	[smem:$0x3FAE] =	sst s3  }
0xc: {  	[smem:$0x3FAF] =	sst s4  }
0xd: {  	[smem:$0x3FB0] =	sst s5  }
0xe: {  	[smem:$0x3FB1] =	sst s6  }
0xf: {  	[smem:$0x3FB2] =	sst s7  }
0x10: {  	[smem:$0x3FB3] =	sst s8  }
0x11: {  	[smem:$0x3FB4] =	sst s9;
	s0 =	simm.s32 @!p0 $0x0  }
0x12: {  	s1 =	sld [smem:$0x3F9A];
	s0 =	simm.s32 @p0 $0x1  }
0x13: {  	[smem:$0x3FB5] =	sst s0;
	s0 =	simm.s32 @!p1 $0x0  }
0x14: {  	s2 =	sld [smem:$0x3F99];
	s0 =	simm.s32 @p1 $0x1  }
0x15: {  	[smem:$0x3FB6] =	sst s0;
	s0 =	simm.s32 @!p2 $0x0  }
0x16: {  	s3 =	sld [smem:$0x3FDB];
	s0 =	simm.s32 @p2 $0x1  }
0x17: {  	s4 =	simm.s32 $0x1BF5;
	[smem:$0x3FB8] =	sst s0  }
0x18: {  	s0 =	sld [smem:$0x3F9B];
	_ =	swait.ge [sflag:s4], $0x0  }
0x19: {  	s7 =	sld [smem:$0x3F9C]  }
0x1a: {  	s8 =	sadd.s32 $0xFFFFE003, lr  }
0x1b: {  	s9 =	sadd.s32 $0xFFFFFEF7, lr;
	s5 =	simm.s32 $0xFFFFFFFF;
	p2 =	slt.u32 s8, $0xFFFFF086  }
0x1c: {  	p1 =	slt.u32 s9, $0xF7A;
	s5 =	simm.s32 @!p2 $0x0  }
0x1d: {  	s5 =	simm.s32 @p1 $0x1;
	p0 =	seq.s32 s7, s2  }
0x1e: {  	s7 =	smul.u32 @!p0 $0xF7A, s2;
	p2 =	seq.s32 @!p0 s5, $0x0  }
0x1f: {  	s9 =	smul.u32 $0xF7A, s1;
	s8 =	simm.s32 @!p0 $0x1BF5;
	p2 =	por !p2, p0  }
0x20: {  	[sflag:s8] =	ssyncset.s32 @!p0 $0xFFFFF086;
	s6 =	sadd.s32 @!p0 s3, s7;
	s7 =	simm.s32 @!p0 $0x108  }
0x21: {  	s3 =	sadd.s32 s3, s9;
	s6 =	sadd.s32 @!p0 $0x88, s6;
	s7 =	simm.s32 @p2 $0x1082  }
0x22: {  	[simem:s7], [sflag:s8] =	dma.local @!p0 [hbm:s6], $0xF7A  }
0x23: {  	s9 =	sor.u32 $0xD0000000, s2;
	s6 =	simm.s32 $0x108;
	_ =	swait.ge @!p0 [sflag:s8], $0x0  }
0x24: {  	s3 =	sadd.s32 $0x88, s3;
	s6 =	simm.s32 @!p1 $0x1082;
	[sflag:s4] =	ssyncset.s32 $0xFFFFF086  }
0x25: {  	[simem:s6], [sflag:s4] =	dma.local [hbm:s3], $0xF7A  }
0x26: {  	[smem:$0x3F9C] =	sst s1;
	(tag) =	ssettag s2;
	_ =	strace s9  }
0x27: {  	s1 =	sld [smem:$0x3FAC]  }
0x28: {  	s2 =	sld [smem:$0x3FAD]  }
0x29: {  	s4 =	sld [smem:$0x3FAF]  }
0x2a: {  	p0 =	seq.s32 s5, $0x0;
	s5 =	sld [smem:$0x3FB0]  }
0x2b: {  	s6 =	sld [smem:$0x3FB1]  }
0x2c: {  	s7 =	sld [smem:$0x3FB2]  }
0x2d: {  	s3 =	simm.s32 $0x108;
	s8 =	sld [smem:$0x3FB3]  }
0x2e: {  	s3 =	simm.s32 @!p0 $0x1082;
	s9 =	sld [smem:$0x3FB4]  }
0x2f: {  	lr =	sadd.s32 s0, s3;
	s0 =	sld [smem:$0x3FAB]  }
0x30: {  	s3 =	sld [smem:$0x3FAE]  }
0x31: {  	[smem:$0x3FB7] =	sst s10  }
0x32: {  	s10 =	sld [smem:$0x3FB5];
	_ =	sdelay $0x3  }
0x33: {  	p0 =	seq.s32 s10, $0x1;
	s10 =	sld [smem:$0x3FB7];
	_ =	sdelay $0x3  }
0x34: {  	[smem:$0x3FB7] =	sst s10  }
0x35: {  	s10 =	sld [smem:$0x3FB6];
	_ =	sdelay $0x3  }
0x36: {  	p1 =	seq.s32 s10, $0x1;
	s10 =	sld [smem:$0x3FB7];
	_ =	sdelay $0x3  }
0x37: {  	[smem:$0x3FB7] =	sst s10  }
0x38: {  	s10 =	sld [smem:$0x3FB8]  }
0x39: {  	_ = 	snop;
	(pc) =	sbr.ind lr, $3  }
0x3a: {  	_ = 	snop  }
0x3b: {  	_ = 	snop  }
0x3c: {  	p2 =	seq.s32 s10, $0x1;
	s10 =	sld [smem:$0x3FB7]  }
0x3d: {  	_ =	shalt  }
0x3e: {  	_ =	shalt  }
0x3f: {  	_ =	shalt  }
0x40: {  	_ =	shalt  }
0x41: {  	_ =	shalt  }
0x42: {  	_ =	shalt  }
0x43: {  	_ =	shalt  }
0x44: {  	_ =	shalt  }
0x45: {  	_ =	shalt  }
0x46: {  	_ =	shalt  }
0x47: {  	_ =	shalt  }
0x48: {  	_ =	shalt  }
0x49: {  	_ =	shalt  }
0x4a: {  	_ =	shalt  }
0x4b: {  	_ =	shalt  }
0x4c: {  	_ =	shalt  }
0x4d: {  	_ =	shalt  }
0x4e: {  	_ =	shalt  }
0x4f: {  	_ =	shalt  }
0x50: {  	_ =	shalt  }
0x51: {  	_ =	shalt  }
0x52: {  	_ =	shalt  }
0x53: {  	_ =	shalt  }
0x54: {  	_ =	shalt  }
0x55: {  	_ =	shalt  }
0x56: {  	_ =	shalt  }
0x57: {  	_ =	shalt  }
0x58: {  	_ =	shalt  }
0x59: {  	_ =	shalt  }
0x5a: {  	_ =	shalt  }
0x5b: {  	_ =	shalt  }
0x5c: {  	_ =	shalt  }
0x5d: {  	_ =	shalt  }
0x5e: {  	_ =	shalt  }
0x5f: {  	_ =	shalt  }
0x60: {  	_ =	shalt  }
0x61: {  	_ =	shalt  }
0x62: {  	_ =	shalt  }
0x63: {  	_ =	shalt  }
0x64: {  	_ =	shalt  }
0x65: {  	_ =	shalt  }
0x66: {  	_ =	shalt  }
0x67: {  	_ =	shalt  }
0x68: {  	_ =	shalt  }
0x69: {  	_ =	shalt  }
0x6a: {  	_ =	shalt  }
0x6b: {  	_ =	shalt  }
0x6c: {  	_ =	shalt  }
0x6d: {  	_ =	shalt  }
0x6e: {  	_ =	shalt  }
0x6f: {  	_ =	shalt  }
0x70: {  	_ =	shalt  }
0x71: {  	_ =	shalt  }
0x72: {  	_ =	shalt  }
0x73: {  	_ =	shalt  }
0x74: {  	_ =	shalt  }
0x75: {  	_ =	shalt  }
0x76: {  	_ =	shalt  }
0x77: {  	_ =	shalt  }
0x78: {  	_ =	shalt  }
0x79: {  	_ =	shalt  }
0x7a: {  	_ =	shalt  }
0x7b: {  	_ =	shalt  }
0x7c: {  	_ =	shalt  }
0x7d: {  	_ =	shalt  }
0x7e: {  	_ =	shalt  }
0x7f: {  	_ =	shalt  }
0x80: {  	_ =	shalt  }
0x81: {  	_ =	shalt  }
0x82: {  	_ =	shalt  }
0x83: {  	_ =	shalt  }
0x84: {  	_ =	shalt  }
0x85: {  	_ =	shalt  }
0x86: {  	_ =	shalt  }
0x87: {  	_ =	shalt  }
.Lfunc_end0:
.L_simem_size_0:
called_computation.3_lowered:
.L_overlay_start_0:
0x88: {  	s2 =	sld [smem:$0x3FD9]  }
0x89: {  	s3 =	sld [smem:$0x3FFE];
	_ =	sdelay $0x1  }
0x8a: {  	s1 =	srdreg.scid  }
0x8b: {  	s0 =	sand.u32 $0x1, s1  }
0x8c: {  	s17 =	sshll.u32 s0, $0xA;
	s2 =	sadd.s32 s3, s2  }
0x8d: {  	s2 =	sadd.s32 s2, s17  }
0x8e: {  	[smem:$0x3FC3] =	sst s2  }
0x8f: {  	_ = 	snop  }
0x90: {  	s18 =	sld [smem:$0x3FD0];
	(tm) =	ssettm $0x1  }
0x91: {  	s19 =	sld [smem:$0x3FFB];
	_ =	sdelay $0x3  }
0x92: {  	_ =	strace s19  }
0x93: {  	s2 =	sld [smem:$0x3FFC];
	_ =	sdelay $0x3  }
0x94: {  	_ =	strace s2  }
0x95: {  	s2 =	sld [smem:$0x3FFD];
	_ =	sdelay $0x3  }
0x96: {  	_ =	strace s2  }
0x97: {  	_ =	strace $0x8FFFFFFF  }
0x98: {  	s20 =	sld [smem:$0x3FDB];
	_ =	sdelay $0x1  }
0x99: {  	s4 =	simm.s32 $_scs_section_size  }
0x9a: {  	s5 =	simm.s32 $_size__tile_overlayer_lowered;
	s6 =	simm.s32 $_tile_overlayer_lowered  }
0x9b: {  	s7 =	simm.s32 $0x1BFF;
	s21 =	sshll.u32 s6, $0x1;
	s4 =	sadd.s32 s4, s20  }
0x9c: {  	s22 =	simm.s32 $0x0;
	s5 =	sshll.u32 s5, $0x1;
	s6 =	sadd.s32 s21, s4  }
0x9d: {  	[timem:s22], [sflag:s7] =	dma.local [hbm:s6], s5  }
0x9e: {  	_ =	swait.ge [sflag:s7], s5  }
0x9f: {  	s5 =	ssub.s32 $0x0, s5;
	[sflag:s7] =	ssyncset.done $0x0  }
0xa0: {  	[sflag:s7] =	ssyncadd.s32 s5;
	_ =	sdelay $0x1  }
0xa1: {  	s23 =	simm.s32 $0x1B8B  }
0xa2: {  	_ =	swait.ge [sflag:s23], $0x1  }
0xa3: {  	[sflag:s23] =	ssyncset.done $0x0  }
0xa4: {  	[sflag:s23] =	ssyncadd.s32 $0xFFFFFFFF  }
0xa5: {  	s5 =	sld [smem:$0x0]  }
0xa6: {  	s6 =	sand.u32 $0xFFFFFFFE, s1  }
0xa7: {  	p0 =	sne.s32 s1, s6  }
0xa8: {  	s6 =	sshll.u32 @p0 s6, $0xE  }
0xa9: {  	s6 =	sadd.s32 @p0 $0x11B8D, s6;
	s7 =	sshll.u32 @p0 s5, $0x11  }
0xaa: {  	s6 =	sor.u32 @p0 s7, s6  }
0xab: {  	[sflag:s6] =	ssyncadd.remote.s32 @p0 $0x1;
	_ =	sdelay $0x1  }
0xac: {  	s6 =	simm.s32 @p0 $0x1B8D  }
0xad: {  	_ =	swait.eq @p0 [sflag:s6], $0x1  }
0xae: {  	[sflag:s6] =	ssyncadd.s32 @p0 $0xFFFFFFFF  }
0xaf: {  	s7 =	sshll.u32 @!p0 s1, $0xE  }
0xb0: {  	s7 =	sor.u32 @!p0 $0x4000, s7;
	s6 =	simm.s32 @!p0 $0x1B8D  }
0xb1: {  	s5 =	sshll.u32 @!p0 s5, $0x11;
	s7 =	sadd.s32 @!p0 $0x11B8D, s7;
	_ =	swait.eq @!p0 [sflag:s6], $0x1  }
0xb2: {  	s5 =	sor.u32 @!p0 s5, s7;
	[sflag:s6] =	ssyncadd.s32 @!p0 $0xFFFFFFFF  }
0xb3: {  	s25 =	simm.s32 $0x1B8E;
	s24 =	sld [smem:$0x3FFE];
	[sflag:s5] =	ssyncadd.remote.s32 @!p0 $0x1  }
0xb4: {  	s26 =	simm.s32 $execute0_lowered;
	[smem:$0x3FD2] =	sst s25  }
0xb5: {  	s6 =	sshll.u32 s26, $0x1;
	_ =	strace $0x80000058;
	[dreg:$0x1] =	wrdreg $0xFFFFFFFF  }
0xb6: {  	s28 =	simm.s32 $_size_execute0_lowered;
	s4 =	sadd.s32 s4, s6;
	[dreg:$0x0] =	wrdreg $0x0  }
0xb7: {  	s6 =	sshll.u32 s28, $0x1;
	[dreg:$0x2] =	wrdreg s4  }
0xb8: {  	[dreg:$0x3] =	wrdreg s6  }
0xb9: {  	[dreg:$0x4] =	wrdreg $0xC0  }
0xba: {  	_ =	task [dreg:s22], $0x5FFFF  }
0xbb: {  	[dreg:$0x1] =	wrdreg $0xFFFFFFFF  }
0xbc: {  	[dreg:$0x0] =	wrdreg $0x60  }
0xbd: {  	[dreg:$0x2] =	wrdreg s18  }
0xbe: {  	[dreg:$0x3] =	wrdreg s24  }
0xbf: {  	[dreg:$0x4] =	wrdreg $0xB  }
0xc0: {  	_ =	task.clear_ibuf [dreg:s22], $0x5FFFF;
	_ =	strace $0x90000058  }
0xc1: {  	s29 =	simm.s32 $0xB;
	_ =	strace $0x8000005A  }
0xc2: {  	_ =	swait.ge [sflag:s29], $0x1  }
0xc3: {  	[sflag:s29] =	ssyncadd.s32 $0xFFFFFFFF  }
0xc4: {  	_ =	strace $0x9000005A  }
0xc5: {  	_ =	sfence  }
0xc6: {  	s30 =	sld [smem:$0x0];
	_ =	sdelay $0x2  }
0xc7: {  	s31 =	sshll.u32 s1, $0xD;
	s1 =	sshrl.u32 s1, $0x2  }
0xc8: {  	s4 =	sand.u32 $0x4000, s31;
	s1 =	sadd.s32 s1, s30  }
0xc9: {  	s0 =	sor.u32 s4, s0;
	s1 =	sshll.u32 s1, $0x11  }
0xca: {  	s0 =	sor.u32 s1, s0  }
0xcb: {  	s0 =	sadd.s32 $0x8F2B, s0  }
0xcc: {  	[sflag:s0] =	ssyncadd.remote.s32 $0x1  }
0xcd: {  	_ =	sfence.sel $0xFFFF  }
0xce: {  	[dreg:$0x0] =	wrdreg $0xFFFFFFFF;
	(pc) =	sbr.abs _section_cstart, $3  }
0xcf: {  	[dreg:$0x1] =	wrdreg $0xFFFFFFFF  }
0xd0: {  	_ =	task.clear_ibuf [dreg:s22], $0x2FFFF;
	_ =	strace $0x9FFFFFFF  }
0xd1: {  	(tm) =	ssettm $0x7FFFFFFF  }
tec
execute0_lowered:
.L_overlay_start_1:
0x0: {  	(tag) =	ssettag $0x1  }
0x1: {  	s2 =	rddreg [dreg:$0x0]  }
0x2: {  	s8 =	rddreg [dreg:$0x1]  }
0x3: {  	s0 =	rddreg [dreg:$0x2];
	s1 =	stileid.u32  }
0x4: {  	s3 =	srdreg.scid;
	_ =	strace $0x80000059;
	s4 =	simm.s32 $0x1  }
0x5: {  	s7 =	simm.s32 $0x1;
	s9 =	simm.s32 $0x1;
	s10 =	simm.s32 $0x3  }
0x6: {  	s13 =	simm.s32 $0x0;
	s5 =	sand.u32 $0x1, s3;
	s6 =	sshll.u32 s1, $0x1  }
0x7: {  	s12 =	simm.s32 $0x0;
	s3 =	sadd.s32 $0xF800, s8;
	s5 =	sor.u32 s6, s5  }
.Ltmp0:
0x8: {  	[sflag:s4] =	ssyncpa.u1 $0x0;
	p0 =	slt.u32 s5, $0x13;
	(pc) =	sbr.rel .LBB2_1-.Ltmp0, $4  }
0x9: {  	s6 =	simm.s32 $0x2;
	s7 =	simm.s32 @!p0 $0x0;
	p0 =	sne.s32 s5, $0x12  }
0xa: {  	[sflag:s6] =	ssyncpa.u1 $0x0;
	s5 =	smul.u32 $0x7D0, s5;
	s9 =	simm.s32 @!p0 $0x0  }
0xb: {  	s8 =	sadd.s32 $0x22400, s8;
	[sflag:s10] =	ssyncpa.u1 $0x0;
	s7 =	sadd.s32 s9, s7  }
0xc: {  	vm0 =	vmmov $0xffff;
	s10 =	simm.s32 $0x0;
	s11 =	smov.u32 s5;
	s9 =	sadd.s32 $0x1, s7  }
.LBB2_4:
0xd: {  	v2 =	vnsel vm1, $0x0, v2  }
0xe: {  	vm1 =	vgt.s32 v0, $0x0;
	v2 =	vmin.u32 v2, $0x3FFFF  }
0xf: {  	v0 =	vnsel vm1, $0x0, v0  }
0x10: {  	v0 =	vmin.u32 v0, $0x3FFFF  }
0x11: {  	[tilespmem:s18], [sflag:$0x1] =	stream.indirect_vreg.gather [hbm4b:s2+s10], $0x1, v1, vm0, $0x4038;
	[tilespmem:$0x1F40] =	vst v63  }
0x12: {  	(ifvalue) =	ssetifvalue $0x7FFFFFFF  }
0x13: {  	[tilespmem:s15], [sflag:$0x1] =	stream.indirect_vreg.gather [hbm4b:s2+s10], $0x1, v2, vm0, $0x4038;
	[tilespmem:$0x1F40] =	vst v63  }
0x14: {  	s29 =	sadd.s32 $0x10, s15;
	(ifvalue) =	ssetifvalue $0x7FFFFFFF  }
0x15: {  	[tilespmem:s29], [sflag:$0x1] =	stream.indirect_vreg.gather [hbm4b:s2+s10], $0x1, v0, vm0, $0x4038;
	[tilespmem:$0x1F40] =	vst v63  }
0x16: {  	_ =	swait.ge [sflag:s4], $0x7D0  }
0x17: {  	s30 =	sshrl.u32 s13, $0x3;
	[sflag:s4] =	ssyncset.done $0x0  }
0x18: {  	s31 =	sand.u32 $0x7, s13;
	s15 =	sadd.s32 s8, s30;
	[sflag:s4] =	ssyncadd.s32 $0xFFFFF830  }
0x19: {  	[hbm4b:s15+s31] =	stream.linear.scatter [tilespmem:s14], [sflag:$0x3], $0x7D0, $0x38;
	[tilespmem:$0x1F40] =	vst v63  }
.LBB2_5:
0x1a: {  	s15 =	sadd.s32 $0xFA00, s11  }
0x1b: {  	p1 =	sgt.s32 s15, $0x1869F  }
0x1c: {  	s15 =	smov.u32 @p1 s5;
	p1 =	sne.s32 s12, s9  }
.Ltmp1:
0x1d: {  	p0 =	slt.u32 s12, $0x2;
	(pc) =	sbr.rel @!p1 .LBB2_6-.Ltmp1, $4  }
0x1e: {  	s14 =	simm.s32 @!p0 $0x3  }
0x1f: {  	_ =	swait.ge @!p0 [sflag:s14], $0x7D0  }
0x20: {  	s16 =	sadd.s32 $0x1, s12;
	s13 =	smov.u32 s11;
	[sflag:s14] =	ssyncset.done @!p0 $0x0  }
0x21: {  	s12 =	smov.u32 s16;
	s11 =	smov.u32 s15;
	[sflag:s14] =	ssyncadd.s32 @!p0 $0xFFFFF830  }
.LBB2_1:
0x22: {  	p0 =	sge.u32 s12, s7  }
0x23: {  	s14 =	sxor.u32 @!p0 $0x1, s12  }
0x24: {  	s14 =	smul.u32 @!p0 $0x1F40, s14  }
0x25: {  	s31 =	sadd.s32 $0xFFFFFFFF, s12;
	s15 =	sshrl.u32 @!p0 s11, $0x3  }
0x26: {  	s16 =	sand.u32 @!p0 $0x7, s11;
	s15 =	sadd.s32 @!p0 s3, s15;
	s14 =	sshra.s32 @!p0 s14, $0x2  }
0x27: {  	[tilespmem:s14], [sflag:$0x2] =	stream.linear.gather @!p0 [hbm4b:s15+s16], $0x7D0, $0x38;
	[tilespmem:$0x1F40] =	vst v63  }
0x28: {  	p0 =	sge.u32 s31, s7  }
.Ltmp2:
0x29: {  	_ = 	snop;
	(pc) =	sbr.rel @p0 .LBB2_5-.Ltmp2, $1  }
0x2a: {  	_ =	sdelay $0x3  }
0x2b: {  	s14 =	sand.u32 $0x1, s12  }
0x2c: {  	_ =	swait.ge [sflag:s6], $0x7D0;
	p0 =	seq.s32 s14, $0x1;
	s14 =	simm.s32 $0x7D0  }
0x2d: {  	[sflag:s6] =	ssyncset.done $0x0;
	s14 =	simm.s32 @!p0 $0x0  }
0x2e: {  	[sflag:s6] =	ssyncadd.s32 $0xFFFFF830;
	(ifvalue) =	ssetifvalue $0x7FFFFFFF;
	v0 =	vld.msk [tilespmem:s14+$0x0 ss:$0x1], $0xffff;
	_ =	sdelay $0x4  }
0x2f: {  	s15 =	sadd.s32 $0x10, s14;
	vm1 =	vgt.s32 v0, $0x0  }
0x30: {  	v2 =	vld.msk [tilespmem:s15+$0x0 ss:$0x1], $0xffff;
	v1 =	vnsel vm1, $0x0, v0  }
0x31: {  	v1 =	vmin.u32 v1, $0x3FFFF;
	_ =	sdelay $0x2  }
0x32: {  	s17 =	simm.s32 $0x20;
	s14 =	sadd.s32 $0xFA0, s14;
	s16 =	sadd.s32 $0x10, s15  }
0x33: {  	s15 =	sadd.s32 $0x10, s14;
	s18 =	smov.u32 s14;
	v0 =	vld.msk [tilespmem:s16+$0x0 ss:$0x1], $0xffff;
	vm1 =	vgt.s32 v2, $0x0;
	(ifvalue) =	ssetifvalue $0x7FFFFFFF  }
.LBB2_3:
0x34: {  	[tilespmem:s18], [sflag:$0x1] =	stream.indirect_vreg.gather [hbm4b:s2+s10], $0x1, v1, vm0, $0x4038;
	[tilespmem:$0x1F40] =	vst v63  }
0x35: {  	s17 =	sadd.s32 $0x10, s17  }
0x36: {  	v2 =	vnsel vm1, $0x0, v2;
	p0 =	slt.u32 s17, $0x7C0  }
.Ltmp3:
0x37: {  	s18 =	smov.u32 s15;
	v1 =	vmin.u32 v2, $0x3FFFF;
	(pc) =	sbr.rel @p0 .LBB2_3-.Ltmp3, $3  }
0x38: {  	_ =	sdelay $0x1  }
0x39: {  	s16 =	sadd.s32 $0x10, s16  }
0x3a: {  	vm1 =	vgt.s32 v0, $0x0;
	s15 =	sadd.s32 $0x10, s15;
	v2 =	vmov v0;
	(ifvalue) =	ssetifvalue $0x7FFFFFFF;
	v0 =	vld.msk [tilespmem:s16+$0x0 ss:$0x1], $0xffff  }
.Ltmp4:
0x3b: {  	_ = 	snop;
	(pc) =	sbr.rel .LBB2_4-.Ltmp4, $1  }
0x3c: {  	_ =	sdelay $0x3  }
.LBB2_6:
0x3d: {  	_ =	sfence.sel $0x180000  }
0x3e: {  	s2 =	simm.s32 $0x2;
	[bflag:$0x0] =	sbarrier.arrive $0xFFFF  }
0x3f: {  	s30 =	simm.s32 $0x3;
	[sflag:s2] =	ssyncpa.u1 $0x1  }
0x40: {  	s31 =	simm.s32 $0x1;
	[sflag:s30] =	ssyncpa.u1 $0x1  }
0x41: {  	[sflag:s31] =	ssyncpa.u1 $0x1  }
0x42: {  	p0 =	sne.s32 s1, $0x0;
	_ =	strace $0x90000059  }
0x43: {  	s0 =	sadd.s32 @!p0 $0x100000, s0;
	[bflag:$0x2] =	sbarrier.arrive $0xFFFF  }
0x44: {  	[sflag:s0] =	ssyncadd.tile.s32 @!p0 $0x1;
	_ =	shalt  }
.Lfunc_end2:
_tile_overlayer_lowered:
.L_overlay_start_2:
0x45: {  	(tag) =	ssettag $0x2  }
0x46: {  	s0 =	rddreg [dreg:$0x0];
	s2 =	stileid.u32  }
0x47: {  	s1 =	rddreg [dreg:$0x1];
	p0 =	sne.s32 s2, $0x0  }
0x48: {  	s3 =	rddreg [dreg:$0x2];
	[bflag:$0x3] =	sbarrier.arrive $0xFFFF;
	s2 =	simm.s32 @!p0 $0x1C01  }
0x49: {  	[timem:s3], [sflag:s2] =	dma.local @!p0 [hbm:s0], s1  }
0x4a: {  	s0 =	simm.s32 @!p0 $0x1  }
0x4b: {  	_ =	swait.ge @!p0 [sflag:s0], s1  }
0x4c: {  	s1 =	ssub.s32 @!p0 $0x0, s1;
	[sflag:s0] =	ssyncset.done @!p0 $0x0  }
0x4d: {  	[sflag:s0] =	ssyncadd.s32 @!p0 s1  }
0x4e: {  	[bflag:$0x3] =	sbarrier.arrive $0xFFFF  }
0x4f: {  	_ =	shalt  }

// kernel: gather_offload_async_start.3
scs
__scs_entry_jumppad:
0x0: {  	(pc) =	sbr.rel $0x88, $3  }
0x1: {  	(tag) =	ssettag $0x0;
	lr =	simm.s32 $0x1  }
0x2: {  	[smem:$0x3F9C] =	sst lr;
	_ =	strace $0xD0000000  }
0x3: {  	_ = 	snop  }
0x4: {  	_ = 	snop  }
0x5: {  	_ = 	snop  }
0x6: {  	_ = 	snop  }
0x7: {  	_ = 	snop  }
__scs_overlays_trampoline_lowered:
0x8: {  	[smem:$0x3FAB] =	sst s0  }
0x9: {  	[smem:$0x3FAC] =	sst s1  }
0xa: {  	[smem:$0x3FAD] =	sst s2  }
0xb: {  	[smem:$0x3FAE] =	sst s3  }
0xc: {  	[smem:$0x3FAF] =	sst s4  }
0xd: {  	[smem:$0x3FB0] =	sst s5  }
0xe: {  	[smem:$0x3FB1] =	sst s6  }
0xf: {  	[smem:$0x3FB2] =	sst s7  }
0x10: {  	[smem:$0x3FB3] =	sst s8  }
0x11: {  	[smem:$0x3FB4] =	sst s9;
	s0 =	simm.s32 @!p0 $0x0  }
0x12: {  	s1 =	sld [smem:$0x3F9A];
	s0 =	simm.s32 @p0 $0x1  }
0x13: {  	[smem:$0x3FB5] =	sst s0;
	s0 =	simm.s32 @!p1 $0x0  }
0x14: {  	s2 =	sld [smem:$0x3F99];
	s0 =	simm.s32 @p1 $0x1  }
0x15: {  	[smem:$0x3FB6] =	sst s0;
	s0 =	simm.s32 @!p2 $0x0  }
0x16: {  	s3 =	sld [smem:$0x3FDB];
	s0 =	simm.s32 @p2 $0x1  }
0x17: {  	s4 =	simm.s32 $0x1BF5;
	[smem:$0x3FB8] =	sst s0  }
0x18: {  	s0 =	sld [smem:$0x3F9B];
	_ =	swait.ge [sflag:s4], $0x0  }
0x19: {  	s7 =	sld [smem:$0x3F9C]  }
0x1a: {  	s8 =	sadd.s32 $0xFFFFE003, lr  }
0x1b: {  	s9 =	sadd.s32 $0xFFFFFEF7, lr;
	s5 =	simm.s32 $0xFFFFFFFF;
	p2 =	slt.u32 s8, $0xFFFFF086  }
0x1c: {  	p1 =	slt.u32 s9, $0xF7A;
	s5 =	simm.s32 @!p2 $0x0  }
0x1d: {  	s5 =	simm.s32 @p1 $0x1;
	p0 =	seq.s32 s7, s2  }
0x1e: {  	s7 =	smul.u32 @!p0 $0xF7A, s2;
	p2 =	seq.s32 @!p0 s5, $0x0  }
0x1f: {  	s9 =	smul.u32 $0xF7A, s1;
	s8 =	simm.s32 @!p0 $0x1BF5;
	p2 =	por !p2, p0  }
0x20: {  	[sflag:s8] =	ssyncset.s32 @!p0 $0xFFFFF086;
	s6 =	sadd.s32 @!p0 s3, s7;
	s7 =	simm.s32 @!p0 $0x108  }
0x21: {  	s3 =	sadd.s32 s3, s9;
	s6 =	sadd.s32 @!p0 $0x88, s6;
	s7 =	simm.s32 @p2 $0x1082  }
0x22: {  	[simem:s7], [sflag:s8] =	dma.local @!p0 [hbm:s6], $0xF7A  }
0x23: {  	s9 =	sor.u32 $0xD0000000, s2;
	s6 =	simm.s32 $0x108;
	_ =	swait.ge @!p0 [sflag:s8], $0x0  }
0x24: {  	s3 =	sadd.s32 $0x88, s3;
	s6 =	simm.s32 @!p1 $0x1082;
	[sflag:s4] =	ssyncset.s32 $0xFFFFF086  }
0x25: {  	[simem:s6], [sflag:s4] =	dma.local [hbm:s3], $0xF7A  }
0x26: {  	[smem:$0x3F9C] =	sst s1;
	(tag) =	ssettag s2;
	_ =	strace s9  }
0x27: {  	s1 =	sld [smem:$0x3FAC]  }
0x28: {  	s2 =	sld [smem:$0x3FAD]  }
0x29: {  	s4 =	sld [smem:$0x3FAF]  }
0x2a: {  	p0 =	seq.s32 s5, $0x0;
	s5 =	sld [smem:$0x3FB0]  }
0x2b: {  	s6 =	sld [smem:$0x3FB1]  }
0x2c: {  	s7 =	sld [smem:$0x3FB2]  }
0x2d: {  	s3 =	simm.s32 $0x108;
	s8 =	sld [smem:$0x3FB3]  }
0x2e: {  	s3 =	simm.s32 @!p0 $0x1082;
	s9 =	sld [smem:$0x3FB4]  }
0x2f: {  	lr =	sadd.s32 s0, s3;
	s0 =	sld [smem:$0x3FAB]  }
0x30: {  	s3 =	sld [smem:$0x3FAE]  }
0x31: {  	[smem:$0x3FB7] =	sst s10  }
0x32: {  	s10 =	sld [smem:$0x3FB5];
	_ =	sdelay $0x3  }
0x33: {  	p0 =	seq.s32 s10, $0x1;
	s10 =	sld [smem:$0x3FB7];
	_ =	sdelay $0x3  }
0x34: {  	[smem:$0x3FB7] =	sst s10  }
0x35: {  	s10 =	sld [smem:$0x3FB6];
	_ =	sdelay $0x3  }
0x36: {  	p1 =	seq.s32 s10, $0x1;
	s10 =	sld [smem:$0x3FB7];
	_ =	sdelay $0x3  }
0x37: {  	[smem:$0x3FB7] =	sst s10  }
0x38: {  	s10 =	sld [smem:$0x3FB8]  }
0x39: {  	_ = 	snop;
	(pc) =	sbr.ind lr, $3  }
0x3a: {  	_ = 	snop  }
0x3b: {  	_ = 	snop  }
0x3c: {  	p2 =	seq.s32 s10, $0x1;
	s10 =	sld [smem:$0x3FB7]  }
0x3d: {  	_ =	shalt  }
0x3e: {  	_ =	shalt  }
0x3f: {  	_ =	shalt  }
0x40: {  	_ =	shalt  }
0x41: {  	_ =	shalt  }
0x42: {  	_ =	shalt  }
0x43: {  	_ =	shalt  }
0x44: {  	_ =	shalt  }
0x45: {  	_ =	shalt  }
0x46: {  	_ =	shalt  }
0x47: {  	_ =	shalt  }
0x48: {  	_ =	shalt  }
0x49: {  	_ =	shalt  }
0x4a: {  	_ =	shalt  }
0x4b: {  	_ =	shalt  }
0x4c: {  	_ =	shalt  }
0x4d: {  	_ =	shalt  }
0x4e: {  	_ =	shalt  }
0x4f: {  	_ =	shalt  }
0x50: {  	_ =	shalt  }
0x51: {  	_ =	shalt  }
0x52: {  	_ =	shalt  }
0x53: {  	_ =	shalt  }
0x54: {  	_ =	shalt  }
0x55: {  	_ =	shalt  }
0x56: {  	_ =	shalt  }
0x57: {  	_ =	shalt  }
0x58: {  	_ =	shalt  }
0x59: {  	_ =	shalt  }
0x5a: {  	_ =	shalt  }
0x5b: {  	_ =	shalt  }
0x5c: {  	_ =	shalt  }
0x5d: {  	_ =	shalt  }
0x5e: {  	_ =	shalt  }
0x5f: {  	_ =	shalt  }
0x60: {  	_ =	shalt  }
0x61: {  	_ =	shalt  }
0x62: {  	_ =	shalt  }
0x63: {  	_ =	shalt  }
0x64: {  	_ =	shalt  }
0x65: {  	_ =	shalt  }
0x66: {  	_ =	shalt  }
0x67: {  	_ =	shalt  }
0x68: {  	_ =	shalt  }
0x69: {  	_ =	shalt  }
0x6a: {  	_ =	shalt  }
0x6b: {  	_ =	shalt  }
0x6c: {  	_ =	shalt  }
0x6d: {  	_ =	shalt  }
0x6e: {  	_ =	shalt  }
0x6f: {  	_ =	shalt  }
0x70: {  	_ =	shalt  }
0x71: {  	_ =	shalt  }
0x72: {  	_ =	shalt  }
0x73: {  	_ =	shalt  }
0x74: {  	_ =	shalt  }
0x75: {  	_ =	shalt  }
0x76: {  	_ =	shalt  }
0x77: {  	_ =	shalt  }
0x78: {  	_ =	shalt  }
0x79: {  	_ =	shalt  }
0x7a: {  	_ =	shalt  }
0x7b: {  	_ =	shalt  }
0x7c: {  	_ =	shalt  }
0x7d: {  	_ =	shalt  }
0x7e: {  	_ =	shalt  }
0x7f: {  	_ =	shalt  }
0x80: {  	_ =	shalt  }
0x81: {  	_ =	shalt  }
0x82: {  	_ =	shalt  }
0x83: {  	_ =	shalt  }
0x84: {  	_ =	shalt  }
0x85: {  	_ =	shalt  }
0x86: {  	_ =	shalt  }
0x87: {  	_ =	shalt  }
.Lfunc_end0:
.L_simem_size_0:
called_computation.4_lowered:
.L_overlay_start_0:
0x88: {  	s2 =	sld [smem:$0x3FD9]  }
0x89: {  	s3 =	sld [smem:$0x3FFE];
	_ =	sdelay $0x1  }
0x8a: {  	s1 =	srdreg.scid  }
0x8b: {  	s0 =	sand.u32 $0x1, s1  }
0x8c: {  	s17 =	sshll.u32 s0, $0xA;
	s2 =	sadd.s32 s3, s2  }
0x8d: {  	s2 =	sadd.s32 s2, s17  }
0x8e: {  	[smem:$0x3FC3] =	sst s2  }
0x8f: {  	_ = 	snop  }
0x90: {  	s18 =	sld [smem:$0x3FD0];
	(tm) =	ssettm $0x1  }
0x91: {  	s19 =	sld [smem:$0x3FFB];
	_ =	sdelay $0x3  }
0x92: {  	_ =	strace s19  }
0x93: {  	s2 =	sld [smem:$0x3FFC];
	_ =	sdelay $0x3  }
0x94: {  	_ =	strace s2  }
0x95: {  	s2 =	sld [smem:$0x3FFD];
	_ =	sdelay $0x3  }
0x96: {  	_ =	strace s2  }
0x97: {  	_ =	strace $0x8FFFFFFF  }
0x98: {  	s20 =	sld [smem:$0x3FDB];
	_ =	sdelay $0x1  }
0x99: {  	s4 =	simm.s32 $_scs_section_size  }
0x9a: {  	s5 =	simm.s32 $_size__tile_overlayer_lowered;
	s6 =	simm.s32 $_tile_overlayer_lowered  }
0x9b: {  	s7 =	simm.s32 $0x1BFF;
	s21 =	sshll.u32 s6, $0x1;
	s4 =	sadd.s32 s4, s20  }
0x9c: {  	s22 =	simm.s32 $0x0;
	s5 =	sshll.u32 s5, $0x1;
	s6 =	sadd.s32 s21, s4  }
0x9d: {  	[timem:s22], [sflag:s7] =	dma.local [hbm:s6], s5  }
0x9e: {  	_ =	swait.ge [sflag:s7], s5  }
0x9f: {  	s5 =	ssub.s32 $0x0, s5;
	[sflag:s7] =	ssyncset.done $0x0  }
0xa0: {  	[sflag:s7] =	ssyncadd.s32 s5;
	_ =	sdelay $0x1  }
0xa1: {  	s23 =	simm.s32 $0x1B8B  }
0xa2: {  	_ =	swait.ge [sflag:s23], $0x1  }
0xa3: {  	[sflag:s23] =	ssyncset.done $0x0  }
0xa4: {  	[sflag:s23] =	ssyncadd.s32 $0xFFFFFFFF  }
0xa5: {  	s5 =	sld [smem:$0x0]  }
0xa6: {  	s6 =	sand.u32 $0xFFFFFFFE, s1  }
0xa7: {  	p0 =	sne.s32 s1, s6  }
0xa8: {  	s6 =	sshll.u32 @p0 s6, $0xE  }
0xa9: {  	s6 =	sadd.s32 @p0 $0x11B8D, s6;
	s7 =	sshll.u32 @p0 s5, $0x11  }
0xaa: {  	s6 =	sor.u32 @p0 s7, s6  }
0xab: {  	[sflag:s6] =	ssyncadd.remote.s32 @p0 $0x1;
	_ =	sdelay $0x1  }
0xac: {  	s6 =	simm.s32 @p0 $0x1B8D  }
0xad: {  	_ =	swait.eq @p0 [sflag:s6], $0x1  }
0xae: {  	[sflag:s6] =	ssyncadd.s32 @p0 $0xFFFFFFFF  }
0xaf: {  	s7 =	sshll.u32 @!p0 s1, $0xE  }
0xb0: {  	s7 =	sor.u32 @!p0 $0x4000, s7;
	s6 =	simm.s32 @!p0 $0x1B8D  }
0xb1: {  	s5 =	sshll.u32 @!p0 s5, $0x11;
	s7 =	sadd.s32 @!p0 $0x11B8D, s7;
	_ =	swait.eq @!p0 [sflag:s6], $0x1  }
0xb2: {  	s5 =	sor.u32 @!p0 s5, s7;
	[sflag:s6] =	ssyncadd.s32 @!p0 $0xFFFFFFFF  }
0xb3: {  	s25 =	simm.s32 $0x1B8E;
	s24 =	sld [smem:$0x3FFE];
	[sflag:s5] =	ssyncadd.remote.s32 @!p0 $0x1  }
0xb4: {  	s26 =	simm.s32 $execute0_lowered;
	[smem:$0x3FD2] =	sst s25  }
0xb5: {  	s6 =	sshll.u32 s26, $0x1;
	_ =	strace $0x80000055;
	[dreg:$0x1] =	wrdreg $0xFFFFFFFF  }
0xb6: {  	s28 =	simm.s32 $_size_execute0_lowered;
	s4 =	sadd.s32 s4, s6;
	[dreg:$0x0] =	wrdreg $0x0  }
0xb7: {  	s6 =	sshll.u32 s28, $0x1;
	[dreg:$0x2] =	wrdreg s4  }
0xb8: {  	[dreg:$0x3] =	wrdreg s6  }
0xb9: {  	[dreg:$0x4] =	wrdreg $0xC0  }
0xba: {  	_ =	task [dreg:s22], $0x5FFFF  }
0xbb: {  	[dreg:$0x1] =	wrdreg $0xFFFFFFFF  }
0xbc: {  	[dreg:$0x0] =	wrdreg $0x60  }
0xbd: {  	[dreg:$0x2] =	wrdreg s18  }
0xbe: {  	[dreg:$0x3] =	wrdreg s24  }
0xbf: {  	[dreg:$0x4] =	wrdreg $0xA  }
0xc0: {  	_ =	task.clear_ibuf [dreg:s22], $0x5FFFF;
	_ =	strace $0x90000055  }
0xc1: {  	s29 =	simm.s32 $0xA;
	_ =	strace $0x80000057  }
0xc2: {  	_ =	swait.ge [sflag:s29], $0x1  }
0xc3: {  	[sflag:s29] =	ssyncadd.s32 $0xFFFFFFFF  }
0xc4: {  	_ =	strace $0x90000057  }
0xc5: {  	_ =	sfence  }
0xc6: {  	s30 =	sld [smem:$0x0];
	_ =	sdelay $0x2  }
0xc7: {  	s31 =	sshll.u32 s1, $0xD;
	s1 =	sshrl.u32 s1, $0x2  }
0xc8: {  	s4 =	sand.u32 $0x4000, s31;
	s1 =	sadd.s32 s1, s30  }
0xc9: {  	s0 =	sor.u32 s4, s0;
	s1 =	sshll.u32 s1, $0x11  }
0xca: {  	s0 =	sor.u32 s1, s0  }
0xcb: {  	s0 =	sadd.s32 $0x8F2B, s0  }
0xcc: {  	[sflag:s0] =	ssyncadd.remote.s32 $0x1  }
0xcd: {  	_ =	sfence.sel $0xFFFF  }
0xce: {  	[dreg:$0x0] =	wrdreg $0xFFFFFFFF;
	(pc) =	sbr.abs _section_cstart, $3  }
0xcf: {  	[dreg:$0x1] =	wrdreg $0xFFFFFFFF  }
0xd0: {  	_ =	task.clear_ibuf [dreg:s22], $0x2FFFF;
	_ =	strace $0x9FFFFFFF  }
0xd1: {  	(tm) =	ssettm $0x7FFFFFFF  }
tec
execute0_lowered:
.L_overlay_start_1:
0x0: {  	(tag) =	ssettag $0x1  }
0x1: {  	s2 =	rddreg [dreg:$0x0]  }
0x2: {  	s8 =	rddreg [dreg:$0x1]  }
0x3: {  	s0 =	rddreg [dreg:$0x2];
	s1 =	stileid.u32  }
0x4: {  	s3 =	srdreg.scid;
	_ =	strace $0x80000056;
	s4 =	simm.s32 $0x1  }
0x5: {  	s7 =	simm.s32 $0x1;
	s9 =	simm.s32 $0x1;
	s10 =	simm.s32 $0x3  }
0x6: {  	s13 =	simm.s32 $0x0;
	s5 =	sand.u32 $0x1, s3;
	s6 =	sshll.u32 s1, $0x1  }
0x7: {  	s12 =	simm.s32 $0x0;
	s3 =	sadd.s32 $0xC600, s8;
	s5 =	sor.u32 s6, s5  }
.Ltmp0:
0x8: {  	[sflag:s4] =	ssyncpa.u1 $0x0;
	p0 =	slt.u32 s5, $0x13;
	(pc) =	sbr.rel .LBB2_1-.Ltmp0, $4  }
0x9: {  	s6 =	simm.s32 $0x2;
	s7 =	simm.s32 @!p0 $0x0;
	p0 =	sne.s32 s5, $0x12  }
0xa: {  	[sflag:s6] =	ssyncpa.u1 $0x0;
	s5 =	smul.u32 $0x7D0, s5;
	s9 =	simm.s32 @!p0 $0x0  }
0xb: {  	s8 =	sadd.s32 $0x1F200, s8;
	[sflag:s10] =	ssyncpa.u1 $0x0;
	s7 =	sadd.s32 s9, s7  }
0xc: {  	vm0 =	vmmov $0xffff;
	s10 =	simm.s32 $0x0;
	s11 =	smov.u32 s5;
	s9 =	sadd.s32 $0x1, s7  }
.LBB2_4:
0xd: {  	v2 =	vnsel vm1, $0x0, v2  }
0xe: {  	vm1 =	vgt.s32 v0, $0x0;
	v2 =	vmin.u32 v2, $0x3FFFF  }
0xf: {  	v0 =	vnsel vm1, $0x0, v0  }
0x10: {  	v0 =	vmin.u32 v0, $0x3FFFF  }
0x11: {  	[tilespmem:s18], [sflag:$0x1] =	stream.indirect_vreg.gather [hbm4b:s2+s10], $0x1, v1, vm0, $0x4038;
	[tilespmem:$0x1F40] =	vst v63  }
0x12: {  	(ifvalue) =	ssetifvalue $0x7FFFFFFF  }
0x13: {  	[tilespmem:s15], [sflag:$0x1] =	stream.indirect_vreg.gather [hbm4b:s2+s10], $0x1, v2, vm0, $0x4038;
	[tilespmem:$0x1F40] =	vst v63  }
0x14: {  	s29 =	sadd.s32 $0x10, s15;
	(ifvalue) =	ssetifvalue $0x7FFFFFFF  }
0x15: {  	[tilespmem:s29], [sflag:$0x1] =	stream.indirect_vreg.gather [hbm4b:s2+s10], $0x1, v0, vm0, $0x4038;
	[tilespmem:$0x1F40] =	vst v63  }
0x16: {  	_ =	swait.ge [sflag:s4], $0x7D0  }
0x17: {  	s30 =	sshrl.u32 s13, $0x3;
	[sflag:s4] =	ssyncset.done $0x0  }
0x18: {  	s31 =	sand.u32 $0x7, s13;
	s15 =	sadd.s32 s8, s30;
	[sflag:s4] =	ssyncadd.s32 $0xFFFFF830  }
0x19: {  	[hbm4b:s15+s31] =	stream.linear.scatter [tilespmem:s14], [sflag:$0x3], $0x7D0, $0x38;
	[tilespmem:$0x1F40] =	vst v63  }
.LBB2_5:
0x1a: {  	s15 =	sadd.s32 $0xFA00, s11  }
0x1b: {  	p1 =	sgt.s32 s15, $0x1869F  }
0x1c: {  	s15 =	smov.u32 @p1 s5;
	p1 =	sne.s32 s12, s9  }
.Ltmp1:
0x1d: {  	p0 =	slt.u32 s12, $0x2;
	(pc) =	sbr.rel @!p1 .LBB2_6-.Ltmp1, $4  }
0x1e: {  	s14 =	simm.s32 @!p0 $0x3  }
0x1f: {  	_ =	swait.ge @!p0 [sflag:s14], $0x7D0  }
0x20: {  	s16 =	sadd.s32 $0x1, s12;
	s13 =	smov.u32 s11;
	[sflag:s14] =	ssyncset.done @!p0 $0x0  }
0x21: {  	s12 =	smov.u32 s16;
	s11 =	smov.u32 s15;
	[sflag:s14] =	ssyncadd.s32 @!p0 $0xFFFFF830  }
.LBB2_1:
0x22: {  	p0 =	sge.u32 s12, s7  }
0x23: {  	s14 =	sxor.u32 @!p0 $0x1, s12  }
0x24: {  	s14 =	smul.u32 @!p0 $0x1F40, s14  }
0x25: {  	s31 =	sadd.s32 $0xFFFFFFFF, s12;
	s15 =	sshrl.u32 @!p0 s11, $0x3  }
0x26: {  	s16 =	sand.u32 @!p0 $0x7, s11;
	s15 =	sadd.s32 @!p0 s3, s15;
	s14 =	sshra.s32 @!p0 s14, $0x2  }
0x27: {  	[tilespmem:s14], [sflag:$0x2] =	stream.linear.gather @!p0 [hbm4b:s15+s16], $0x7D0, $0x38;
	[tilespmem:$0x1F40] =	vst v63  }
0x28: {  	p0 =	sge.u32 s31, s7  }
.Ltmp2:
0x29: {  	_ = 	snop;
	(pc) =	sbr.rel @p0 .LBB2_5-.Ltmp2, $1  }
0x2a: {  	_ =	sdelay $0x3  }
0x2b: {  	s14 =	sand.u32 $0x1, s12  }
0x2c: {  	_ =	swait.ge [sflag:s6], $0x7D0;
	p0 =	seq.s32 s14, $0x1;
	s14 =	simm.s32 $0x7D0  }
0x2d: {  	[sflag:s6] =	ssyncset.done $0x0;
	s14 =	simm.s32 @!p0 $0x0  }
0x2e: {  	[sflag:s6] =	ssyncadd.s32 $0xFFFFF830;
	(ifvalue) =	ssetifvalue $0x7FFFFFFF;
	v0 =	vld.msk [tilespmem:s14+$0x0 ss:$0x1], $0xffff;
	_ =	sdelay $0x4  }
0x2f: {  	s15 =	sadd.s32 $0x10, s14;
	vm1 =	vgt.s32 v0, $0x0  }
0x30: {  	v2 =	vld.msk [tilespmem:s15+$0x0 ss:$0x1], $0xffff;
	v1 =	vnsel vm1, $0x0, v0  }
0x31: {  	v1 =	vmin.u32 v1, $0x3FFFF;
	_ =	sdelay $0x2  }
0x32: {  	s17 =	simm.s32 $0x20;
	s14 =	sadd.s32 $0xFA0, s14;
	s16 =	sadd.s32 $0x10, s15  }
0x33: {  	s15 =	sadd.s32 $0x10, s14;
	s18 =	smov.u32 s14;
	v0 =	vld.msk [tilespmem:s16+$0x0 ss:$0x1], $0xffff;
	vm1 =	vgt.s32 v2, $0x0;
	(ifvalue) =	ssetifvalue $0x7FFFFFFF  }
.LBB2_3:
0x34: {  	[tilespmem:s18], [sflag:$0x1] =	stream.indirect_vreg.gather [hbm4b:s2+s10], $0x1, v1, vm0, $0x4038;
	[tilespmem:$0x1F40] =	vst v63  }
0x35: {  	s17 =	sadd.s32 $0x10, s17  }
0x36: {  	v2 =	vnsel vm1, $0x0, v2;
	p0 =	slt.u32 s17, $0x7C0  }
.Ltmp3:
0x37: {  	s18 =	smov.u32 s15;
	v1 =	vmin.u32 v2, $0x3FFFF;
	(pc) =	sbr.rel @p0 .LBB2_3-.Ltmp3, $3  }
0x38: {  	_ =	sdelay $0x1  }
0x39: {  	s16 =	sadd.s32 $0x10, s16  }
0x3a: {  	vm1 =	vgt.s32 v0, $0x0;
	s15 =	sadd.s32 $0x10, s15;
	v2 =	vmov v0;
	(ifvalue) =	ssetifvalue $0x7FFFFFFF;
	v0 =	vld.msk [tilespmem:s16+$0x0 ss:$0x1], $0xffff  }
.Ltmp4:
0x3b: {  	_ = 	snop;
	(pc) =	sbr.rel .LBB2_4-.Ltmp4, $1  }
0x3c: {  	_ =	sdelay $0x3  }
.LBB2_6:
0x3d: {  	_ =	sfence.sel $0x180000  }
0x3e: {  	s2 =	simm.s32 $0x2;
	[bflag:$0x0] =	sbarrier.arrive $0xFFFF  }
0x3f: {  	s30 =	simm.s32 $0x3;
	[sflag:s2] =	ssyncpa.u1 $0x1  }
0x40: {  	s31 =	simm.s32 $0x1;
	[sflag:s30] =	ssyncpa.u1 $0x1  }
0x41: {  	[sflag:s31] =	ssyncpa.u1 $0x1  }
0x42: {  	p0 =	sne.s32 s1, $0x0;
	_ =	strace $0x90000056  }
0x43: {  	s0 =	sadd.s32 @!p0 $0x100000, s0;
	[bflag:$0x2] =	sbarrier.arrive $0xFFFF  }
0x44: {  	[sflag:s0] =	ssyncadd.tile.s32 @!p0 $0x1;
	_ =	shalt  }
.Lfunc_end2:
_tile_overlayer_lowered:
.L_overlay_start_2:
0x45: {  	(tag) =	ssettag $0x2  }
0x46: {  	s0 =	rddreg [dreg:$0x0];
	s2 =	stileid.u32  }
0x47: {  	s1 =	rddreg [dreg:$0x1];
	p0 =	sne.s32 s2, $0x0  }
0x48: {  	s3 =	rddreg [dreg:$0x2];
	[bflag:$0x3] =	sbarrier.arrive $0xFFFF;
	s2 =	simm.s32 @!p0 $0x1C01  }
0x49: {  	[timem:s3], [sflag:s2] =	dma.local @!p0 [hbm:s0], s1  }
0x4a: {  	s0 =	simm.s32 @!p0 $0x1  }
0x4b: {  	_ =	swait.ge @!p0 [sflag:s0], s1  }
0x4c: {  	s1 =	ssub.s32 @!p0 $0x0, s1;
	[sflag:s0] =	ssyncset.done @!p0 $0x0  }
0x4d: {  	[sflag:s0] =	ssyncadd.s32 @!p0 s1  }
0x4e: {  	[bflag:$0x3] =	sbarrier.arrive $0xFFFF  }
0x4f: {  	_ =	shalt  }

// kernel: gather_offload_async_start.4
scs
__scs_entry_jumppad:
0x0: {  	(pc) =	sbr.rel $0x88, $3  }
0x1: {  	(tag) =	ssettag $0x0;
	lr =	simm.s32 $0x1  }
0x2: {  	[smem:$0x3F9C] =	sst lr;
	_ =	strace $0xD0000000  }
0x3: {  	_ = 	snop  }
0x4: {  	_ = 	snop  }
0x5: {  	_ = 	snop  }
0x6: {  	_ = 	snop  }
0x7: {  	_ = 	snop  }
__scs_overlays_trampoline_lowered:
0x8: {  	[smem:$0x3FAB] =	sst s0  }
0x9: {  	[smem:$0x3FAC] =	sst s1  }
0xa: {  	[smem:$0x3FAD] =	sst s2  }
0xb: {  	[smem:$0x3FAE] =	sst s3  }
0xc: {  	[smem:$0x3FAF] =	sst s4  }
0xd: {  	[smem:$0x3FB0] =	sst s5  }
0xe: {  	[smem:$0x3FB1] =	sst s6  }
0xf: {  	[smem:$0x3FB2] =	sst s7  }
0x10: {  	[smem:$0x3FB3] =	sst s8  }
0x11: {  	[smem:$0x3FB4] =	sst s9;
	s0 =	simm.s32 @!p0 $0x0  }
0x12: {  	s1 =	sld [smem:$0x3F9A];
	s0 =	simm.s32 @p0 $0x1  }
0x13: {  	[smem:$0x3FB5] =	sst s0;
	s0 =	simm.s32 @!p1 $0x0  }
0x14: {  	s2 =	sld [smem:$0x3F99];
	s0 =	simm.s32 @p1 $0x1  }
0x15: {  	[smem:$0x3FB6] =	sst s0;
	s0 =	simm.s32 @!p2 $0x0  }
0x16: {  	s3 =	sld [smem:$0x3FDB];
	s0 =	simm.s32 @p2 $0x1  }
0x17: {  	s4 =	simm.s32 $0x1BF5;
	[smem:$0x3FB8] =	sst s0  }
0x18: {  	s0 =	sld [smem:$0x3F9B];
	_ =	swait.ge [sflag:s4], $0x0  }
0x19: {  	s7 =	sld [smem:$0x3F9C]  }
0x1a: {  	s8 =	sadd.s32 $0xFFFFE003, lr  }
0x1b: {  	s9 =	sadd.s32 $0xFFFFFEF7, lr;
	s5 =	simm.s32 $0xFFFFFFFF;
	p2 =	slt.u32 s8, $0xFFFFF086  }
0x1c: {  	p1 =	slt.u32 s9, $0xF7A;
	s5 =	simm.s32 @!p2 $0x0  }
0x1d: {  	s5 =	simm.s32 @p1 $0x1;
	p0 =	seq.s32 s7, s2  }
0x1e: {  	s7 =	smul.u32 @!p0 $0xF7A, s2;
	p2 =	seq.s32 @!p0 s5, $0x0  }
0x1f: {  	s9 =	smul.u32 $0xF7A, s1;
	s8 =	simm.s32 @!p0 $0x1BF5;
	p2 =	por !p2, p0  }
0x20: {  	[sflag:s8] =	ssyncset.s32 @!p0 $0xFFFFF086;
	s6 =	sadd.s32 @!p0 s3, s7;
	s7 =	simm.s32 @!p0 $0x108  }
0x21: {  	s3 =	sadd.s32 s3, s9;
	s6 =	sadd.s32 @!p0 $0x88, s6;
	s7 =	simm.s32 @p2 $0x1082  }
0x22: {  	[simem:s7], [sflag:s8] =	dma.local @!p0 [hbm:s6], $0xF7A  }
0x23: {  	s9 =	sor.u32 $0xD0000000, s2;
	s6 =	simm.s32 $0x108;
	_ =	swait.ge @!p0 [sflag:s8], $0x0  }
0x24: {  	s3 =	sadd.s32 $0x88, s3;
	s6 =	simm.s32 @!p1 $0x1082;
	[sflag:s4] =	ssyncset.s32 $0xFFFFF086  }
0x25: {  	[simem:s6], [sflag:s4] =	dma.local [hbm:s3], $0xF7A  }
0x26: {  	[smem:$0x3F9C] =	sst s1;
	(tag) =	ssettag s2;
	_ =	strace s9  }
0x27: {  	s1 =	sld [smem:$0x3FAC]  }
0x28: {  	s2 =	sld [smem:$0x3FAD]  }
0x29: {  	s4 =	sld [smem:$0x3FAF]  }
0x2a: {  	p0 =	seq.s32 s5, $0x0;
	s5 =	sld [smem:$0x3FB0]  }
0x2b: {  	s6 =	sld [smem:$0x3FB1]  }
0x2c: {  	s7 =	sld [smem:$0x3FB2]  }
0x2d: {  	s3 =	simm.s32 $0x108;
	s8 =	sld [smem:$0x3FB3]  }
0x2e: {  	s3 =	simm.s32 @!p0 $0x1082;
	s9 =	sld [smem:$0x3FB4]  }
0x2f: {  	lr =	sadd.s32 s0, s3;
	s0 =	sld [smem:$0x3FAB]  }
0x30: {  	s3 =	sld [smem:$0x3FAE]  }
0x31: {  	[smem:$0x3FB7] =	sst s10  }
0x32: {  	s10 =	sld [smem:$0x3FB5];
	_ =	sdelay $0x3  }
0x33: {  	p0 =	seq.s32 s10, $0x1;
	s10 =	sld [smem:$0x3FB7];
	_ =	sdelay $0x3  }
0x34: {  	[smem:$0x3FB7] =	sst s10  }
0x35: {  	s10 =	sld [smem:$0x3FB6];
	_ =	sdelay $0x3  }
0x36: {  	p1 =	seq.s32 s10, $0x1;
	s10 =	sld [smem:$0x3FB7];
	_ =	sdelay $0x3  }
0x37: {  	[smem:$0x3FB7] =	sst s10  }
0x38: {  	s10 =	sld [smem:$0x3FB8]  }
0x39: {  	_ = 	snop;
	(pc) =	sbr.ind lr, $3  }
0x3a: {  	_ = 	snop  }
0x3b: {  	_ = 	snop  }
0x3c: {  	p2 =	seq.s32 s10, $0x1;
	s10 =	sld [smem:$0x3FB7]  }
0x3d: {  	_ =	shalt  }
0x3e: {  	_ =	shalt  }
0x3f: {  	_ =	shalt  }
0x40: {  	_ =	shalt  }
0x41: {  	_ =	shalt  }
0x42: {  	_ =	shalt  }
0x43: {  	_ =	shalt  }
0x44: {  	_ =	shalt  }
0x45: {  	_ =	shalt  }
0x46: {  	_ =	shalt  }
0x47: {  	_ =	shalt  }
0x48: {  	_ =	shalt  }
0x49: {  	_ =	shalt  }
0x4a: {  	_ =	shalt  }
0x4b: {  	_ =	shalt  }
0x4c: {  	_ =	shalt  }
0x4d: {  	_ =	shalt  }
0x4e: {  	_ =	shalt  }
0x4f: {  	_ =	shalt  }
0x50: {  	_ =	shalt  }
0x51: {  	_ =	shalt  }
0x52: {  	_ =	shalt  }
0x53: {  	_ =	shalt  }
0x54: {  	_ =	shalt  }
0x55: {  	_ =	shalt  }
0x56: {  	_ =	shalt  }
0x57: {  	_ =	shalt  }
0x58: {  	_ =	shalt  }
0x59: {  	_ =	shalt  }
0x5a: {  	_ =	shalt  }
0x5b: {  	_ =	shalt  }
0x5c: {  	_ =	shalt  }
0x5d: {  	_ =	shalt  }
0x5e: {  	_ =	shalt  }
0x5f: {  	_ =	shalt  }
0x60: {  	_ =	shalt  }
0x61: {  	_ =	shalt  }
0x62: {  	_ =	shalt  }
0x63: {  	_ =	shalt  }
0x64: {  	_ =	shalt  }
0x65: {  	_ =	shalt  }
0x66: {  	_ =	shalt  }
0x67: {  	_ =	shalt  }
0x68: {  	_ =	shalt  }
0x69: {  	_ =	shalt  }
0x6a: {  	_ =	shalt  }
0x6b: {  	_ =	shalt  }
0x6c: {  	_ =	shalt  }
0x6d: {  	_ =	shalt  }
0x6e: {  	_ =	shalt  }
0x6f: {  	_ =	shalt  }
0x70: {  	_ =	shalt  }
0x71: {  	_ =	shalt  }
0x72: {  	_ =	shalt  }
0x73: {  	_ =	shalt  }
0x74: {  	_ =	shalt  }
0x75: {  	_ =	shalt  }
0x76: {  	_ =	shalt  }
0x77: {  	_ =	shalt  }
0x78: {  	_ =	shalt  }
0x79: {  	_ =	shalt  }
0x7a: {  	_ =	shalt  }
0x7b: {  	_ =	shalt  }
0x7c: {  	_ =	shalt  }
0x7d: {  	_ =	shalt  }
0x7e: {  	_ =	shalt  }
0x7f: {  	_ =	shalt  }
0x80: {  	_ =	shalt  }
0x81: {  	_ =	shalt  }
0x82: {  	_ =	shalt  }
0x83: {  	_ =	shalt  }
0x84: {  	_ =	shalt  }
0x85: {  	_ =	shalt  }
0x86: {  	_ =	shalt  }
0x87: {  	_ =	shalt  }
.Lfunc_end0:
.L_simem_size_0:
called_computation.5_lowered:
.L_overlay_start_0:
0x88: {  	s2 =	sld [smem:$0x3FD9]  }
0x89: {  	s3 =	sld [smem:$0x3FFE];
	_ =	sdelay $0x1  }
0x8a: {  	s1 =	srdreg.scid  }
0x8b: {  	s0 =	sand.u32 $0x1, s1  }
0x8c: {  	s17 =	sshll.u32 s0, $0xA;
	s2 =	sadd.s32 s3, s2  }
0x8d: {  	s2 =	sadd.s32 s2, s17  }
0x8e: {  	[smem:$0x3FC3] =	sst s2  }
0x8f: {  	_ = 	snop  }
0x90: {  	s18 =	sld [smem:$0x3FD0];
	(tm) =	ssettm $0x1  }
0x91: {  	s19 =	sld [smem:$0x3FFB];
	_ =	sdelay $0x3  }
0x92: {  	_ =	strace s19  }
0x93: {  	s2 =	sld [smem:$0x3FFC];
	_ =	sdelay $0x3  }
0x94: {  	_ =	strace s2  }
0x95: {  	s2 =	sld [smem:$0x3FFD];
	_ =	sdelay $0x3  }
0x96: {  	_ =	strace s2  }
0x97: {  	_ =	strace $0x8FFFFFFF  }
0x98: {  	s20 =	sld [smem:$0x3FDB];
	_ =	sdelay $0x1  }
0x99: {  	s4 =	simm.s32 $_scs_section_size  }
0x9a: {  	s5 =	simm.s32 $_size__tile_overlayer_lowered;
	s6 =	simm.s32 $_tile_overlayer_lowered  }
0x9b: {  	s7 =	simm.s32 $0x1BFF;
	s21 =	sshll.u32 s6, $0x1;
	s4 =	sadd.s32 s4, s20  }
0x9c: {  	s22 =	simm.s32 $0x0;
	s5 =	sshll.u32 s5, $0x1;
	s6 =	sadd.s32 s21, s4  }
0x9d: {  	[timem:s22], [sflag:s7] =	dma.local [hbm:s6], s5  }
0x9e: {  	_ =	swait.ge [sflag:s7], s5  }
0x9f: {  	s5 =	ssub.s32 $0x0, s5;
	[sflag:s7] =	ssyncset.done $0x0  }
0xa0: {  	[sflag:s7] =	ssyncadd.s32 s5;
	_ =	sdelay $0x1  }
0xa1: {  	s23 =	simm.s32 $0x1B8B  }
0xa2: {  	_ =	swait.ge [sflag:s23], $0x1  }
0xa3: {  	[sflag:s23] =	ssyncset.done $0x0  }
0xa4: {  	[sflag:s23] =	ssyncadd.s32 $0xFFFFFFFF  }
0xa5: {  	s5 =	sld [smem:$0x0]  }
0xa6: {  	s6 =	sand.u32 $0xFFFFFFFE, s1  }
0xa7: {  	p0 =	sne.s32 s1, s6  }
0xa8: {  	s6 =	sshll.u32 @p0 s6, $0xE  }
0xa9: {  	s6 =	sadd.s32 @p0 $0x11B8D, s6;
	s7 =	sshll.u32 @p0 s5, $0x11  }
0xaa: {  	s6 =	sor.u32 @p0 s7, s6  }
0xab: {  	[sflag:s6] =	ssyncadd.remote.s32 @p0 $0x1;
	_ =	sdelay $0x1  }
0xac: {  	s6 =	simm.s32 @p0 $0x1B8D  }
0xad: {  	_ =	swait.eq @p0 [sflag:s6], $0x1  }
0xae: {  	[sflag:s6] =	ssyncadd.s32 @p0 $0xFFFFFFFF  }
0xaf: {  	s7 =	sshll.u32 @!p0 s1, $0xE  }
0xb0: {  	s7 =	sor.u32 @!p0 $0x4000, s7;
	s6 =	simm.s32 @!p0 $0x1B8D  }
0xb1: {  	s5 =	sshll.u32 @!p0 s5, $0x11;
	s7 =	sadd.s32 @!p0 $0x11B8D, s7;
	_ =	swait.eq @!p0 [sflag:s6], $0x1  }
0xb2: {  	s5 =	sor.u32 @!p0 s5, s7;
	[sflag:s6] =	ssyncadd.s32 @!p0 $0xFFFFFFFF  }
0xb3: {  	s25 =	simm.s32 $0x1B8E;
	s24 =	sld [smem:$0x3FFE];
	[sflag:s5] =	ssyncadd.remote.s32 @!p0 $0x1  }
0xb4: {  	s26 =	simm.s32 $execute0_lowered;
	[smem:$0x3FD2] =	sst s25  }
0xb5: {  	s6 =	sshll.u32 s26, $0x1;
	_ =	strace $0x80000052;
	[dreg:$0x1] =	wrdreg $0xFFFFFFFF  }
0xb6: {  	s28 =	simm.s32 $_size_execute0_lowered;
	s4 =	sadd.s32 s4, s6;
	[dreg:$0x0] =	wrdreg $0x0  }
0xb7: {  	s6 =	sshll.u32 s28, $0x1;
	[dreg:$0x2] =	wrdreg s4  }
0xb8: {  	[dreg:$0x3] =	wrdreg s6  }
0xb9: {  	[dreg:$0x4] =	wrdreg $0xC0  }
0xba: {  	_ =	task [dreg:s22], $0x5FFFF  }
0xbb: {  	[dreg:$0x1] =	wrdreg $0xFFFFFFFF  }
0xbc: {  	[dreg:$0x0] =	wrdreg $0x60  }
0xbd: {  	[dreg:$0x2] =	wrdreg s18  }
0xbe: {  	[dreg:$0x3] =	wrdreg s24  }
0xbf: {  	[dreg:$0x4] =	wrdreg $0x9  }
0xc0: {  	_ =	task.clear_ibuf [dreg:s22], $0x5FFFF;
	_ =	strace $0x90000052  }
0xc1: {  	s29 =	simm.s32 $0x9;
	_ =	strace $0x80000054  }
0xc2: {  	_ =	swait.ge [sflag:s29], $0x1  }
0xc3: {  	[sflag:s29] =	ssyncadd.s32 $0xFFFFFFFF  }
0xc4: {  	_ =	strace $0x90000054  }
0xc5: {  	_ =	sfence  }
0xc6: {  	s30 =	sld [smem:$0x0];
	_ =	sdelay $0x2  }
0xc7: {  	s31 =	sshll.u32 s1, $0xD;
	s1 =	sshrl.u32 s1, $0x2  }
0xc8: {  	s4 =	sand.u32 $0x4000, s31;
	s1 =	sadd.s32 s1, s30  }
0xc9: {  	s0 =	sor.u32 s4, s0;
	s1 =	sshll.u32 s1, $0x11  }
0xca: {  	s0 =	sor.u32 s1, s0  }
0xcb: {  	s0 =	sadd.s32 $0x8F2B, s0  }
0xcc: {  	[sflag:s0] =	ssyncadd.remote.s32 $0x1  }
0xcd: {  	_ =	sfence.sel $0xFFFF  }
0xce: {  	[dreg:$0x0] =	wrdreg $0xFFFFFFFF;
	(pc) =	sbr.abs _section_cstart, $3  }
0xcf: {  	[dreg:$0x1] =	wrdreg $0xFFFFFFFF  }
0xd0: {  	_ =	task.clear_ibuf [dreg:s22], $0x2FFFF;
	_ =	strace $0x9FFFFFFF  }
0xd1: {  	(tm) =	ssettm $0x7FFFFFFF  }
tec
execute0_lowered:
.L_overlay_start_1:
0x0: {  	(tag) =	ssettag $0x1  }
0x1: {  	s2 =	rddreg [dreg:$0x0]  }
0x2: {  	s8 =	rddreg [dreg:$0x1]  }
0x3: {  	s0 =	rddreg [dreg:$0x2];
	s1 =	stileid.u32  }
0x4: {  	s3 =	srdreg.scid;
	_ =	strace $0x80000053;
	s4 =	simm.s32 $0x1  }
0x5: {  	s7 =	simm.s32 $0x1;
	s9 =	simm.s32 $0x1;
	s10 =	simm.s32 $0x3  }
0x6: {  	s13 =	simm.s32 $0x0;
	s5 =	sand.u32 $0x1, s3;
	s6 =	sshll.u32 s1, $0x1  }
0x7: {  	s12 =	simm.s32 $0x0;
	s3 =	sadd.s32 $0x9400, s8;
	s5 =	sor.u32 s6, s5  }
.Ltmp0:
0x8: {  	[sflag:s4] =	ssyncpa.u1 $0x0;
	p0 =	slt.u32 s5, $0x13;
	(pc) =	sbr.rel .LBB2_1-.Ltmp0, $4  }
0x9: {  	s6 =	simm.s32 $0x2;
	s7 =	simm.s32 @!p0 $0x0;
	p0 =	sne.s32 s5, $0x12  }
0xa: {  	[sflag:s6] =	ssyncpa.u1 $0x0;
	s5 =	smul.u32 $0x7D0, s5;
	s9 =	simm.s32 @!p0 $0x0  }
0xb: {  	s8 =	sadd.s32 $0x1B8800, s8;
	[sflag:s10] =	ssyncpa.u1 $0x0;
	s7 =	sadd.s32 s9, s7  }
0xc: {  	vm0 =	vmmov $0xffff;
	s10 =	simm.s32 $0x0;
	s11 =	smov.u32 s5;
	s9 =	sadd.s32 $0x1, s7  }
.LBB2_4:
0xd: {  	v2 =	vnsel vm1, $0x0, v2  }
0xe: {  	vm1 =	vgt.s32 v0, $0x0;
	v2 =	vmin.u32 v2, $0x3FFFF  }
0xf: {  	v0 =	vnsel vm1, $0x0, v0  }
0x10: {  	v0 =	vmin.u32 v0, $0x3FFFF  }
0x11: {  	[tilespmem:s18], [sflag:$0x1] =	stream.indirect_vreg.gather [hbm4b:s2+s10], $0x1, v1, vm0, $0x4038;
	[tilespmem:$0x1F40] =	vst v63  }
0x12: {  	(ifvalue) =	ssetifvalue $0x7FFFFFFF  }
0x13: {  	[tilespmem:s15], [sflag:$0x1] =	stream.indirect_vreg.gather [hbm4b:s2+s10], $0x1, v2, vm0, $0x4038;
	[tilespmem:$0x1F40] =	vst v63  }
0x14: {  	s29 =	sadd.s32 $0x10, s15;
	(ifvalue) =	ssetifvalue $0x7FFFFFFF  }
0x15: {  	[tilespmem:s29], [sflag:$0x1] =	stream.indirect_vreg.gather [hbm4b:s2+s10], $0x1, v0, vm0, $0x4038;
	[tilespmem:$0x1F40] =	vst v63  }
0x16: {  	_ =	swait.ge [sflag:s4], $0x7D0  }
0x17: {  	s30 =	sshrl.u32 s13, $0x3;
	[sflag:s4] =	ssyncset.done $0x0  }
0x18: {  	s31 =	sand.u32 $0x7, s13;
	s15 =	sadd.s32 s8, s30;
	[sflag:s4] =	ssyncadd.s32 $0xFFFFF830  }
0x19: {  	[hbm4b:s15+s31] =	stream.linear.scatter [tilespmem:s14], [sflag:$0x3], $0x7D0, $0x38;
	[tilespmem:$0x1F40] =	vst v63  }
.LBB2_5:
0x1a: {  	s15 =	sadd.s32 $0xFA00, s11  }
0x1b: {  	p1 =	sgt.s32 s15, $0x1869F  }
0x1c: {  	s15 =	smov.u32 @p1 s5;
	p1 =	sne.s32 s12, s9  }
.Ltmp1:
0x1d: {  	p0 =	slt.u32 s12, $0x2;
	(pc) =	sbr.rel @!p1 .LBB2_6-.Ltmp1, $4  }
0x1e: {  	s14 =	simm.s32 @!p0 $0x3  }
0x1f: {  	_ =	swait.ge @!p0 [sflag:s14], $0x7D0  }
0x20: {  	s16 =	sadd.s32 $0x1, s12;
	s13 =	smov.u32 s11;
	[sflag:s14] =	ssyncset.done @!p0 $0x0  }
0x21: {  	s12 =	smov.u32 s16;
	s11 =	smov.u32 s15;
	[sflag:s14] =	ssyncadd.s32 @!p0 $0xFFFFF830  }
.LBB2_1:
0x22: {  	p0 =	sge.u32 s12, s7  }
0x23: {  	s14 =	sxor.u32 @!p0 $0x1, s12  }
0x24: {  	s14 =	smul.u32 @!p0 $0x1F40, s14  }
0x25: {  	s31 =	sadd.s32 $0xFFFFFFFF, s12;
	s15 =	sshrl.u32 @!p0 s11, $0x3  }
0x26: {  	s16 =	sand.u32 @!p0 $0x7, s11;
	s15 =	sadd.s32 @!p0 s3, s15;
	s14 =	sshra.s32 @!p0 s14, $0x2  }
0x27: {  	[tilespmem:s14], [sflag:$0x2] =	stream.linear.gather @!p0 [hbm4b:s15+s16], $0x7D0, $0x38;
	[tilespmem:$0x1F40] =	vst v63  }
0x28: {  	p0 =	sge.u32 s31, s7  }
.Ltmp2:
0x29: {  	_ = 	snop;
	(pc) =	sbr.rel @p0 .LBB2_5-.Ltmp2, $1  }
0x2a: {  	_ =	sdelay $0x3  }
0x2b: {  	s14 =	sand.u32 $0x1, s12  }
0x2c: {  	_ =	swait.ge [sflag:s6], $0x7D0;
	p0 =	seq.s32 s14, $0x1;
	s14 =	simm.s32 $0x7D0  }
0x2d: {  	[sflag:s6] =	ssyncset.done $0x0;
	s14 =	simm.s32 @!p0 $0x0  }
0x2e: {  	[sflag:s6] =	ssyncadd.s32 $0xFFFFF830;
	(ifvalue) =	ssetifvalue $0x7FFFFFFF;
	v0 =	vld.msk [tilespmem:s14+$0x0 ss:$0x1], $0xffff;
	_ =	sdelay $0x4  }
0x2f: {  	s15 =	sadd.s32 $0x10, s14;
	vm1 =	vgt.s32 v0, $0x0  }
0x30: {  	v2 =	vld.msk [tilespmem:s15+$0x0 ss:$0x1], $0xffff;
	v1 =	vnsel vm1, $0x0, v0  }
0x31: {  	v1 =	vmin.u32 v1, $0x3FFFF;
	_ =	sdelay $0x2  }
0x32: {  	s17 =	simm.s32 $0x20;
	s14 =	sadd.s32 $0xFA0, s14;
	s16 =	sadd.s32 $0x10, s15  }
0x33: {  	s15 =	sadd.s32 $0x10, s14;
	s18 =	smov.u32 s14;
	v0 =	vld.msk [tilespmem:s16+$0x0 ss:$0x1], $0xffff;
	vm1 =	vgt.s32 v2, $0x0;
	(ifvalue) =	ssetifvalue $0x7FFFFFFF  }
.LBB2_3:
0x34: {  	[tilespmem:s18], [sflag:$0x1] =	stream.indirect_vreg.gather [hbm4b:s2+s10], $0x1, v1, vm0, $0x4038;
	[tilespmem:$0x1F40] =	vst v63  }
0x35: {  	s17 =	sadd.s32 $0x10, s17  }
0x36: {  	v2 =	vnsel vm1, $0x0, v2;
	p0 =	slt.u32 s17, $0x7C0  }
.Ltmp3:
0x37: {  	s18 =	smov.u32 s15;
	v1 =	vmin.u32 v2, $0x3FFFF;
	(pc) =	sbr.rel @p0 .LBB2_3-.Ltmp3, $3  }
0x38: {  	_ =	sdelay $0x1  }
0x39: {  	s16 =	sadd.s32 $0x10, s16  }
0x3a: {  	vm1 =	vgt.s32 v0, $0x0;
	s15 =	sadd.s32 $0x10, s15;
	v2 =	vmov v0;
	(ifvalue) =	ssetifvalue $0x7FFFFFFF;
	v0 =	vld.msk [tilespmem:s16+$0x0 ss:$0x1], $0xffff  }
.Ltmp4:
0x3b: {  	_ = 	snop;
	(pc) =	sbr.rel .LBB2_4-.Ltmp4, $1  }
0x3c: {  	_ =	sdelay $0x3  }
.LBB2_6:
0x3d: {  	_ =	sfence.sel $0x180000  }
0x3e: {  	s2 =	simm.s32 $0x2;
	[bflag:$0x0] =	sbarrier.arrive $0xFFFF  }
0x3f: {  	s30 =	simm.s32 $0x3;
	[sflag:s2] =	ssyncpa.u1 $0x1  }
0x40: {  	s31 =	simm.s32 $0x1;
	[sflag:s30] =	ssyncpa.u1 $0x1  }
0x41: {  	[sflag:s31] =	ssyncpa.u1 $0x1  }
0x42: {  	p0 =	sne.s32 s1, $0x0;
	_ =	strace $0x90000053  }
0x43: {  	s0 =	sadd.s32 @!p0 $0x100000, s0;
	[bflag:$0x2] =	sbarrier.arrive $0xFFFF  }
0x44: {  	[sflag:s0] =	ssyncadd.tile.s32 @!p0 $0x1;
	_ =	shalt  }
.Lfunc_end2:
_tile_overlayer_lowered:
.L_overlay_start_2:
0x45: {  	(tag) =	ssettag $0x2  }
0x46: {  	s0 =	rddreg [dreg:$0x0];
	s2 =	stileid.u32  }
0x47: {  	s1 =	rddreg [dreg:$0x1];
	p0 =	sne.s32 s2, $0x0  }
0x48: {  	s3 =	rddreg [dreg:$0x2];
	[bflag:$0x3] =	sbarrier.arrive $0xFFFF;
	s2 =	simm.s32 @!p0 $0x1C01  }
0x49: {  	[timem:s3], [sflag:s2] =	dma.local @!p0 [hbm:s0], s1  }
0x4a: {  	s0 =	simm.s32 @!p0 $0x1  }
0x4b: {  	_ =	swait.ge @!p0 [sflag:s0], s1  }
0x4c: {  	s1 =	ssub.s32 @!p0 $0x0, s1;
	[sflag:s0] =	ssyncset.done @!p0 $0x0  }
0x4d: {  	[sflag:s0] =	ssyncadd.s32 @!p0 s1  }
0x4e: {  	[bflag:$0x3] =	sbarrier.arrive $0xFFFF  }
0x4f: {  	_ =	shalt  }

// kernel: gather_offload_async_start.5
scs
__scs_entry_jumppad:
0x0: {  	(pc) =	sbr.rel $0x88, $3  }
0x1: {  	(tag) =	ssettag $0x0;
	lr =	simm.s32 $0x1  }
0x2: {  	[smem:$0x3F9C] =	sst lr;
	_ =	strace $0xD0000000  }
0x3: {  	_ = 	snop  }
0x4: {  	_ = 	snop  }
0x5: {  	_ = 	snop  }
0x6: {  	_ = 	snop  }
0x7: {  	_ = 	snop  }
__scs_overlays_trampoline_lowered:
0x8: {  	[smem:$0x3FAB] =	sst s0  }
0x9: {  	[smem:$0x3FAC] =	sst s1  }
0xa: {  	[smem:$0x3FAD] =	sst s2  }
0xb: {  	[smem:$0x3FAE] =	sst s3  }
0xc: {  	[smem:$0x3FAF] =	sst s4  }
0xd: {  	[smem:$0x3FB0] =	sst s5  }
0xe: {  	[smem:$0x3FB1] =	sst s6  }
0xf: {  	[smem:$0x3FB2] =	sst s7  }
0x10: {  	[smem:$0x3FB3] =	sst s8  }
0x11: {  	[smem:$0x3FB4] =	sst s9;
	s0 =	simm.s32 @!p0 $0x0  }
0x12: {  	s1 =	sld [smem:$0x3F9A];
	s0 =	simm.s32 @p0 $0x1  }
0x13: {  	[smem:$0x3FB5] =	sst s0;
	s0 =	simm.s32 @!p1 $0x0  }
0x14: {  	s2 =	sld [smem:$0x3F99];
	s0 =	simm.s32 @p1 $0x1  }
0x15: {  	[smem:$0x3FB6] =	sst s0;
	s0 =	simm.s32 @!p2 $0x0  }
0x16: {  	s3 =	sld [smem:$0x3FDB];
	s0 =	simm.s32 @p2 $0x1  }
0x17: {  	s4 =	simm.s32 $0x1BF5;
	[smem:$0x3FB8] =	sst s0  }
0x18: {  	s0 =	sld [smem:$0x3F9B];
	_ =	swait.ge [sflag:s4], $0x0  }
0x19: {  	s7 =	sld [smem:$0x3F9C]  }
0x1a: {  	s8 =	sadd.s32 $0xFFFFE003, lr  }
0x1b: {  	s9 =	sadd.s32 $0xFFFFFEF7, lr;
	s5 =	simm.s32 $0xFFFFFFFF;
	p2 =	slt.u32 s8, $0xFFFFF086  }
0x1c: {  	p1 =	slt.u32 s9, $0xF7A;
	s5 =	simm.s32 @!p2 $0x0  }
0x1d: {  	s5 =	simm.s32 @p1 $0x1;
	p0 =	seq.s32 s7, s2  }
0x1e: {  	s7 =	smul.u32 @!p0 $0xF7A, s2;
	p2 =	seq.s32 @!p0 s5, $0x0  }
0x1f: {  	s9 =	smul.u32 $0xF7A, s1;
	s8 =	simm.s32 @!p0 $0x1BF5;
	p2 =	por !p2, p0  }
0x20: {  	[sflag:s8] =	ssyncset.s32 @!p0 $0xFFFFF086;
	s6 =	sadd.s32 @!p0 s3, s7;
	s7 =	simm.s32 @!p0 $0x108  }
0x21: {  	s3 =	sadd.s32 s3, s9;
	s6 =	sadd.s32 @!p0 $0x88, s6;
	s7 =	simm.s32 @p2 $0x1082  }
0x22: {  	[simem:s7], [sflag:s8] =	dma.local @!p0 [hbm:s6], $0xF7A  }
0x23: {  	s9 =	sor.u32 $0xD0000000, s2;
	s6 =	simm.s32 $0x108;
	_ =	swait.ge @!p0 [sflag:s8], $0x0  }
0x24: {  	s3 =	sadd.s32 $0x88, s3;
	s6 =	simm.s32 @!p1 $0x1082;
	[sflag:s4] =	ssyncset.s32 $0xFFFFF086  }
0x25: {  	[simem:s6], [sflag:s4] =	dma.local [hbm:s3], $0xF7A  }
0x26: {  	[smem:$0x3F9C] =	sst s1;
	(tag) =	ssettag s2;
	_ =	strace s9  }
0x27: {  	s1 =	sld [smem:$0x3FAC]  }
0x28: {  	s2 =	sld [smem:$0x3FAD]  }
0x29: {  	s4 =	sld [smem:$0x3FAF]  }
0x2a: {  	p0 =	seq.s32 s5, $0x0;
	s5 =	sld [smem:$0x3FB0]  }
0x2b: {  	s6 =	sld [smem:$0x3FB1]  }
0x2c: {  	s7 =	sld [smem:$0x3FB2]  }
0x2d: {  	s3 =	simm.s32 $0x108;
	s8 =	sld [smem:$0x3FB3]  }
0x2e: {  	s3 =	simm.s32 @!p0 $0x1082;
	s9 =	sld [smem:$0x3FB4]  }
0x2f: {  	lr =	sadd.s32 s0, s3;
	s0 =	sld [smem:$0x3FAB]  }
0x30: {  	s3 =	sld [smem:$0x3FAE]  }
0x31: {  	[smem:$0x3FB7] =	sst s10  }
0x32: {  	s10 =	sld [smem:$0x3FB5];
	_ =	sdelay $0x3  }
0x33: {  	p0 =	seq.s32 s10, $0x1;
	s10 =	sld [smem:$0x3FB7];
	_ =	sdelay $0x3  }
0x34: {  	[smem:$0x3FB7] =	sst s10  }
0x35: {  	s10 =	sld [smem:$0x3FB6];
	_ =	sdelay $0x3  }
0x36: {  	p1 =	seq.s32 s10, $0x1;
	s10 =	sld [smem:$0x3FB7];
	_ =	sdelay $0x3  }
0x37: {  	[smem:$0x3FB7] =	sst s10  }
0x38: {  	s10 =	sld [smem:$0x3FB8]  }
0x39: {  	_ = 	snop;
	(pc) =	sbr.ind lr, $3  }
0x3a: {  	_ = 	snop  }
0x3b: {  	_ = 	snop  }
0x3c: {  	p2 =	seq.s32 s10, $0x1;
	s10 =	sld [smem:$0x3FB7]  }
0x3d: {  	_ =	shalt  }
0x3e: {  	_ =	shalt  }
0x3f: {  	_ =	shalt  }
0x40: {  	_ =	shalt  }
0x41: {  	_ =	shalt  }
0x42: {  	_ =	shalt  }
0x43: {  	_ =	shalt  }
0x44: {  	_ =	shalt  }
0x45: {  	_ =	shalt  }
0x46: {  	_ =	shalt  }
0x47: {  	_ =	shalt  }
0x48: {  	_ =	shalt  }
0x49: {  	_ =	shalt  }
0x4a: {  	_ =	shalt  }
0x4b: {  	_ =	shalt  }
0x4c: {  	_ =	shalt  }
0x4d: {  	_ =	shalt  }
0x4e: {  	_ =	shalt  }
0x4f: {  	_ =	shalt  }
0x50: {  	_ =	shalt  }
0x51: {  	_ =	shalt  }
0x52: {  	_ =	shalt  }
0x53: {  	_ =	shalt  }
0x54: {  	_ =	shalt  }
0x55: {  	_ =	shalt  }
0x56: {  	_ =	shalt  }
0x57: {  	_ =	shalt  }
0x58: {  	_ =	shalt  }
0x59: {  	_ =	shalt  }
0x5a: {  	_ =	shalt  }
0x5b: {  	_ =	shalt  }
0x5c: {  	_ =	shalt  }
0x5d: {  	_ =	shalt  }
0x5e: {  	_ =	shalt  }
0x5f: {  	_ =	shalt  }
0x60: {  	_ =	shalt  }
0x61: {  	_ =	shalt  }
0x62: {  	_ =	shalt  }
0x63: {  	_ =	shalt  }
0x64: {  	_ =	shalt  }
0x65: {  	_ =	shalt  }
0x66: {  	_ =	shalt  }
0x67: {  	_ =	shalt  }
0x68: {  	_ =	shalt  }
0x69: {  	_ =	shalt  }
0x6a: {  	_ =	shalt  }
0x6b: {  	_ =	shalt  }
0x6c: {  	_ =	shalt  }
0x6d: {  	_ =	shalt  }
0x6e: {  	_ =	shalt  }
0x6f: {  	_ =	shalt  }
0x70: {  	_ =	shalt  }
0x71: {  	_ =	shalt  }
0x72: {  	_ =	shalt  }
0x73: {  	_ =	shalt  }
0x74: {  	_ =	shalt  }
0x75: {  	_ =	shalt  }
0x76: {  	_ =	shalt  }
0x77: {  	_ =	shalt  }
0x78: {  	_ =	shalt  }
0x79: {  	_ =	shalt  }
0x7a: {  	_ =	shalt  }
0x7b: {  	_ =	shalt  }
0x7c: {  	_ =	shalt  }
0x7d: {  	_ =	shalt  }
0x7e: {  	_ =	shalt  }
0x7f: {  	_ =	shalt  }
0x80: {  	_ =	shalt  }
0x81: {  	_ =	shalt  }
0x82: {  	_ =	shalt  }
0x83: {  	_ =	shalt  }
0x84: {  	_ =	shalt  }
0x85: {  	_ =	shalt  }
0x86: {  	_ =	shalt  }
0x87: {  	_ =	shalt  }
.Lfunc_end0:
.L_simem_size_0:
called_computation.6_lowered:
.L_overlay_start_0:
0x88: {  	s2 =	sld [smem:$0x3FD9]  }
0x89: {  	s3 =	sld [smem:$0x3FFE];
	_ =	sdelay $0x1  }
0x8a: {  	s1 =	srdreg.scid  }
0x8b: {  	s0 =	sand.u32 $0x1, s1  }
0x8c: {  	s17 =	sshll.u32 s0, $0xA;
	s2 =	sadd.s32 s3, s2  }
0x8d: {  	s2 =	sadd.s32 s2, s17  }
0x8e: {  	[smem:$0x3FC3] =	sst s2  }
0x8f: {  	_ = 	snop  }
0x90: {  	s18 =	sld [smem:$0x3FD0];
	(tm) =	ssettm $0x1  }
0x91: {  	s19 =	sld [smem:$0x3FFB];
	_ =	sdelay $0x3  }
0x92: {  	_ =	strace s19  }
0x93: {  	s2 =	sld [smem:$0x3FFC];
	_ =	sdelay $0x3  }
0x94: {  	_ =	strace s2  }
0x95: {  	s2 =	sld [smem:$0x3FFD];
	_ =	sdelay $0x3  }
0x96: {  	_ =	strace s2  }
0x97: {  	_ =	strace $0x8FFFFFFF  }
0x98: {  	s20 =	sld [smem:$0x3FDB];
	_ =	sdelay $0x1  }
0x99: {  	s4 =	simm.s32 $_scs_section_size  }
0x9a: {  	s5 =	simm.s32 $_size__tile_overlayer_lowered;
	s6 =	simm.s32 $_tile_overlayer_lowered  }
0x9b: {  	s7 =	simm.s32 $0x1BFF;
	s21 =	sshll.u32 s6, $0x1;
	s4 =	sadd.s32 s4, s20  }
0x9c: {  	s22 =	simm.s32 $0x0;
	s5 =	sshll.u32 s5, $0x1;
	s6 =	sadd.s32 s21, s4  }
0x9d: {  	[timem:s22], [sflag:s7] =	dma.local [hbm:s6], s5  }
0x9e: {  	_ =	swait.ge [sflag:s7], s5  }
0x9f: {  	s5 =	ssub.s32 $0x0, s5;
	[sflag:s7] =	ssyncset.done $0x0  }
0xa0: {  	[sflag:s7] =	ssyncadd.s32 s5;
	_ =	sdelay $0x1  }
0xa1: {  	s23 =	simm.s32 $0x1B8B  }
0xa2: {  	_ =	swait.ge [sflag:s23], $0x1  }
0xa3: {  	[sflag:s23] =	ssyncset.done $0x0  }
0xa4: {  	[sflag:s23] =	ssyncadd.s32 $0xFFFFFFFF  }
0xa5: {  	s5 =	sld [smem:$0x0]  }
0xa6: {  	s6 =	sand.u32 $0xFFFFFFFE, s1  }
0xa7: {  	p0 =	sne.s32 s1, s6  }
0xa8: {  	s6 =	sshll.u32 @p0 s6, $0xE  }
0xa9: {  	s6 =	sadd.s32 @p0 $0x11B8D, s6;
	s7 =	sshll.u32 @p0 s5, $0x11  }
0xaa: {  	s6 =	sor.u32 @p0 s7, s6  }
0xab: {  	[sflag:s6] =	ssyncadd.remote.s32 @p0 $0x1;
	_ =	sdelay $0x1  }
0xac: {  	s6 =	simm.s32 @p0 $0x1B8D  }
0xad: {  	_ =	swait.eq @p0 [sflag:s6], $0x1  }
0xae: {  	[sflag:s6] =	ssyncadd.s32 @p0 $0xFFFFFFFF  }
0xaf: {  	s7 =	sshll.u32 @!p0 s1, $0xE  }
0xb0: {  	s7 =	sor.u32 @!p0 $0x4000, s7;
	s6 =	simm.s32 @!p0 $0x1B8D  }
0xb1: {  	s5 =	sshll.u32 @!p0 s5, $0x11;
	s7 =	sadd.s32 @!p0 $0x11B8D, s7;
	_ =	swait.eq @!p0 [sflag:s6], $0x1  }
0xb2: {  	s5 =	sor.u32 @!p0 s5, s7;
	[sflag:s6] =	ssyncadd.s32 @!p0 $0xFFFFFFFF  }
0xb3: {  	s25 =	simm.s32 $0x1B8E;
	s24 =	sld [smem:$0x3FFE];
	[sflag:s5] =	ssyncadd.remote.s32 @!p0 $0x1  }
0xb4: {  	s26 =	simm.s32 $execute0_lowered;
	[smem:$0x3FD2] =	sst s25  }
0xb5: {  	s6 =	sshll.u32 s26, $0x1;
	_ =	strace $0x8000004F;
	[dreg:$0x1] =	wrdreg $0xFFFFFFFF  }
0xb6: {  	s28 =	simm.s32 $_size_execute0_lowered;
	s4 =	sadd.s32 s4, s6;
	[dreg:$0x0] =	wrdreg $0x0  }
0xb7: {  	s6 =	sshll.u32 s28, $0x1;
	[dreg:$0x2] =	wrdreg s4  }
0xb8: {  	[dreg:$0x3] =	wrdreg s6  }
0xb9: {  	[dreg:$0x4] =	wrdreg $0xC0  }
0xba: {  	_ =	task [dreg:s22], $0x5FFFF  }
0xbb: {  	[dreg:$0x1] =	wrdreg $0xFFFFFFFF  }
0xbc: {  	[dreg:$0x0] =	wrdreg $0x60  }
0xbd: {  	[dreg:$0x2] =	wrdreg s18  }
0xbe: {  	[dreg:$0x3] =	wrdreg s24  }
0xbf: {  	[dreg:$0x4] =	wrdreg $0xB  }
0xc0: {  	_ =	task.clear_ibuf [dreg:s22], $0x5FFFF;
	_ =	strace $0x9000004F  }
0xc1: {  	s29 =	simm.s32 $0xB;
	_ =	strace $0x80000051  }
0xc2: {  	_ =	swait.ge [sflag:s29], $0x1  }
0xc3: {  	[sflag:s29] =	ssyncadd.s32 $0xFFFFFFFF  }
0xc4: {  	_ =	strace $0x90000051  }
0xc5: {  	_ =	sfence  }
0xc6: {  	s30 =	sld [smem:$0x0];
	_ =	sdelay $0x2  }
0xc7: {  	s31 =	sshll.u32 s1, $0xD;
	s1 =	sshrl.u32 s1, $0x2  }
0xc8: {  	s4 =	sand.u32 $0x4000, s31;
	s1 =	sadd.s32 s1, s30  }
0xc9: {  	s0 =	sor.u32 s4, s0;
	s1 =	sshll.u32 s1, $0x11  }
0xca: {  	s0 =	sor.u32 s1, s0  }
0xcb: {  	s0 =	sadd.s32 $0x8F2B, s0  }
0xcc: {  	[sflag:s0] =	ssyncadd.remote.s32 $0x1  }
0xcd: {  	_ =	sfence.sel $0xFFFF  }
0xce: {  	[dreg:$0x0] =	wrdreg $0xFFFFFFFF;
	(pc) =	sbr.abs _section_cstart, $3  }
0xcf: {  	[dreg:$0x1] =	wrdreg $0xFFFFFFFF  }
0xd0: {  	_ =	task.clear_ibuf [dreg:s22], $0x2FFFF;
	_ =	strace $0x9FFFFFFF  }
0xd1: {  	(tm) =	ssettm $0x7FFFFFFF  }
tec
execute0_lowered:
.L_overlay_start_1:
0x0: {  	(tag) =	ssettag $0x1  }
0x1: {  	s2 =	rddreg [dreg:$0x0]  }
0x2: {  	s8 =	rddreg [dreg:$0x1]  }
0x3: {  	s0 =	rddreg [dreg:$0x2];
	s1 =	stileid.u32  }
0x4: {  	s3 =	srdreg.scid;
	_ =	strace $0x80000050;
	s4 =	simm.s32 $0x1  }
0x5: {  	s7 =	simm.s32 $0x1;
	s9 =	simm.s32 $0x1;
	s10 =	simm.s32 $0x3  }
0x6: {  	s13 =	simm.s32 $0x0;
	s5 =	sand.u32 $0x1, s3;
	s6 =	sshll.u32 s1, $0x1  }
0x7: {  	s12 =	simm.s32 $0x0;
	s3 =	sadd.s32 $0x6200, s8;
	s5 =	sor.u32 s6, s5  }
.Ltmp0:
0x8: {  	[sflag:s4] =	ssyncpa.u1 $0x0;
	p0 =	slt.u32 s5, $0x13;
	(pc) =	sbr.rel .LBB2_1-.Ltmp0, $4  }
0x9: {  	s6 =	simm.s32 $0x2;
	s7 =	simm.s32 @!p0 $0x0;
	p0 =	sne.s32 s5, $0x12  }
0xa: {  	[sflag:s6] =	ssyncpa.u1 $0x0;
	s5 =	smul.u32 $0x7D0, s5;
	s9 =	simm.s32 @!p0 $0x0  }
0xb: {  	s8 =	sadd.s32 $0x1B5600, s8;
	[sflag:s10] =	ssyncpa.u1 $0x0;
	s7 =	sadd.s32 s9, s7  }
0xc: {  	vm0 =	vmmov $0xffff;
	s10 =	simm.s32 $0x0;
	s11 =	smov.u32 s5;
	s9 =	sadd.s32 $0x1, s7  }
.LBB2_4:
0xd: {  	v2 =	vnsel vm1, $0x0, v2  }
0xe: {  	vm1 =	vgt.s32 v0, $0x0;
	v2 =	vmin.u32 v2, $0x3FFFF  }
0xf: {  	v0 =	vnsel vm1, $0x0, v0  }
0x10: {  	v0 =	vmin.u32 v0, $0x3FFFF  }
0x11: {  	[tilespmem:s18], [sflag:$0x1] =	stream.indirect_vreg.gather [hbm4b:s2+s10], $0x1, v1, vm0, $0x4038;
	[tilespmem:$0x1F40] =	vst v63  }
0x12: {  	(ifvalue) =	ssetifvalue $0x7FFFFFFF  }
0x13: {  	[tilespmem:s15], [sflag:$0x1] =	stream.indirect_vreg.gather [hbm4b:s2+s10], $0x1, v2, vm0, $0x4038;
	[tilespmem:$0x1F40] =	vst v63  }
0x14: {  	s29 =	sadd.s32 $0x10, s15;
	(ifvalue) =	ssetifvalue $0x7FFFFFFF  }
0x15: {  	[tilespmem:s29], [sflag:$0x1] =	stream.indirect_vreg.gather [hbm4b:s2+s10], $0x1, v0, vm0, $0x4038;
	[tilespmem:$0x1F40] =	vst v63  }
0x16: {  	_ =	swait.ge [sflag:s4], $0x7D0  }
0x17: {  	s30 =	sshrl.u32 s13, $0x3;
	[sflag:s4] =	ssyncset.done $0x0  }
0x18: {  	s31 =	sand.u32 $0x7, s13;
	s15 =	sadd.s32 s8, s30;
	[sflag:s4] =	ssyncadd.s32 $0xFFFFF830  }
0x19: {  	[hbm4b:s15+s31] =	stream.linear.scatter [tilespmem:s14], [sflag:$0x3], $0x7D0, $0x38;
	[tilespmem:$0x1F40] =	vst v63  }
.LBB2_5:
0x1a: {  	s15 =	sadd.s32 $0xFA00, s11  }
0x1b: {  	p1 =	sgt.s32 s15, $0x1869F  }
0x1c: {  	s15 =	smov.u32 @p1 s5;
	p1 =	sne.s32 s12, s9  }
.Ltmp1:
0x1d: {  	p0 =	slt.u32 s12, $0x2;
	(pc) =	sbr.rel @!p1 .LBB2_6-.Ltmp1, $4  }
0x1e: {  	s14 =	simm.s32 @!p0 $0x3  }
0x1f: {  	_ =	swait.ge @!p0 [sflag:s14], $0x7D0  }
0x20: {  	s16 =	sadd.s32 $0x1, s12;
	s13 =	smov.u32 s11;
	[sflag:s14] =	ssyncset.done @!p0 $0x0  }
0x21: {  	s12 =	smov.u32 s16;
	s11 =	smov.u32 s15;
	[sflag:s14] =	ssyncadd.s32 @!p0 $0xFFFFF830  }
.LBB2_1:
0x22: {  	p0 =	sge.u32 s12, s7  }
0x23: {  	s14 =	sxor.u32 @!p0 $0x1, s12  }
0x24: {  	s14 =	smul.u32 @!p0 $0x1F40, s14  }
0x25: {  	s31 =	sadd.s32 $0xFFFFFFFF, s12;
	s15 =	sshrl.u32 @!p0 s11, $0x3  }
0x26: {  	s16 =	sand.u32 @!p0 $0x7, s11;
	s15 =	sadd.s32 @!p0 s3, s15;
	s14 =	sshra.s32 @!p0 s14, $0x2  }
0x27: {  	[tilespmem:s14], [sflag:$0x2] =	stream.linear.gather @!p0 [hbm4b:s15+s16], $0x7D0, $0x38;
	[tilespmem:$0x1F40] =	vst v63  }
0x28: {  	p0 =	sge.u32 s31, s7  }
.Ltmp2:
0x29: {  	_ = 	snop;
	(pc) =	sbr.rel @p0 .LBB2_5-.Ltmp2, $1  }
0x2a: {  	_ =	sdelay $0x3  }
0x2b: {  	s14 =	sand.u32 $0x1, s12  }
0x2c: {  	_ =	swait.ge [sflag:s6], $0x7D0;
	p0 =	seq.s32 s14, $0x1;
	s14 =	simm.s32 $0x7D0  }
0x2d: {  	[sflag:s6] =	ssyncset.done $0x0;
	s14 =	simm.s32 @!p0 $0x0  }
0x2e: {  	[sflag:s6] =	ssyncadd.s32 $0xFFFFF830;
	(ifvalue) =	ssetifvalue $0x7FFFFFFF;
	v0 =	vld.msk [tilespmem:s14+$0x0 ss:$0x1], $0xffff;
	_ =	sdelay $0x4  }
0x2f: {  	s15 =	sadd.s32 $0x10, s14;
	vm1 =	vgt.s32 v0, $0x0  }
0x30: {  	v2 =	vld.msk [tilespmem:s15+$0x0 ss:$0x1], $0xffff;
	v1 =	vnsel vm1, $0x0, v0  }
0x31: {  	v1 =	vmin.u32 v1, $0x3FFFF;
	_ =	sdelay $0x2  }
0x32: {  	s17 =	simm.s32 $0x20;
	s14 =	sadd.s32 $0xFA0, s14;
	s16 =	sadd.s32 $0x10, s15  }
0x33: {  	s15 =	sadd.s32 $0x10, s14;
	s18 =	smov.u32 s14;
	v0 =	vld.msk [tilespmem:s16+$0x0 ss:$0x1], $0xffff;
	vm1 =	vgt.s32 v2, $0x0;
	(ifvalue) =	ssetifvalue $0x7FFFFFFF  }
.LBB2_3:
0x34: {  	[tilespmem:s18], [sflag:$0x1] =	stream.indirect_vreg.gather [hbm4b:s2+s10], $0x1, v1, vm0, $0x4038;
	[tilespmem:$0x1F40] =	vst v63  }
0x35: {  	s17 =	sadd.s32 $0x10, s17  }
0x36: {  	v2 =	vnsel vm1, $0x0, v2;
	p0 =	slt.u32 s17, $0x7C0  }
.Ltmp3:
0x37: {  	s18 =	smov.u32 s15;
	v1 =	vmin.u32 v2, $0x3FFFF;
	(pc) =	sbr.rel @p0 .LBB2_3-.Ltmp3, $3  }
0x38: {  	_ =	sdelay $0x1  }
0x39: {  	s16 =	sadd.s32 $0x10, s16  }
0x3a: {  	vm1 =	vgt.s32 v0, $0x0;
	s15 =	sadd.s32 $0x10, s15;
	v2 =	vmov v0;
	(ifvalue) =	ssetifvalue $0x7FFFFFFF;
	v0 =	vld.msk [tilespmem:s16+$0x0 ss:$0x1], $0xffff  }
.Ltmp4:
0x3b: {  	_ = 	snop;
	(pc) =	sbr.rel .LBB2_4-.Ltmp4, $1  }
0x3c: {  	_ =	sdelay $0x3  }
.LBB2_6:
0x3d: {  	_ =	sfence.sel $0x180000  }
0x3e: {  	s2 =	simm.s32 $0x2;
	[bflag:$0x0] =	sbarrier.arrive $0xFFFF  }
0x3f: {  	s30 =	simm.s32 $0x3;
	[sflag:s2] =	ssyncpa.u1 $0x1  }
0x40: {  	s31 =	simm.s32 $0x1;
	[sflag:s30] =	ssyncpa.u1 $0x1  }
0x41: {  	[sflag:s31] =	ssyncpa.u1 $0x1  }
0x42: {  	p0 =	sne.s32 s1, $0x0;
	_ =	strace $0x90000050  }
0x43: {  	s0 =	sadd.s32 @!p0 $0x100000, s0;
	[bflag:$0x2] =	sbarrier.arrive $0xFFFF  }
0x44: {  	[sflag:s0] =	ssyncadd.tile.s32 @!p0 $0x1;
	_ =	shalt  }
.Lfunc_end2:
_tile_overlayer_lowered:
.L_overlay_start_2:
0x45: {  	(tag) =	ssettag $0x2  }
0x46: {  	s0 =	rddreg [dreg:$0x0];
	s2 =	stileid.u32  }
0x47: {  	s1 =	rddreg [dreg:$0x1];
	p0 =	sne.s32 s2, $0x0  }
0x48: {  	s3 =	rddreg [dreg:$0x2];
	[bflag:$0x3] =	sbarrier.arrive $0xFFFF;
	s2 =	simm.s32 @!p0 $0x1C01  }
0x49: {  	[timem:s3], [sflag:s2] =	dma.local @!p0 [hbm:s0], s1  }
0x4a: {  	s0 =	simm.s32 @!p0 $0x1  }
0x4b: {  	_ =	swait.ge @!p0 [sflag:s0], s1  }
0x4c: {  	s1 =	ssub.s32 @!p0 $0x0, s1;
	[sflag:s0] =	ssyncset.done @!p0 $0x0  }
0x4d: {  	[sflag:s0] =	ssyncadd.s32 @!p0 s1  }
0x4e: {  	[bflag:$0x3] =	sbarrier.arrive $0xFFFF  }
0x4f: {  	_ =	shalt  }

// kernel: gather_offload_async_start.6
scs
__scs_entry_jumppad:
0x0: {  	(pc) =	sbr.rel $0x88, $3  }
0x1: {  	(tag) =	ssettag $0x0;
	lr =	simm.s32 $0x1  }
0x2: {  	[smem:$0x3F9C] =	sst lr;
	_ =	strace $0xD0000000  }
0x3: {  	_ = 	snop  }
0x4: {  	_ = 	snop  }
0x5: {  	_ = 	snop  }
0x6: {  	_ = 	snop  }
0x7: {  	_ = 	snop  }
__scs_overlays_trampoline_lowered:
0x8: {  	[smem:$0x3FAB] =	sst s0  }
0x9: {  	[smem:$0x3FAC] =	sst s1  }
0xa: {  	[smem:$0x3FAD] =	sst s2  }
0xb: {  	[smem:$0x3FAE] =	sst s3  }
0xc: {  	[smem:$0x3FAF] =	sst s4  }
0xd: {  	[smem:$0x3FB0] =	sst s5  }
0xe: {  	[smem:$0x3FB1] =	sst s6  }
0xf: {  	[smem:$0x3FB2] =	sst s7  }
0x10: {  	[smem:$0x3FB3] =	sst s8  }
0x11: {  	[smem:$0x3FB4] =	sst s9;
	s0 =	simm.s32 @!p0 $0x0  }
0x12: {  	s1 =	sld [smem:$0x3F9A];
	s0 =	simm.s32 @p0 $0x1  }
0x13: {  	[smem:$0x3FB5] =	sst s0;
	s0 =	simm.s32 @!p1 $0x0  }
0x14: {  	s2 =	sld [smem:$0x3F99];
	s0 =	simm.s32 @p1 $0x1  }
0x15: {  	[smem:$0x3FB6] =	sst s0;
	s0 =	simm.s32 @!p2 $0x0  }
0x16: {  	s3 =	sld [smem:$0x3FDB];
	s0 =	simm.s32 @p2 $0x1  }
0x17: {  	s4 =	simm.s32 $0x1BF5;
	[smem:$0x3FB8] =	sst s0  }
0x18: {  	s0 =	sld [smem:$0x3F9B];
	_ =	swait.ge [sflag:s4], $0x0  }
0x19: {  	s7 =	sld [smem:$0x3F9C]  }
0x1a: {  	s8 =	sadd.s32 $0xFFFFE003, lr  }
0x1b: {  	s9 =	sadd.s32 $0xFFFFFEF7, lr;
	s5 =	simm.s32 $0xFFFFFFFF;
	p2 =	slt.u32 s8, $0xFFFFF086  }
0x1c: {  	p1 =	slt.u32 s9, $0xF7A;
	s5 =	simm.s32 @!p2 $0x0  }
0x1d: {  	s5 =	simm.s32 @p1 $0x1;
	p0 =	seq.s32 s7, s2  }
0x1e: {  	s7 =	smul.u32 @!p0 $0xF7A, s2;
	p2 =	seq.s32 @!p0 s5, $0x0  }
0x1f: {  	s9 =	smul.u32 $0xF7A, s1;
	s8 =	simm.s32 @!p0 $0x1BF5;
	p2 =	por !p2, p0  }
0x20: {  	[sflag:s8] =	ssyncset.s32 @!p0 $0xFFFFF086;
	s6 =	sadd.s32 @!p0 s3, s7;
	s7 =	simm.s32 @!p0 $0x108  }
0x21: {  	s3 =	sadd.s32 s3, s9;
	s6 =	sadd.s32 @!p0 $0x88, s6;
	s7 =	simm.s32 @p2 $0x1082  }
0x22: {  	[simem:s7], [sflag:s8] =	dma.local @!p0 [hbm:s6], $0xF7A  }
0x23: {  	s9 =	sor.u32 $0xD0000000, s2;
	s6 =	simm.s32 $0x108;
	_ =	swait.ge @!p0 [sflag:s8], $0x0  }
0x24: {  	s3 =	sadd.s32 $0x88, s3;
	s6 =	simm.s32 @!p1 $0x1082;
	[sflag:s4] =	ssyncset.s32 $0xFFFFF086  }
0x25: {  	[simem:s6], [sflag:s4] =	dma.local [hbm:s3], $0xF7A  }
0x26: {  	[smem:$0x3F9C] =	sst s1;
	(tag) =	ssettag s2;
	_ =	strace s9  }
0x27: {  	s1 =	sld [smem:$0x3FAC]  }
0x28: {  	s2 =	sld [smem:$0x3FAD]  }
0x29: {  	s4 =	sld [smem:$0x3FAF]  }
0x2a: {  	p0 =	seq.s32 s5, $0x0;
	s5 =	sld [smem:$0x3FB0]  }
0x2b: {  	s6 =	sld [smem:$0x3FB1]  }
0x2c: {  	s7 =	sld [smem:$0x3FB2]  }
0x2d: {  	s3 =	simm.s32 $0x108;
	s8 =	sld [smem:$0x3FB3]  }
0x2e: {  	s3 =	simm.s32 @!p0 $0x1082;
	s9 =	sld [smem:$0x3FB4]  }
0x2f: {  	lr =	sadd.s32 s0, s3;
	s0 =	sld [smem:$0x3FAB]  }
0x30: {  	s3 =	sld [smem:$0x3FAE]  }
0x31: {  	[smem:$0x3FB7] =	sst s10  }
0x32: {  	s10 =	sld [smem:$0x3FB5];
	_ =	sdelay $0x3  }
0x33: {  	p0 =	seq.s32 s10, $0x1;
	s10 =	sld [smem:$0x3FB7];
	_ =	sdelay $0x3  }
0x34: {  	[smem:$0x3FB7] =	sst s10  }
0x35: {  	s10 =	sld [smem:$0x3FB6];
	_ =	sdelay $0x3  }
0x36: {  	p1 =	seq.s32 s10, $0x1;
	s10 =	sld [smem:$0x3FB7];
	_ =	sdelay $0x3  }
0x37: {  	[smem:$0x3FB7] =	sst s10  }
0x38: {  	s10 =	sld [smem:$0x3FB8]  }
0x39: {  	_ = 	snop;
	(pc) =	sbr.ind lr, $3  }
0x3a: {  	_ = 	snop  }
0x3b: {  	_ = 	snop  }
0x3c: {  	p2 =	seq.s32 s10, $0x1;
	s10 =	sld [smem:$0x3FB7]  }
0x3d: {  	_ =	shalt  }
0x3e: {  	_ =	shalt  }
0x3f: {  	_ =	shalt  }
0x40: {  	_ =	shalt  }
0x41: {  	_ =	shalt  }
0x42: {  	_ =	shalt  }
0x43: {  	_ =	shalt  }
0x44: {  	_ =	shalt  }
0x45: {  	_ =	shalt  }
0x46: {  	_ =	shalt  }
0x47: {  	_ =	shalt  }
0x48: {  	_ =	shalt  }
0x49: {  	_ =	shalt  }
0x4a: {  	_ =	shalt  }
0x4b: {  	_ =	shalt  }
0x4c: {  	_ =	shalt  }
0x4d: {  	_ =	shalt  }
0x4e: {  	_ =	shalt  }
0x4f: {  	_ =	shalt  }
0x50: {  	_ =	shalt  }
0x51: {  	_ =	shalt  }
0x52: {  	_ =	shalt  }
0x53: {  	_ =	shalt  }
0x54: {  	_ =	shalt  }
0x55: {  	_ =	shalt  }
0x56: {  	_ =	shalt  }
0x57: {  	_ =	shalt  }
0x58: {  	_ =	shalt  }
0x59: {  	_ =	shalt  }
0x5a: {  	_ =	shalt  }
0x5b: {  	_ =	shalt  }
0x5c: {  	_ =	shalt  }
0x5d: {  	_ =	shalt  }
0x5e: {  	_ =	shalt  }
0x5f: {  	_ =	shalt  }
0x60: {  	_ =	shalt  }
0x61: {  	_ =	shalt  }
0x62: {  	_ =	shalt  }
0x63: {  	_ =	shalt  }
0x64: {  	_ =	shalt  }
0x65: {  	_ =	shalt  }
0x66: {  	_ =	shalt  }
0x67: {  	_ =	shalt  }
0x68: {  	_ =	shalt  }
0x69: {  	_ =	shalt  }
0x6a: {  	_ =	shalt  }
0x6b: {  	_ =	shalt  }
0x6c: {  	_ =	shalt  }
0x6d: {  	_ =	shalt  }
0x6e: {  	_ =	shalt  }
0x6f: {  	_ =	shalt  }
0x70: {  	_ =	shalt  }
0x71: {  	_ =	shalt  }
0x72: {  	_ =	shalt  }
0x73: {  	_ =	shalt  }
0x74: {  	_ =	shalt  }
0x75: {  	_ =	shalt  }
0x76: {  	_ =	shalt  }
0x77: {  	_ =	shalt  }
0x78: {  	_ =	shalt  }
0x79: {  	_ =	shalt  }
0x7a: {  	_ =	shalt  }
0x7b: {  	_ =	shalt  }
0x7c: {  	_ =	shalt  }
0x7d: {  	_ =	shalt  }
0x7e: {  	_ =	shalt  }
0x7f: {  	_ =	shalt  }
0x80: {  	_ =	shalt  }
0x81: {  	_ =	shalt  }
0x82: {  	_ =	shalt  }
0x83: {  	_ =	shalt  }
0x84: {  	_ =	shalt  }
0x85: {  	_ =	shalt  }
0x86: {  	_ =	shalt  }
0x87: {  	_ =	shalt  }
.Lfunc_end0:
.L_simem_size_0:
called_computation.7_lowered:
.L_overlay_start_0:
0x88: {  	s2 =	sld [smem:$0x3FD9]  }
0x89: {  	s3 =	sld [smem:$0x3FFE];
	_ =	sdelay $0x1  }
0x8a: {  	s1 =	srdreg.scid  }
0x8b: {  	s0 =	sand.u32 $0x1, s1  }
0x8c: {  	s17 =	sshll.u32 s0, $0xA;
	s2 =	sadd.s32 s3, s2  }
0x8d: {  	s2 =	sadd.s32 s2, s17  }
0x8e: {  	[smem:$0x3FC3] =	sst s2  }
0x8f: {  	_ = 	snop  }
0x90: {  	s18 =	sld [smem:$0x3FD0];
	(tm) =	ssettm $0x1  }
0x91: {  	s19 =	sld [smem:$0x3FFB];
	_ =	sdelay $0x3  }
0x92: {  	_ =	strace s19  }
0x93: {  	s2 =	sld [smem:$0x3FFC];
	_ =	sdelay $0x3  }
0x94: {  	_ =	strace s2  }
0x95: {  	s2 =	sld [smem:$0x3FFD];
	_ =	sdelay $0x3  }
0x96: {  	_ =	strace s2  }
0x97: {  	_ =	strace $0x8FFFFFFF  }
0x98: {  	s20 =	sld [smem:$0x3FDB];
	_ =	sdelay $0x1  }
0x99: {  	s4 =	simm.s32 $_scs_section_size  }
0x9a: {  	s5 =	simm.s32 $_size__tile_overlayer_lowered;
	s6 =	simm.s32 $_tile_overlayer_lowered  }
0x9b: {  	s7 =	simm.s32 $0x1BFF;
	s21 =	sshll.u32 s6, $0x1;
	s4 =	sadd.s32 s4, s20  }
0x9c: {  	s22 =	simm.s32 $0x0;
	s5 =	sshll.u32 s5, $0x1;
	s6 =	sadd.s32 s21, s4  }
0x9d: {  	[timem:s22], [sflag:s7] =	dma.local [hbm:s6], s5  }
0x9e: {  	_ =	swait.ge [sflag:s7], s5  }
0x9f: {  	s5 =	ssub.s32 $0x0, s5;
	[sflag:s7] =	ssyncset.done $0x0  }
0xa0: {  	[sflag:s7] =	ssyncadd.s32 s5;
	_ =	sdelay $0x1  }
0xa1: {  	s23 =	simm.s32 $0x1B8B  }
0xa2: {  	_ =	swait.ge [sflag:s23], $0x1  }
0xa3: {  	[sflag:s23] =	ssyncset.done $0x0  }
0xa4: {  	[sflag:s23] =	ssyncadd.s32 $0xFFFFFFFF  }
0xa5: {  	s5 =	sld [smem:$0x0]  }
0xa6: {  	s6 =	sand.u32 $0xFFFFFFFE, s1  }
0xa7: {  	p0 =	sne.s32 s1, s6  }
0xa8: {  	s6 =	sshll.u32 @p0 s6, $0xE  }
0xa9: {  	s6 =	sadd.s32 @p0 $0x11B8D, s6;
	s7 =	sshll.u32 @p0 s5, $0x11  }
0xaa: {  	s6 =	sor.u32 @p0 s7, s6  }
0xab: {  	[sflag:s6] =	ssyncadd.remote.s32 @p0 $0x1;
	_ =	sdelay $0x1  }
0xac: {  	s6 =	simm.s32 @p0 $0x1B8D  }
0xad: {  	_ =	swait.eq @p0 [sflag:s6], $0x1  }
0xae: {  	[sflag:s6] =	ssyncadd.s32 @p0 $0xFFFFFFFF  }
0xaf: {  	s7 =	sshll.u32 @!p0 s1, $0xE  }
0xb0: {  	s7 =	sor.u32 @!p0 $0x4000, s7;
	s6 =	simm.s32 @!p0 $0x1B8D  }
0xb1: {  	s5 =	sshll.u32 @!p0 s5, $0x11;
	s7 =	sadd.s32 @!p0 $0x11B8D, s7;
	_ =	swait.eq @!p0 [sflag:s6], $0x1  }
0xb2: {  	s5 =	sor.u32 @!p0 s5, s7;
	[sflag:s6] =	ssyncadd.s32 @!p0 $0xFFFFFFFF  }
0xb3: {  	s25 =	simm.s32 $0x1B8E;
	s24 =	sld [smem:$0x3FFE];
	[sflag:s5] =	ssyncadd.remote.s32 @!p0 $0x1  }
0xb4: {  	s26 =	simm.s32 $execute0_lowered;
	[smem:$0x3FD2] =	sst s25  }
0xb5: {  	s6 =	sshll.u32 s26, $0x1;
	_ =	strace $0x8000004C;
	[dreg:$0x1] =	wrdreg $0xFFFFFFFF  }
0xb6: {  	s28 =	simm.s32 $_size_execute0_lowered;
	s4 =	sadd.s32 s4, s6;
	[dreg:$0x0] =	wrdreg $0x0  }
0xb7: {  	s6 =	sshll.u32 s28, $0x1;
	[dreg:$0x2] =	wrdreg s4  }
0xb8: {  	[dreg:$0x3] =	wrdreg s6  }
0xb9: {  	[dreg:$0x4] =	wrdreg $0xC0  }
0xba: {  	_ =	task [dreg:s22], $0x5FFFF  }
0xbb: {  	[dreg:$0x1] =	wrdreg $0xFFFFFFFF  }
0xbc: {  	[dreg:$0x0] =	wrdreg $0x60  }
0xbd: {  	[dreg:$0x2] =	wrdreg s18  }
0xbe: {  	[dreg:$0x3] =	wrdreg s24  }
0xbf: {  	[dreg:$0x4] =	wrdreg $0xC  }
0xc0: {  	_ =	task.clear_ibuf [dreg:s22], $0x5FFFF;
	_ =	strace $0x9000004C  }
0xc1: {  	s29 =	simm.s32 $0xC;
	_ =	strace $0x8000004E  }
0xc2: {  	_ =	swait.ge [sflag:s29], $0x1  }
0xc3: {  	[sflag:s29] =	ssyncadd.s32 $0xFFFFFFFF  }
0xc4: {  	_ =	strace $0x9000004E  }
0xc5: {  	_ =	sfence  }
0xc6: {  	s30 =	sld [smem:$0x0];
	_ =	sdelay $0x2  }
0xc7: {  	s31 =	sshll.u32 s1, $0xD;
	s1 =	sshrl.u32 s1, $0x2  }
0xc8: {  	s4 =	sand.u32 $0x4000, s31;
	s1 =	sadd.s32 s1, s30  }
0xc9: {  	s0 =	sor.u32 s4, s0;
	s1 =	sshll.u32 s1, $0x11  }
0xca: {  	s0 =	sor.u32 s1, s0  }
0xcb: {  	s0 =	sadd.s32 $0x8F2B, s0  }
0xcc: {  	[sflag:s0] =	ssyncadd.remote.s32 $0x1  }
0xcd: {  	_ =	sfence.sel $0xFFFF  }
0xce: {  	[dreg:$0x0] =	wrdreg $0xFFFFFFFF;
	(pc) =	sbr.abs _section_cstart, $3  }
0xcf: {  	[dreg:$0x1] =	wrdreg $0xFFFFFFFF  }
0xd0: {  	_ =	task.clear_ibuf [dreg:s22], $0x2FFFF;
	_ =	strace $0x9FFFFFFF  }
0xd1: {  	(tm) =	ssettm $0x7FFFFFFF  }
tec
execute0_lowered:
.L_overlay_start_1:
0x0: {  	(tag) =	ssettag $0x1  }
0x1: {  	s2 =	rddreg [dreg:$0x0]  }
0x2: {  	s8 =	rddreg [dreg:$0x1]  }
0x3: {  	s0 =	rddreg [dreg:$0x2];
	s1 =	stileid.u32  }
0x4: {  	s3 =	srdreg.scid;
	_ =	strace $0x8000004D;
	s4 =	simm.s32 $0x1  }
0x5: {  	s7 =	simm.s32 $0x1;
	s9 =	simm.s32 $0x1;
	s10 =	simm.s32 $0x3  }
0x6: {  	s13 =	simm.s32 $0x0;
	s5 =	sand.u32 $0x1, s3;
	s6 =	sshll.u32 s1, $0x1  }
0x7: {  	s12 =	simm.s32 $0x0;
	s3 =	sadd.s32 $0x18E00, s8;
	s5 =	sor.u32 s6, s5  }
.Ltmp0:
0x8: {  	[sflag:s4] =	ssyncpa.u1 $0x0;
	p0 =	slt.u32 s5, $0x13;
	(pc) =	sbr.rel .LBB2_1-.Ltmp0, $4  }
0x9: {  	s6 =	simm.s32 $0x2;
	s7 =	simm.s32 @!p0 $0x0;
	p0 =	sne.s32 s5, $0x12  }
0xa: {  	[sflag:s6] =	ssyncpa.u1 $0x0;
	s5 =	smul.u32 $0x7D0, s5;
	s9 =	simm.s32 @!p0 $0x0  }
0xb: {  	s8 =	sadd.s32 $0x22400, s8;
	[sflag:s10] =	ssyncpa.u1 $0x0;
	s7 =	sadd.s32 s9, s7  }
0xc: {  	vm0 =	vmmov $0xffff;
	s10 =	simm.s32 $0x0;
	s11 =	smov.u32 s5;
	s9 =	sadd.s32 $0x1, s7  }
.LBB2_4:
0xd: {  	v2 =	vnsel vm1, $0x0, v2  }
0xe: {  	vm1 =	vgt.s32 v0, $0x0;
	v2 =	vmin.u32 v2, $0x3FFFF  }
0xf: {  	v0 =	vnsel vm1, $0x0, v0  }
0x10: {  	v0 =	vmin.u32 v0, $0x3FFFF  }
0x11: {  	[tilespmem:s18], [sflag:$0x1] =	stream.indirect_vreg.gather [hbm4b:s2+s10], $0x1, v1, vm0, $0x4038;
	[tilespmem:$0x1F40] =	vst v63  }
0x12: {  	(ifvalue) =	ssetifvalue $0x7FFFFFFF  }
0x13: {  	[tilespmem:s15], [sflag:$0x1] =	stream.indirect_vreg.gather [hbm4b:s2+s10], $0x1, v2, vm0, $0x4038;
	[tilespmem:$0x1F40] =	vst v63  }
0x14: {  	s29 =	sadd.s32 $0x10, s15;
	(ifvalue) =	ssetifvalue $0x7FFFFFFF  }
0x15: {  	[tilespmem:s29], [sflag:$0x1] =	stream.indirect_vreg.gather [hbm4b:s2+s10], $0x1, v0, vm0, $0x4038;
	[tilespmem:$0x1F40] =	vst v63  }
0x16: {  	_ =	swait.ge [sflag:s4], $0x7D0  }
0x17: {  	s30 =	sshrl.u32 s13, $0x3;
	[sflag:s4] =	ssyncset.done $0x0  }
0x18: {  	s31 =	sand.u32 $0x7, s13;
	s15 =	sadd.s32 s8, s30;
	[sflag:s4] =	ssyncadd.s32 $0xFFFFF830  }
0x19: {  	[hbm4b:s15+s31] =	stream.linear.scatter [tilespmem:s14], [sflag:$0x3], $0x7D0, $0x38;
	[tilespmem:$0x1F40] =	vst v63  }
.LBB2_5:
0x1a: {  	s15 =	sadd.s32 $0xFA00, s11  }
0x1b: {  	p1 =	sgt.s32 s15, $0x1869F  }
0x1c: {  	s15 =	smov.u32 @p1 s5;
	p1 =	sne.s32 s12, s9  }
.Ltmp1:
0x1d: {  	p0 =	slt.u32 s12, $0x2;
	(pc) =	sbr.rel @!p1 .LBB2_6-.Ltmp1, $4  }
0x1e: {  	s14 =	simm.s32 @!p0 $0x3  }
0x1f: {  	_ =	swait.ge @!p0 [sflag:s14], $0x7D0  }
0x20: {  	s16 =	sadd.s32 $0x1, s12;
	s13 =	smov.u32 s11;
	[sflag:s14] =	ssyncset.done @!p0 $0x0  }
0x21: {  	s12 =	smov.u32 s16;
	s11 =	smov.u32 s15;
	[sflag:s14] =	ssyncadd.s32 @!p0 $0xFFFFF830  }
.LBB2_1:
0x22: {  	p0 =	sge.u32 s12, s7  }
0x23: {  	s14 =	sxor.u32 @!p0 $0x1, s12  }
0x24: {  	s14 =	smul.u32 @!p0 $0x1F40, s14  }
0x25: {  	s31 =	sadd.s32 $0xFFFFFFFF, s12;
	s15 =	sshrl.u32 @!p0 s11, $0x3  }
0x26: {  	s16 =	sand.u32 @!p0 $0x7, s11;
	s15 =	sadd.s32 @!p0 s3, s15;
	s14 =	sshra.s32 @!p0 s14, $0x2  }
0x27: {  	[tilespmem:s14], [sflag:$0x2] =	stream.linear.gather @!p0 [hbm4b:s15+s16], $0x7D0, $0x38;
	[tilespmem:$0x1F40] =	vst v63  }
0x28: {  	p0 =	sge.u32 s31, s7  }
.Ltmp2:
0x29: {  	_ = 	snop;
	(pc) =	sbr.rel @p0 .LBB2_5-.Ltmp2, $1  }
0x2a: {  	_ =	sdelay $0x3  }
0x2b: {  	s14 =	sand.u32 $0x1, s12  }
0x2c: {  	_ =	swait.ge [sflag:s6], $0x7D0;
	p0 =	seq.s32 s14, $0x1;
	s14 =	simm.s32 $0x7D0  }
0x2d: {  	[sflag:s6] =	ssyncset.done $0x0;
	s14 =	simm.s32 @!p0 $0x0  }
0x2e: {  	[sflag:s6] =	ssyncadd.s32 $0xFFFFF830;
	(ifvalue) =	ssetifvalue $0x7FFFFFFF;
	v0 =	vld.msk [tilespmem:s14+$0x0 ss:$0x1], $0xffff;
	_ =	sdelay $0x4  }
0x2f: {  	s15 =	sadd.s32 $0x10, s14;
	vm1 =	vgt.s32 v0, $0x0  }
0x30: {  	v2 =	vld.msk [tilespmem:s15+$0x0 ss:$0x1], $0xffff;
	v1 =	vnsel vm1, $0x0, v0  }
0x31: {  	v1 =	vmin.u32 v1, $0x3FFFF;
	_ =	sdelay $0x2  }
0x32: {  	s17 =	simm.s32 $0x20;
	s14 =	sadd.s32 $0xFA0, s14;
	s16 =	sadd.s32 $0x10, s15  }
0x33: {  	s15 =	sadd.s32 $0x10, s14;
	s18 =	smov.u32 s14;
	v0 =	vld.msk [tilespmem:s16+$0x0 ss:$0x1], $0xffff;
	vm1 =	vgt.s32 v2, $0x0;
	(ifvalue) =	ssetifvalue $0x7FFFFFFF  }
.LBB2_3:
0x34: {  	[tilespmem:s18], [sflag:$0x1] =	stream.indirect_vreg.gather [hbm4b:s2+s10], $0x1, v1, vm0, $0x4038;
	[tilespmem:$0x1F40] =	vst v63  }
0x35: {  	s17 =	sadd.s32 $0x10, s17  }
0x36: {  	v2 =	vnsel vm1, $0x0, v2;
	p0 =	slt.u32 s17, $0x7C0  }
.Ltmp3:
0x37: {  	s18 =	smov.u32 s15;
	v1 =	vmin.u32 v2, $0x3FFFF;
	(pc) =	sbr.rel @p0 .LBB2_3-.Ltmp3, $3  }
0x38: {  	_ =	sdelay $0x1  }
0x39: {  	s16 =	sadd.s32 $0x10, s16  }
0x3a: {  	vm1 =	vgt.s32 v0, $0x0;
	s15 =	sadd.s32 $0x10, s15;
	v2 =	vmov v0;
	(ifvalue) =	ssetifvalue $0x7FFFFFFF;
	v0 =	vld.msk [tilespmem:s16+$0x0 ss:$0x1], $0xffff  }
.Ltmp4:
0x3b: {  	_ = 	snop;
	(pc) =	sbr.rel .LBB2_4-.Ltmp4, $1  }
0x3c: {  	_ =	sdelay $0x3  }
.LBB2_6:
0x3d: {  	_ =	sfence.sel $0x180000  }
0x3e: {  	s2 =	simm.s32 $0x2;
	[bflag:$0x0] =	sbarrier.arrive $0xFFFF  }
0x3f: {  	s30 =	simm.s32 $0x3;
	[sflag:s2] =	ssyncpa.u1 $0x1  }
0x40: {  	s31 =	simm.s32 $0x1;
	[sflag:s30] =	ssyncpa.u1 $0x1  }
0x41: {  	[sflag:s31] =	ssyncpa.u1 $0x1  }
0x42: {  	p0 =	sne.s32 s1, $0x0;
	_ =	strace $0x9000004D  }
0x43: {  	s0 =	sadd.s32 @!p0 $0x100000, s0;
	[bflag:$0x2] =	sbarrier.arrive $0xFFFF  }
0x44: {  	[sflag:s0] =	ssyncadd.tile.s32 @!p0 $0x1;
	_ =	shalt  }
.Lfunc_end2:
_tile_overlayer_lowered:
.L_overlay_start_2:
0x45: {  	(tag) =	ssettag $0x2  }
0x46: {  	s0 =	rddreg [dreg:$0x0];
	s2 =	stileid.u32  }
0x47: {  	s1 =	rddreg [dreg:$0x1];
	p0 =	sne.s32 s2, $0x0  }
0x48: {  	s3 =	rddreg [dreg:$0x2];
	[bflag:$0x3] =	sbarrier.arrive $0xFFFF;
	s2 =	simm.s32 @!p0 $0x1C01  }
0x49: {  	[timem:s3], [sflag:s2] =	dma.local @!p0 [hbm:s0], s1  }
0x4a: {  	s0 =	simm.s32 @!p0 $0x1  }
0x4b: {  	_ =	swait.ge @!p0 [sflag:s0], s1  }
0x4c: {  	s1 =	ssub.s32 @!p0 $0x0, s1;
	[sflag:s0] =	ssyncset.done @!p0 $0x0  }
0x4d: {  	[sflag:s0] =	ssyncadd.s32 @!p0 s1  }
0x4e: {  	[bflag:$0x3] =	sbarrier.arrive $0xFFFF  }
0x4f: {  	_ =	shalt  }

// kernel: gather_offload_async_start
scs
__scs_entry_jumppad:
0x0: {  	(pc) =	sbr.rel $0x88, $3  }
0x1: {  	(tag) =	ssettag $0x0;
	lr =	simm.s32 $0x1  }
0x2: {  	[smem:$0x3F9C] =	sst lr;
	_ =	strace $0xD0000000  }
0x3: {  	_ = 	snop  }
0x4: {  	_ = 	snop  }
0x5: {  	_ = 	snop  }
0x6: {  	_ = 	snop  }
0x7: {  	_ = 	snop  }
__scs_overlays_trampoline_lowered:
0x8: {  	[smem:$0x3FAB] =	sst s0  }
0x9: {  	[smem:$0x3FAC] =	sst s1  }
0xa: {  	[smem:$0x3FAD] =	sst s2  }
0xb: {  	[smem:$0x3FAE] =	sst s3  }
0xc: {  	[smem:$0x3FAF] =	sst s4  }
0xd: {  	[smem:$0x3FB0] =	sst s5  }
0xe: {  	[smem:$0x3FB1] =	sst s6  }
0xf: {  	[smem:$0x3FB2] =	sst s7  }
0x10: {  	[smem:$0x3FB3] =	sst s8  }
0x11: {  	[smem:$0x3FB4] =	sst s9;
	s0 =	simm.s32 @!p0 $0x0  }
0x12: {  	s1 =	sld [smem:$0x3F9A];
	s0 =	simm.s32 @p0 $0x1  }
0x13: {  	[smem:$0x3FB5] =	sst s0;
	s0 =	simm.s32 @!p1 $0x0  }
0x14: {  	s2 =	sld [smem:$0x3F99];
	s0 =	simm.s32 @p1 $0x1  }
0x15: {  	[smem:$0x3FB6] =	sst s0;
	s0 =	simm.s32 @!p2 $0x0  }
0x16: {  	s3 =	sld [smem:$0x3FDB];
	s0 =	simm.s32 @p2 $0x1  }
0x17: {  	s4 =	simm.s32 $0x1BF5;
	[smem:$0x3FB8] =	sst s0  }
0x18: {  	s0 =	sld [smem:$0x3F9B];
	_ =	swait.ge [sflag:s4], $0x0  }
0x19: {  	s7 =	sld [smem:$0x3F9C]  }
0x1a: {  	s8 =	sadd.s32 $0xFFFFE003, lr  }
0x1b: {  	s9 =	sadd.s32 $0xFFFFFEF7, lr;
	s5 =	simm.s32 $0xFFFFFFFF;
	p2 =	slt.u32 s8, $0xFFFFF086  }
0x1c: {  	p1 =	slt.u32 s9, $0xF7A;
	s5 =	simm.s32 @!p2 $0x0  }
0x1d: {  	s5 =	simm.s32 @p1 $0x1;
	p0 =	seq.s32 s7, s2  }
0x1e: {  	s7 =	smul.u32 @!p0 $0xF7A, s2;
	p2 =	seq.s32 @!p0 s5, $0x0  }
0x1f: {  	s9 =	smul.u32 $0xF7A, s1;
	s8 =	simm.s32 @!p0 $0x1BF5;
	p2 =	por !p2, p0  }
0x20: {  	[sflag:s8] =	ssyncset.s32 @!p0 $0xFFFFF086;
	s6 =	sadd.s32 @!p0 s3, s7;
	s7 =	simm.s32 @!p0 $0x108  }
0x21: {  	s3 =	sadd.s32 s3, s9;
	s6 =	sadd.s32 @!p0 $0x88, s6;
	s7 =	simm.s32 @p2 $0x1082  }
0x22: {  	[simem:s7], [sflag:s8] =	dma.local @!p0 [hbm:s6], $0xF7A  }
0x23: {  	s9 =	sor.u32 $0xD0000000, s2;
	s6 =	simm.s32 $0x108;
	_ =	swait.ge @!p0 [sflag:s8], $0x0  }
0x24: {  	s3 =	sadd.s32 $0x88, s3;
	s6 =	simm.s32 @!p1 $0x1082;
	[sflag:s4] =	ssyncset.s32 $0xFFFFF086  }
0x25: {  	[simem:s6], [sflag:s4] =	dma.local [hbm:s3], $0xF7A  }
0x26: {  	[smem:$0x3F9C] =	sst s1;
	(tag) =	ssettag s2;
	_ =	strace s9  }
0x27: {  	s1 =	sld [smem:$0x3FAC]  }
0x28: {  	s2 =	sld [smem:$0x3FAD]  }
0x29: {  	s4 =	sld [smem:$0x3FAF]  }
0x2a: {  	p0 =	seq.s32 s5, $0x0;
	s5 =	sld [smem:$0x3FB0]  }
0x2b: {  	s6 =	sld [smem:$0x3FB1]  }
0x2c: {  	s7 =	sld [smem:$0x3FB2]  }
0x2d: {  	s3 =	simm.s32 $0x108;
	s8 =	sld [smem:$0x3FB3]  }
0x2e: {  	s3 =	simm.s32 @!p0 $0x1082;
	s9 =	sld [smem:$0x3FB4]  }
0x2f: {  	lr =	sadd.s32 s0, s3;
	s0 =	sld [smem:$0x3FAB]  }
0x30: {  	s3 =	sld [smem:$0x3FAE]  }
0x31: {  	[smem:$0x3FB7] =	sst s10  }
0x32: {  	s10 =	sld [smem:$0x3FB5];
	_ =	sdelay $0x3  }
0x33: {  	p0 =	seq.s32 s10, $0x1;
	s10 =	sld [smem:$0x3FB7];
	_ =	sdelay $0x3  }
0x34: {  	[smem:$0x3FB7] =	sst s10  }
0x35: {  	s10 =	sld [smem:$0x3FB6];
	_ =	sdelay $0x3  }
0x36: {  	p1 =	seq.s32 s10, $0x1;
	s10 =	sld [smem:$0x3FB7];
	_ =	sdelay $0x3  }
0x37: {  	[smem:$0x3FB7] =	sst s10  }
0x38: {  	s10 =	sld [smem:$0x3FB8]  }
0x39: {  	_ = 	snop;
	(pc) =	sbr.ind lr, $3  }
0x3a: {  	_ = 	snop  }
0x3b: {  	_ = 	snop  }
0x3c: {  	p2 =	seq.s32 s10, $0x1;
	s10 =	sld [smem:$0x3FB7]  }
0x3d: {  	_ =	shalt  }
0x3e: {  	_ =	shalt  }
0x3f: {  	_ =	shalt  }
0x40: {  	_ =	shalt  }
0x41: {  	_ =	shalt  }
0x42: {  	_ =	shalt  }
0x43: {  	_ =	shalt  }
0x44: {  	_ =	shalt  }
0x45: {  	_ =	shalt  }
0x46: {  	_ =	shalt  }
0x47: {  	_ =	shalt  }
0x48: {  	_ =	shalt  }
0x49: {  	_ =	shalt  }
0x4a: {  	_ =	shalt  }
0x4b: {  	_ =	shalt  }
0x4c: {  	_ =	shalt  }
0x4d: {  	_ =	shalt  }
0x4e: {  	_ =	shalt  }
0x4f: {  	_ =	shalt  }
0x50: {  	_ =	shalt  }
0x51: {  	_ =	shalt  }
0x52: {  	_ =	shalt  }
0x53: {  	_ =	shalt  }
0x54: {  	_ =	shalt  }
0x55: {  	_ =	shalt  }
0x56: {  	_ =	shalt  }
0x57: {  	_ =	shalt  }
0x58: {  	_ =	shalt  }
0x59: {  	_ =	shalt  }
0x5a: {  	_ =	shalt  }
0x5b: {  	_ =	shalt  }
0x5c: {  	_ =	shalt  }
0x5d: {  	_ =	shalt  }
0x5e: {  	_ =	shalt  }
0x5f: {  	_ =	shalt  }
0x60: {  	_ =	shalt  }
0x61: {  	_ =	shalt  }
0x62: {  	_ =	shalt  }
0x63: {  	_ =	shalt  }
0x64: {  	_ =	shalt  }
0x65: {  	_ =	shalt  }
0x66: {  	_ =	shalt  }
0x67: {  	_ =	shalt  }
0x68: {  	_ =	shalt  }
0x69: {  	_ =	shalt  }
0x6a: {  	_ =	shalt  }
0x6b: {  	_ =	shalt  }
0x6c: {  	_ =	shalt  }
0x6d: {  	_ =	shalt  }
0x6e: {  	_ =	shalt  }
0x6f: {  	_ =	shalt  }
0x70: {  	_ =	shalt  }
0x71: {  	_ =	shalt  }
0x72: {  	_ =	shalt  }
0x73: {  	_ =	shalt  }
0x74: {  	_ =	shalt  }
0x75: {  	_ =	shalt  }
0x76: {  	_ =	shalt  }
0x77: {  	_ =	shalt  }
0x78: {  	_ =	shalt  }
0x79: {  	_ =	shalt  }
0x7a: {  	_ =	shalt  }
0x7b: {  	_ =	shalt  }
0x7c: {  	_ =	shalt  }
0x7d: {  	_ =	shalt  }
0x7e: {  	_ =	shalt  }
0x7f: {  	_ =	shalt  }
0x80: {  	_ =	shalt  }
0x81: {  	_ =	shalt  }
0x82: {  	_ =	shalt  }
0x83: {  	_ =	shalt  }
0x84: {  	_ =	shalt  }
0x85: {  	_ =	shalt  }
0x86: {  	_ =	shalt  }
0x87: {  	_ =	shalt  }
.Lfunc_end0:
.L_simem_size_0:
called_computation.1_lowered:
.L_overlay_start_0:
0x88: {  	s2 =	sld [smem:$0x3FD9]  }
0x89: {  	s3 =	sld [smem:$0x3FFE];
	_ =	sdelay $0x1  }
0x8a: {  	s1 =	srdreg.scid  }
0x8b: {  	s0 =	sand.u32 $0x1, s1  }
0x8c: {  	s17 =	sshll.u32 s0, $0xA;
	s2 =	sadd.s32 s3, s2  }
0x8d: {  	s2 =	sadd.s32 s2, s17  }
0x8e: {  	[smem:$0x3FC3] =	sst s2  }
0x8f: {  	_ = 	snop  }
0x90: {  	s2 =	sld [smem:$0x3FD0];
	(tm) =	ssettm $0x1  }
0x91: {  	s18 =	sld [smem:$0x3FFB];
	_ =	sdelay $0x3  }
0x92: {  	_ =	strace s18  }
0x93: {  	s3 =	sld [smem:$0x3FFC];
	_ =	sdelay $0x3  }
0x94: {  	_ =	strace s3  }
0x95: {  	s3 =	sld [smem:$0x3FFD];
	_ =	sdelay $0x3  }
0x96: {  	_ =	strace s3  }
0x97: {  	_ =	strace $0x8FFFFFFF  }
0x98: {  	s19 =	sld [smem:$0x3FDB];
	_ =	sdelay $0x1  }
0x99: {  	s4 =	simm.s32 $_scs_section_size  }
0x9a: {  	s5 =	simm.s32 $_size__tile_overlayer_lowered;
	s6 =	simm.s32 $_tile_overlayer_lowered  }
0x9b: {  	s22 =	simm.s32 $0x1BFF;
	s21 =	sshll.u32 s6, $0x1;
	s3 =	sadd.s32 s4, s19  }
0x9c: {  	s7 =	simm.s32 $0x0;
	s20 =	sshll.u32 s5, $0x1;
	s5 =	sadd.s32 s21, s3  }
0x9d: {  	[timem:s7], [sflag:s22] =	dma.local [hbm:s5], s20  }
0x9e: {  	_ =	swait.ge [sflag:s22], s20  }
0x9f: {  	s4 =	ssub.s32 $0x0, s20;
	[sflag:s22] =	ssyncset.done $0x0  }
0xa0: {  	[sflag:s22] =	ssyncadd.s32 s4;
	_ =	sdelay $0x1  }
0xa1: {  	s23 =	simm.s32 $0x1B8B  }
0xa2: {  	_ =	swait.ge [sflag:s23], $0x1  }
0xa3: {  	[sflag:s23] =	ssyncset.done $0x0  }
0xa4: {  	s25 =	simm.s32 $0x1B8E;
	s24 =	sld [smem:$0x3FFE];
	[sflag:s23] =	ssyncadd.s32 $0xFFFFFFFF  }
0xa5: {  	s26 =	simm.s32 $execute0_lowered;
	[smem:$0x3FD2] =	sst s25  }
0xa6: {  	s5 =	sshll.u32 s26, $0x1;
	_ =	strace $0x80000049;
	[dreg:$0x1] =	wrdreg $0xFFFFFFFF  }
0xa7: {  	s28 =	simm.s32 $_size_execute0_lowered;
	s3 =	sadd.s32 s3, s5;
	[dreg:$0x0] =	wrdreg $0x0  }
0xa8: {  	s5 =	sshll.u32 s28, $0x1;
	[dreg:$0x2] =	wrdreg s3  }
0xa9: {  	[dreg:$0x3] =	wrdreg s5  }
0xaa: {  	[dreg:$0x4] =	wrdreg $0xC0  }
0xab: {  	_ =	task [dreg:s7], $0x5FFFF  }
0xac: {  	[dreg:$0x1] =	wrdreg $0xFFFFFFFF  }
0xad: {  	[dreg:$0x0] =	wrdreg $0x60  }
0xae: {  	[dreg:$0x2] =	wrdreg s2  }
0xaf: {  	[dreg:$0x3] =	wrdreg s24  }
0xb0: {  	[dreg:$0x4] =	wrdreg $0xA  }
0xb1: {  	_ =	task.clear_ibuf [dreg:s7], $0x5FFFF;
	_ =	strace $0x90000049  }
0xb2: {  	s29 =	simm.s32 $0xA;
	_ =	strace $0x8000004B  }
0xb3: {  	_ =	swait.ge [sflag:s29], $0x1  }
0xb4: {  	[sflag:s29] =	ssyncadd.s32 $0xFFFFFFFF  }
0xb5: {  	_ =	strace $0x9000004B  }
0xb6: {  	_ =	sfence  }
0xb7: {  	s30 =	sld [smem:$0x0];
	_ =	sdelay $0x2  }
0xb8: {  	s31 =	sshll.u32 s1, $0xD;
	s1 =	sshrl.u32 s1, $0x2  }
0xb9: {  	s3 =	sand.u32 $0x4000, s31;
	s1 =	sadd.s32 s1, s30  }
0xba: {  	s0 =	sor.u32 s3, s0;
	s1 =	sshll.u32 s1, $0x11  }
0xbb: {  	s0 =	sor.u32 s1, s0  }
0xbc: {  	s0 =	sadd.s32 $0x8F2B, s0  }
0xbd: {  	[sflag:s0] =	ssyncadd.remote.s32 $0x1  }
0xbe: {  	_ =	sfence.sel $0xFFFF  }
0xbf: {  	[dreg:$0x0] =	wrdreg $0xFFFFFFFF;
	(pc) =	sbr.abs _section_cstart, $3  }
0xc0: {  	[dreg:$0x1] =	wrdreg $0xFFFFFFFF  }
0xc1: {  	_ =	task.clear_ibuf [dreg:s7], $0x2FFFF;
	_ =	strace $0x9FFFFFFF  }
0xc2: {  	(tm) =	ssettm $0x7FFFFFFF  }
0xc3: {  	_ =	shalt  }
tec
execute0_lowered:
.L_overlay_start_1:
0x0: {  	(tag) =	ssettag $0x1  }
0x1: {  	s2 =	rddreg [dreg:$0x0]  }
0x2: {  	s8 =	rddreg [dreg:$0x1]  }
0x3: {  	s0 =	rddreg [dreg:$0x2];
	s1 =	stileid.u32  }
0x4: {  	s3 =	srdreg.scid;
	_ =	strace $0x8000004A;
	s4 =	simm.s32 $0x1  }
0x5: {  	s7 =	simm.s32 $0x1;
	s9 =	simm.s32 $0x1;
	s10 =	simm.s32 $0x3  }
0x6: {  	s13 =	simm.s32 $0x0;
	s5 =	sand.u32 $0x1, s3;
	s6 =	sshll.u32 s1, $0x1  }
0x7: {  	s12 =	simm.s32 $0x0;
	s3 =	sadd.s32 $0x15C00, s8;
	s5 =	sor.u32 s6, s5  }
.Ltmp0:
0x8: {  	[sflag:s4] =	ssyncpa.u1 $0x0;
	p0 =	slt.u32 s5, $0x13;
	(pc) =	sbr.rel .LBB2_1-.Ltmp0, $4  }
0x9: {  	s6 =	simm.s32 $0x2;
	s7 =	simm.s32 @!p0 $0x0;
	p0 =	sne.s32 s5, $0x12  }
0xa: {  	[sflag:s6] =	ssyncpa.u1 $0x0;
	s5 =	smul.u32 $0x7D0, s5;
	s9 =	simm.s32 @!p0 $0x0  }
0xb: {  	s8 =	sadd.s32 $0x1F200, s8;
	[sflag:s10] =	ssyncpa.u1 $0x0;
	s7 =	sadd.s32 s9, s7  }
0xc: {  	vm0 =	vmmov $0xffff;
	s10 =	simm.s32 $0x0;
	s11 =	smov.u32 s5;
	s9 =	sadd.s32 $0x1, s7  }
.LBB2_4:
0xd: {  	v2 =	vnsel vm1, $0x0, v2  }
0xe: {  	vm1 =	vgt.s32 v0, $0x0;
	v2 =	vmin.u32 v2, $0x3FFFF  }
0xf: {  	v0 =	vnsel vm1, $0x0, v0  }
0x10: {  	v0 =	vmin.u32 v0, $0x3FFFF  }
0x11: {  	[tilespmem:s18], [sflag:$0x1] =	stream.indirect_vreg.gather [hbm4b:s2+s10], $0x1, v1, vm0, $0x4038;
	[tilespmem:$0x1F40] =	vst v63  }
0x12: {  	(ifvalue) =	ssetifvalue $0x7FFFFFFF  }
0x13: {  	[tilespmem:s15], [sflag:$0x1] =	stream.indirect_vreg.gather [hbm4b:s2+s10], $0x1, v2, vm0, $0x4038;
	[tilespmem:$0x1F40] =	vst v63  }
0x14: {  	s29 =	sadd.s32 $0x10, s15;
	(ifvalue) =	ssetifvalue $0x7FFFFFFF  }
0x15: {  	[tilespmem:s29], [sflag:$0x1] =	stream.indirect_vreg.gather [hbm4b:s2+s10], $0x1, v0, vm0, $0x4038;
	[tilespmem:$0x1F40] =	vst v63  }
0x16: {  	_ =	swait.ge [sflag:s4], $0x7D0  }
0x17: {  	s30 =	sshrl.u32 s13, $0x3;
	[sflag:s4] =	ssyncset.done $0x0  }
0x18: {  	s31 =	sand.u32 $0x7, s13;
	s15 =	sadd.s32 s8, s30;
	[sflag:s4] =	ssyncadd.s32 $0xFFFFF830  }
0x19: {  	[hbm4b:s15+s31] =	stream.linear.scatter [tilespmem:s14], [sflag:$0x3], $0x7D0, $0x38;
	[tilespmem:$0x1F40] =	vst v63  }
.LBB2_5:
0x1a: {  	s15 =	sadd.s32 $0xFA00, s11  }
0x1b: {  	p1 =	sgt.s32 s15, $0x1869F  }
0x1c: {  	s15 =	smov.u32 @p1 s5;
	p1 =	sne.s32 s12, s9  }
.Ltmp1:
0x1d: {  	p0 =	slt.u32 s12, $0x2;
	(pc) =	sbr.rel @!p1 .LBB2_6-.Ltmp1, $4  }
0x1e: {  	s14 =	simm.s32 @!p0 $0x3  }
0x1f: {  	_ =	swait.ge @!p0 [sflag:s14], $0x7D0  }
0x20: {  	s16 =	sadd.s32 $0x1, s12;
	s13 =	smov.u32 s11;
	[sflag:s14] =	ssyncset.done @!p0 $0x0  }
0x21: {  	s12 =	smov.u32 s16;
	s11 =	smov.u32 s15;
	[sflag:s14] =	ssyncadd.s32 @!p0 $0xFFFFF830  }
.LBB2_1:
0x22: {  	p0 =	sge.u32 s12, s7  }
0x23: {  	s14 =	sxor.u32 @!p0 $0x1, s12  }
0x24: {  	s14 =	smul.u32 @!p0 $0x1F40, s14  }
0x25: {  	s31 =	sadd.s32 $0xFFFFFFFF, s12;
	s15 =	sshrl.u32 @!p0 s11, $0x3  }
0x26: {  	s16 =	sand.u32 @!p0 $0x7, s11;
	s15 =	sadd.s32 @!p0 s3, s15;
	s14 =	sshra.s32 @!p0 s14, $0x2  }
0x27: {  	[tilespmem:s14], [sflag:$0x2] =	stream.linear.gather @!p0 [hbm4b:s15+s16], $0x7D0, $0x38;
	[tilespmem:$0x1F40] =	vst v63  }
0x28: {  	p0 =	sge.u32 s31, s7  }
.Ltmp2:
0x29: {  	_ = 	snop;
	(pc) =	sbr.rel @p0 .LBB2_5-.Ltmp2, $1  }
0x2a: {  	_ =	sdelay $0x3  }
0x2b: {  	s14 =	sand.u32 $0x1, s12  }
0x2c: {  	_ =	swait.ge [sflag:s6], $0x7D0;
	p0 =	seq.s32 s14, $0x1;
	s14 =	simm.s32 $0x7D0  }
0x2d: {  	[sflag:s6] =	ssyncset.done $0x0;
	s14 =	simm.s32 @!p0 $0x0  }
0x2e: {  	[sflag:s6] =	ssyncadd.s32 $0xFFFFF830;
	(ifvalue) =	ssetifvalue $0x7FFFFFFF;
	v0 =	vld.msk [tilespmem:s14+$0x0 ss:$0x1], $0xffff;
	_ =	sdelay $0x4  }
0x2f: {  	s15 =	sadd.s32 $0x10, s14;
	vm1 =	vgt.s32 v0, $0x0  }
0x30: {  	v2 =	vld.msk [tilespmem:s15+$0x0 ss:$0x1], $0xffff;
	v1 =	vnsel vm1, $0x0, v0  }
0x31: {  	v1 =	vmin.u32 v1, $0x3FFFF;
	_ =	sdelay $0x2  }
0x32: {  	s17 =	simm.s32 $0x20;
	s14 =	sadd.s32 $0xFA0, s14;
	s16 =	sadd.s32 $0x10, s15  }
0x33: {  	s15 =	sadd.s32 $0x10, s14;
	s18 =	smov.u32 s14;
	v0 =	vld.msk [tilespmem:s16+$0x0 ss:$0x1], $0xffff;
	vm1 =	vgt.s32 v2, $0x0;
	(ifvalue) =	ssetifvalue $0x7FFFFFFF  }
.LBB2_3:
0x34: {  	[tilespmem:s18], [sflag:$0x1] =	stream.indirect_vreg.gather [hbm4b:s2+s10], $0x1, v1, vm0, $0x4038;
	[tilespmem:$0x1F40] =	vst v63  }
0x35: {  	s17 =	sadd.s32 $0x10, s17  }
0x36: {  	v2 =	vnsel vm1, $0x0, v2;
	p0 =	slt.u32 s17, $0x7C0  }
.Ltmp3:
0x37: {  	s18 =	smov.u32 s15;
	v1 =	vmin.u32 v2, $0x3FFFF;
	(pc) =	sbr.rel @p0 .LBB2_3-.Ltmp3, $3  }
0x38: {  	_ =	sdelay $0x1  }
0x39: {  	s16 =	sadd.s32 $0x10, s16  }
0x3a: {  	vm1 =	vgt.s32 v0, $0x0;
	s15 =	sadd.s32 $0x10, s15;
	v2 =	vmov v0;
	(ifvalue) =	ssetifvalue $0x7FFFFFFF;
	v0 =	vld.msk [tilespmem:s16+$0x0 ss:$0x1], $0xffff  }
.Ltmp4:
0x3b: {  	_ = 	snop;
	(pc) =	sbr.rel .LBB2_4-.Ltmp4, $1  }
0x3c: {  	_ =	sdelay $0x3  }
.LBB2_6:
0x3d: {  	_ =	sfence.sel $0x180000  }
0x3e: {  	s2 =	simm.s32 $0x2;
	[bflag:$0x0] =	sbarrier.arrive $0xFFFF  }
0x3f: {  	s30 =	simm.s32 $0x3;
	[sflag:s2] =	ssyncpa.u1 $0x1  }
0x40: {  	s31 =	simm.s32 $0x1;
	[sflag:s30] =	ssyncpa.u1 $0x1  }
0x41: {  	[sflag:s31] =	ssyncpa.u1 $0x1  }
0x42: {  	p0 =	sne.s32 s1, $0x0;
	_ =	strace $0x9000004A  }
0x43: {  	s0 =	sadd.s32 @!p0 $0x100000, s0;
	[bflag:$0x2] =	sbarrier.arrive $0xFFFF  }
0x44: {  	[sflag:s0] =	ssyncadd.tile.s32 @!p0 $0x1;
	_ =	shalt  }
.Lfunc_end2:
_tile_overlayer_lowered:
.L_overlay_start_2:
0x45: {  	(tag) =	ssettag $0x2  }
0x46: {  	s0 =	rddreg [dreg:$0x0];
	s2 =	stileid.u32  }
0x47: {  	s1 =	rddreg [dreg:$0x1];
	p0 =	sne.s32 s2, $0x0  }
0x48: {  	s3 =	rddreg [dreg:$0x2];
	[bflag:$0x3] =	sbarrier.arrive $0xFFFF;
	s2 =	simm.s32 @!p0 $0x1C01  }
0x49: {  	[timem:s3], [sflag:s2] =	dma.local @!p0 [hbm:s0], s1  }
0x4a: {  	s0 =	simm.s32 @!p0 $0x1  }
0x4b: {  	_ =	swait.ge @!p0 [sflag:s0], s1  }
0x4c: {  	s1 =	ssub.s32 @!p0 $0x0, s1;
	[sflag:s0] =	ssyncset.done @!p0 $0x0  }
0x4d: {  	[sflag:s0] =	ssyncadd.s32 @!p0 s1  }
0x4e: {  	[bflag:$0x3] =	sbarrier.arrive $0xFFFF  }
0x4f: {  	_ =	shalt  }

// kernel: kernel.5.cloned.1.call-start
scs
__scs_entry_jumppad:
0x0: {  	(pc) =	sbr.rel $0x88, $3  }
0x1: {  	(tag) =	ssettag $0x0;
	lr =	simm.s32 $0x1  }
0x2: {  	[smem:$0x3F9C] =	sst lr;
	_ =	strace $0xD0000000  }
0x3: {  	_ = 	snop  }
0x4: {  	_ = 	snop  }
0x5: {  	_ = 	snop  }
0x6: {  	_ = 	snop  }
0x7: {  	_ = 	snop  }
__scs_overlays_trampoline_lowered:
0x8: {  	[smem:$0x3FAB] =	sst s0  }
0x9: {  	[smem:$0x3FAC] =	sst s1  }
0xa: {  	[smem:$0x3FAD] =	sst s2  }
0xb: {  	[smem:$0x3FAE] =	sst s3  }
0xc: {  	[smem:$0x3FAF] =	sst s4  }
0xd: {  	[smem:$0x3FB0] =	sst s5  }
0xe: {  	[smem:$0x3FB1] =	sst s6  }
0xf: {  	[smem:$0x3FB2] =	sst s7  }
0x10: {  	[smem:$0x3FB3] =	sst s8  }
0x11: {  	[smem:$0x3FB4] =	sst s9;
	s0 =	simm.s32 @!p0 $0x0  }
0x12: {  	s1 =	sld [smem:$0x3F9A];
	s0 =	simm.s32 @p0 $0x1  }
0x13: {  	[smem:$0x3FB5] =	sst s0;
	s0 =	simm.s32 @!p1 $0x0  }
0x14: {  	s2 =	sld [smem:$0x3F99];
	s0 =	simm.s32 @p1 $0x1  }
0x15: {  	[smem:$0x3FB6] =	sst s0;
	s0 =	simm.s32 @!p2 $0x0  }
0x16: {  	s3 =	sld [smem:$0x3FDB];
	s0 =	simm.s32 @p2 $0x1  }
0x17: {  	s4 =	simm.s32 $0x1BF5;
	[smem:$0x3FB8] =	sst s0  }
0x18: {  	s0 =	sld [smem:$0x3F9B];
	_ =	swait.ge [sflag:s4], $0x0  }
0x19: {  	s7 =	sld [smem:$0x3F9C]  }
0x1a: {  	s8 =	sadd.s32 $0xFFFFE003, lr  }
0x1b: {  	s9 =	sadd.s32 $0xFFFFFEF7, lr;
	s5 =	simm.s32 $0xFFFFFFFF;
	p2 =	slt.u32 s8, $0xFFFFF086  }
0x1c: {  	p1 =	slt.u32 s9, $0xF7A;
	s5 =	simm.s32 @!p2 $0x0  }
0x1d: {  	s5 =	simm.s32 @p1 $0x1;
	p0 =	seq.s32 s7, s2  }
0x1e: {  	s7 =	smul.u32 @!p0 $0xF7A, s2;
	p2 =	seq.s32 @!p0 s5, $0x0  }
0x1f: {  	s9 =	smul.u32 $0xF7A, s1;
	s8 =	simm.s32 @!p0 $0x1BF5;
	p2 =	por !p2, p0  }
0x20: {  	[sflag:s8] =	ssyncset.s32 @!p0 $0xFFFFF086;
	s6 =	sadd.s32 @!p0 s3, s7;
	s7 =	simm.s32 @!p0 $0x108  }
0x21: {  	s3 =	sadd.s32 s3, s9;
	s6 =	sadd.s32 @!p0 $0x88, s6;
	s7 =	simm.s32 @p2 $0x1082  }
0x22: {  	[simem:s7], [sflag:s8] =	dma.local @!p0 [hbm:s6], $0xF7A  }
0x23: {  	s9 =	sor.u32 $0xD0000000, s2;
	s6 =	simm.s32 $0x108;
	_ =	swait.ge @!p0 [sflag:s8], $0x0  }
0x24: {  	s3 =	sadd.s32 $0x88, s3;
	s6 =	simm.s32 @!p1 $0x1082;
	[sflag:s4] =	ssyncset.s32 $0xFFFFF086  }
0x25: {  	[simem:s6], [sflag:s4] =	dma.local [hbm:s3], $0xF7A  }
0x26: {  	[smem:$0x3F9C] =	sst s1;
	(tag) =	ssettag s2;
	_ =	strace s9  }
0x27: {  	s1 =	sld [smem:$0x3FAC]  }
0x28: {  	s2 =	sld [smem:$0x3FAD]  }
0x29: {  	s4 =	sld [smem:$0x3FAF]  }
0x2a: {  	p0 =	seq.s32 s5, $0x0;
	s5 =	sld [smem:$0x3FB0]  }
0x2b: {  	s6 =	sld [smem:$0x3FB1]  }
0x2c: {  	s7 =	sld [smem:$0x3FB2]  }
0x2d: {  	s3 =	simm.s32 $0x108;
	s8 =	sld [smem:$0x3FB3]  }
0x2e: {  	s3 =	simm.s32 @!p0 $0x1082;
	s9 =	sld [smem:$0x3FB4]  }
0x2f: {  	lr =	sadd.s32 s0, s3;
	s0 =	sld [smem:$0x3FAB]  }
0x30: {  	s3 =	sld [smem:$0x3FAE]  }
0x31: {  	[smem:$0x3FB7] =	sst s10  }
0x32: {  	s10 =	sld [smem:$0x3FB5];
	_ =	sdelay $0x3  }
0x33: {  	p0 =	seq.s32 s10, $0x1;
	s10 =	sld [smem:$0x3FB7];
	_ =	sdelay $0x3  }
0x34: {  	[smem:$0x3FB7] =	sst s10  }
0x35: {  	s10 =	sld [smem:$0x3FB6];
	_ =	sdelay $0x3  }
0x36: {  	p1 =	seq.s32 s10, $0x1;
	s10 =	sld [smem:$0x3FB7];
	_ =	sdelay $0x3  }
0x37: {  	[smem:$0x3FB7] =	sst s10  }
0x38: {  	s10 =	sld [smem:$0x3FB8]  }
0x39: {  	_ = 	snop;
	(pc) =	sbr.ind lr, $3  }
0x3a: {  	_ = 	snop  }
0x3b: {  	_ = 	snop  }
0x3c: {  	p2 =	seq.s32 s10, $0x1;
	s10 =	sld [smem:$0x3FB7]  }
0x3d: {  	_ =	shalt  }
0x3e: {  	_ =	shalt  }
0x3f: {  	_ =	shalt  }
0x40: {  	_ =	shalt  }
0x41: {  	_ =	shalt  }
0x42: {  	_ =	shalt  }
0x43: {  	_ =	shalt  }
0x44: {  	_ =	shalt  }
0x45: {  	_ =	shalt  }
0x46: {  	_ =	shalt  }
0x47: {  	_ =	shalt  }
0x48: {  	_ =	shalt  }
0x49: {  	_ =	shalt  }
0x4a: {  	_ =	shalt  }
0x4b: {  	_ =	shalt  }
0x4c: {  	_ =	shalt  }
0x4d: {  	_ =	shalt  }
0x4e: {  	_ =	shalt  }
0x4f: {  	_ =	shalt  }
0x50: {  	_ =	shalt  }
0x51: {  	_ =	shalt  }
0x52: {  	_ =	shalt  }
0x53: {  	_ =	shalt  }
0x54: {  	_ =	shalt  }
0x55: {  	_ =	shalt  }
0x56: {  	_ =	shalt  }
0x57: {  	_ =	shalt  }
0x58: {  	_ =	shalt  }
0x59: {  	_ =	shalt  }
0x5a: {  	_ =	shalt  }
0x5b: {  	_ =	shalt  }
0x5c: {  	_ =	shalt  }
0x5d: {  	_ =	shalt  }
0x5e: {  	_ =	shalt  }
0x5f: {  	_ =	shalt  }
0x60: {  	_ =	shalt  }
0x61: {  	_ =	shalt  }
0x62: {  	_ =	shalt  }
0x63: {  	_ =	shalt  }
0x64: {  	_ =	shalt  }
0x65: {  	_ =	shalt  }
0x66: {  	_ =	shalt  }
0x67: {  	_ =	shalt  }
0x68: {  	_ =	shalt  }
0x69: {  	_ =	shalt  }
0x6a: {  	_ =	shalt  }
0x6b: {  	_ =	shalt  }
0x6c: {  	_ =	shalt  }
0x6d: {  	_ =	shalt  }
0x6e: {  	_ =	shalt  }
0x6f: {  	_ =	shalt  }
0x70: {  	_ =	shalt  }
0x71: {  	_ =	shalt  }
0x72: {  	_ =	shalt  }
0x73: {  	_ =	shalt  }
0x74: {  	_ =	shalt  }
0x75: {  	_ =	shalt  }
0x76: {  	_ =	shalt  }
0x77: {  	_ =	shalt  }
0x78: {  	_ =	shalt  }
0x79: {  	_ =	shalt  }
0x7a: {  	_ =	shalt  }
0x7b: {  	_ =	shalt  }
0x7c: {  	_ =	shalt  }
0x7d: {  	_ =	shalt  }
0x7e: {  	_ =	shalt  }
0x7f: {  	_ =	shalt  }
0x80: {  	_ =	shalt  }
0x81: {  	_ =	shalt  }
0x82: {  	_ =	shalt  }
0x83: {  	_ =	shalt  }
0x84: {  	_ =	shalt  }
0x85: {  	_ =	shalt  }
0x86: {  	_ =	shalt  }
0x87: {  	_ =	shalt  }
.Lfunc_end0:
.L_simem_size_0:
called_computation.8_lowered:
.L_overlay_start_0:
0x88: {  	s2 =	sld [smem:$0x3FD9]  }
0x89: {  	s3 =	sld [smem:$0x3FFE];
	_ =	sdelay $0x1  }
0x8a: {  	s1 =	srdreg.scid  }
0x8b: {  	s0 =	sand.u32 $0x1, s1  }
0x8c: {  	s17 =	sshll.u32 s0, $0xA;
	s2 =	sadd.s32 s3, s2  }
0x8d: {  	s2 =	sadd.s32 s2, s17  }
0x8e: {  	[smem:$0x3FC3] =	sst s2  }
0x8f: {  	_ = 	snop  }
0x90: {  	s2 =	sld [smem:$0x3FD0];
	(tm) =	ssettm $0x1  }
0x91: {  	s18 =	sld [smem:$0x3FFB];
	_ =	sdelay $0x3  }
0x92: {  	_ =	strace s18  }
0x93: {  	s3 =	sld [smem:$0x3FFC];
	_ =	sdelay $0x3  }
0x94: {  	_ =	strace s3  }
0x95: {  	s3 =	sld [smem:$0x3FFD];
	_ =	sdelay $0x3  }
0x96: {  	_ =	strace s3  }
0x97: {  	_ =	strace $0x8FFFFFFF  }
0x98: {  	s19 =	sld [smem:$0x3FDB];
	_ =	sdelay $0x1  }
0x99: {  	s4 =	simm.s32 $_scs_section_size  }
0x9a: {  	s5 =	simm.s32 $_size__tile_overlayer_lowered;
	s6 =	simm.s32 $_tile_overlayer_lowered  }
0x9b: {  	s22 =	simm.s32 $0x1BFF;
	s21 =	sshll.u32 s6, $0x1;
	s3 =	sadd.s32 s4, s19  }
0x9c: {  	s7 =	simm.s32 $0x0;
	s20 =	sshll.u32 s5, $0x1;
	s5 =	sadd.s32 s21, s3  }
0x9d: {  	[timem:s7], [sflag:s22] =	dma.local [hbm:s5], s20  }
0x9e: {  	_ =	swait.ge [sflag:s22], s20  }
0x9f: {  	s4 =	ssub.s32 $0x0, s20;
	[sflag:s22] =	ssyncset.done $0x0  }
0xa0: {  	[sflag:s22] =	ssyncadd.s32 s4;
	_ =	sdelay $0x1  }
0xa1: {  	s23 =	simm.s32 $0x1B8B  }
0xa2: {  	_ =	swait.ge [sflag:s23], $0x1  }
0xa3: {  	[sflag:s23] =	ssyncset.done $0x0  }
0xa4: {  	s25 =	simm.s32 $0x1B8E;
	s24 =	sld [smem:$0x3FFE];
	[sflag:s23] =	ssyncadd.s32 $0xFFFFFFFF  }
0xa5: {  	s26 =	simm.s32 $execute0_lowered;
	[smem:$0x3FD2] =	sst s25  }
0xa6: {  	s5 =	sshll.u32 s26, $0x1;
	_ =	strace $0x8000005E;
	[dreg:$0x1] =	wrdreg $0xFFFFFFFF  }
0xa7: {  	s28 =	simm.s32 $_size_execute0_lowered;
	s3 =	sadd.s32 s3, s5;
	[dreg:$0x0] =	wrdreg $0x0  }
0xa8: {  	s5 =	sshll.u32 s28, $0x1;
	[dreg:$0x2] =	wrdreg s3  }
0xa9: {  	[dreg:$0x3] =	wrdreg s5  }
0xaa: {  	[dreg:$0x4] =	wrdreg $0xC0  }
0xab: {  	_ =	task [dreg:s7], $0x5FFFF  }
0xac: {  	[dreg:$0x1] =	wrdreg $0xFFFFFFFF  }
0xad: {  	[dreg:$0x0] =	wrdreg $0x60  }
0xae: {  	[dreg:$0x2] =	wrdreg s24  }
0xaf: {  	[dreg:$0x3] =	wrdreg s2  }
0xb0: {  	[dreg:$0x4] =	wrdreg $0x9  }
0xb1: {  	_ =	task.clear_ibuf [dreg:s7], $0x5FFFF;
	_ =	strace $0x9000005E  }
0xb2: {  	s29 =	simm.s32 $0x9;
	_ =	strace $0x80000060  }
0xb3: {  	_ =	swait.ge [sflag:s29], $0x1  }
0xb4: {  	[sflag:s29] =	ssyncadd.s32 $0xFFFFFFFF  }
0xb5: {  	_ =	strace $0x90000060  }
0xb6: {  	_ =	sfence  }
0xb7: {  	s30 =	sld [smem:$0x0];
	_ =	sdelay $0x2  }
0xb8: {  	s31 =	sshll.u32 s1, $0xD;
	s1 =	sshrl.u32 s1, $0x2  }
0xb9: {  	s3 =	sand.u32 $0x4000, s31;
	s1 =	sadd.s32 s1, s30  }
0xba: {  	s0 =	sor.u32 s3, s0;
	s1 =	sshll.u32 s1, $0x11  }
0xbb: {  	s0 =	sor.u32 s1, s0  }
0xbc: {  	s0 =	sadd.s32 $0x8F2B, s0  }
0xbd: {  	[sflag:s0] =	ssyncadd.remote.s32 $0x1  }
0xbe: {  	_ =	sfence.sel $0xFFFF  }
0xbf: {  	[dreg:$0x0] =	wrdreg $0xFFFFFFFF;
	(pc) =	sbr.abs _section_cstart, $3  }
0xc0: {  	[dreg:$0x1] =	wrdreg $0xFFFFFFFF  }
0xc1: {  	_ =	task.clear_ibuf [dreg:s7], $0x2FFFF;
	_ =	strace $0x9FFFFFFF  }
0xc2: {  	(tm) =	ssettm $0x7FFFFFFF  }
0xc3: {  	_ =	shalt  }
tec
execute0_lowered:
.L_overlay_start_1:
0x0: {  	(tag) =	ssettag $0x1  }
0x1: {  	s0 =	rddreg [dreg:$0x0]  }
0x2: {  	s5 =	rddreg [dreg:$0x1]  }
0x3: {  	s2 =	simm.s32 $0x0;
	s1 =	stileid.u32;
	s3 =	srdreg.scid  }
0x4: {  	s23 =	simm.s32 $0x100;
	s24 =	simm.s32 $0x180;
	s10 =	simm.s32 $0x8400  }
0x5: {  	s25 =	simm.s32 $0x200;
	s11 =	simm.s32 $0xC400;
	s26 =	simm.s32 $0x280  }
0x6: {  	s12 =	simm.s32 $0x10400;
	s31 =	simm.s32 $0x300;
	s13 =	simm.s32 $0x14400  }
0x7: {  	s14 =	simm.s32 $0x18400;
	s15 =	simm.s32 $0x1;
	s16 =	simm.s32 $0x2  }
0x8: {  	s17 =	simm.s32 $0x3;
	s18 =	simm.s32 $0x4;
	s28 =	simm.s32 $0xD  }
0x9: {  	s29 =	simm.s32 $0xE;
	s30 =	simm.s32 $0x0;
	[smem:$0x7FF] =	sst s2  }
0xa: {  	s4 =	smul.u32 $0x19000, s1;
	_ =	strace $0x8000005F;
	[dreg:$0x4] =	wrdreg s23  }
0xb: {  	s6 =	sand.u32 $0x1, s3;
	s9 =	smul.u32 $0x1900, s1;
	[dreg:$0x5] =	wrdreg s24  }
0xc: {  	s3 =	sadd.s32 $0x25600, s0;
	s8 =	smul.u32 $0xC800, s6;
	[dreg:$0x6] =	wrdreg s25  }
0xd: {  	s7 =	ssub.s32 $0x2, s6;
	s6 =	smul.u32 $0xC80, s6;
	[dreg:$0x7] =	wrdreg s26  }
0xe: {  	[dreg:$0x8] =	wrdreg s31;
	s23 =	simm.s32 $0x9;
	s24 =	simm.s32 $0xA  }
0xf: {  	s25 =	simm.s32 $0xB;
	s26 =	simm.s32 $0xC;
	s0 =	sadd.s32 s4, s0  }
0x10: {  	s19 =	sshrl.u32 s7, $0x1;
	s5 =	sadd.s32 s9, s5;
	s9 =	simm.s32 $0x4400  }
0x11: {  	s4 =	ssub.s32 s7, s19;
	s0 =	sadd.s32 s8, s0;
	s22 =	sadd.s32 s6, s5  }
0x12: {  	s6 =	simm.s32 $0xF;
	s7 =	simm.s32 $0x80;
	s8 =	simm.s32 $0x400  }
0x13: {  	s19 =	simm.s32 $0x5;
	s20 =	smax.u32 s4, $0x1;
	[dreg:$0xa] =	wrdreg s22  }
0x14: {  	s21 =	sadd.s32 $0x1B5600, s0;
	s22 =	simm.s32 $0x8;
	[dreg:$0x9] =	wrdreg s20  }
0x15: {  	[dreg:$0x3] =	wrdreg s21;
	s20 =	simm.s32 $0x6;
	s21 =	simm.s32 $0x7  }
.LBB2_1:
0x16: {  	s0 =	rddreg [dreg:$0xa]  }
0x17: {  	[tilespmem:s2], [sflag:$0xF] =	stream.linear.gather [hbm4b:s0+s2], $0x400, $0x38;
	[tilespmem:$0x1C400] =	vst v63  }
0x18: {  	_ =	swait.ge [sflag:s6], $0x400  }
0x19: {  	[sflag:s6] =	ssyncset.done $0x0  }
0x1a: {  	[sflag:s6] =	ssyncadd.s32 $0xFFFFFC00  }
0x1b: {  	[tilespmem:s8], [sflag:$0x1] =	stream.indirect.gather [hbm4b:s3+s7], $0x80, s2, s7, $0xb8;
	[tilespmem:$0x1C400] =	vst v63  }
0x1c: {  	_ = 	snop  }
0x1d: {  	[tilespmem:s9], [sflag:$0x2] =	stream.indirect.gather [hbm4b:s3+s7], $0x80, s7, s7, $0xb8;
	[tilespmem:$0x1C400] =	vst v63  }
0x1e: {  	s5 =	rddreg [dreg:$0x4]  }
0x1f: {  	[tilespmem:s10], [sflag:$0x3] =	stream.indirect.gather [hbm4b:s3+s7], $0x80, s5, s7, $0xb8;
	[tilespmem:$0x1C400] =	vst v63  }
0x20: {  	s31 =	rddreg [dreg:$0x5]  }
0x21: {  	[tilespmem:s11], [sflag:$0x4] =	stream.indirect.gather [hbm4b:s3+s7], $0x80, s31, s7, $0xb8;
	[tilespmem:$0x1C400] =	vst v63  }
0x22: {  	s4 =	rddreg [dreg:$0x6]  }
0x23: {  	[tilespmem:s12], [sflag:$0x5] =	stream.indirect.gather [hbm4b:s3+s7], $0x80, s4, s7, $0xb8;
	[tilespmem:$0x1C400] =	vst v63  }
0x24: {  	s31 =	rddreg [dreg:$0x7]  }
0x25: {  	[tilespmem:s13], [sflag:$0x6] =	stream.indirect.gather [hbm4b:s3+s7], $0x80, s31, s7, $0xb8;
	[tilespmem:$0x1C400] =	vst v63  }
0x26: {  	s1 =	rddreg [dreg:$0x8]  }
0x27: {  	[tilespmem:s14], [sflag:$0x7] =	stream.indirect.gather [hbm4b:s3+s7], $0x80, s1, s7, $0xb8;
	[tilespmem:$0x1C400] =	vst v63  }
0x28: {  	_ =	swait.ge [sflag:s15], $0x4000  }
0x29: {  	s4 =	rddreg [dreg:$0x3];
	[sflag:s15] =	ssyncset.done $0x0  }
0x2a: {  	[sflag:s15] =	ssyncadd.s32 $0xFFFFC000;
	s5 =	sadd.s32 $0x0, s4  }
0x2b: {  	[hbm4b:s5+s2] =	stream.linear.scatter [tilespmem:s8], [sflag:$0x8], $0x4000, $0x38;
	[tilespmem:$0x1C400] =	vst v63  }
0x2c: {  	_ =	swait.ge [sflag:s16], $0x4000  }
0x2d: {  	[sflag:s16] =	ssyncset.done $0x0  }
0x2e: {  	s31 =	sadd.s32 $0x190000, s5;
	[sflag:s16] =	ssyncadd.s32 $0xFFFFC000  }
0x2f: {  	[hbm4b:s31+s2] =	stream.linear.scatter [tilespmem:s9], [sflag:$0x9], $0x4000, $0x38;
	[tilespmem:$0x1C400] =	vst v63  }
0x30: {  	_ =	swait.ge [sflag:s17], $0x4000  }
0x31: {  	[sflag:s17] =	ssyncset.done $0x0  }
0x32: {  	s31 =	sadd.s32 $0x320000, s5;
	[sflag:s17] =	ssyncadd.s32 $0xFFFFC000  }
0x33: {  	[hbm4b:s31+s2] =	stream.linear.scatter [tilespmem:s10], [sflag:$0xA], $0x4000, $0x38;
	[tilespmem:$0x1C400] =	vst v63  }
0x34: {  	_ =	swait.ge [sflag:s18], $0x4000  }
0x35: {  	[sflag:s18] =	ssyncset.done $0x0  }
0x36: {  	s31 =	sadd.s32 $0x4B0000, s5;
	[sflag:s18] =	ssyncadd.s32 $0xFFFFC000  }
0x37: {  	[hbm4b:s31+s2] =	stream.linear.scatter [tilespmem:s11], [sflag:$0xB], $0x4000, $0x38;
	[tilespmem:$0x1C400] =	vst v63  }
0x38: {  	_ =	swait.ge [sflag:s19], $0x4000  }
0x39: {  	[sflag:s19] =	ssyncset.done $0x0  }
0x3a: {  	s31 =	sadd.s32 $0x640000, s5;
	[sflag:s19] =	ssyncadd.s32 $0xFFFFC000  }
0x3b: {  	[hbm4b:s31+s2] =	stream.linear.scatter [tilespmem:s12], [sflag:$0xC], $0x4000, $0x38;
	[tilespmem:$0x1C400] =	vst v63  }
0x3c: {  	_ =	swait.ge [sflag:s20], $0x4000  }
0x3d: {  	[sflag:s20] =	ssyncset.done $0x0  }
0x3e: {  	s31 =	sadd.s32 $0x7D0000, s5;
	[sflag:s20] =	ssyncadd.s32 $0xFFFFC000  }
0x3f: {  	[hbm4b:s31+s2] =	stream.linear.scatter [tilespmem:s13], [sflag:$0xD], $0x4000, $0x38;
	[tilespmem:$0x1C400] =	vst v63  }
0x40: {  	_ =	swait.ge [sflag:s21], $0x4000  }
0x41: {  	[sflag:s21] =	ssyncset.done $0x0  }
0x42: {  	s5 =	sadd.s32 $0x960000, s5;
	[sflag:s21] =	ssyncadd.s32 $0xFFFFC000  }
0x43: {  	[hbm4b:s5+s2] =	stream.linear.scatter [tilespmem:s14], [sflag:$0xE], $0x4000, $0x38;
	[tilespmem:$0x1C400] =	vst v63  }
0x44: {  	_ =	swait.ge [sflag:s22], $0x4000  }
0x45: {  	[sflag:s22] =	ssyncset.done $0x0  }
0x46: {  	[sflag:s22] =	ssyncadd.s32 $0xFFFFC000  }
0x47: {  	_ =	swait.ge [sflag:s23], $0x4000  }
0x48: {  	[sflag:s23] =	ssyncset.done $0x0  }
0x49: {  	[sflag:s23] =	ssyncadd.s32 $0xFFFFC000  }
0x4a: {  	_ =	swait.ge [sflag:s24], $0x4000  }
0x4b: {  	[sflag:s24] =	ssyncset.done $0x0  }
0x4c: {  	[sflag:s24] =	ssyncadd.s32 $0xFFFFC000  }
0x4d: {  	_ =	swait.ge [sflag:s25], $0x4000  }
0x4e: {  	[sflag:s25] =	ssyncset.done $0x0  }
0x4f: {  	[sflag:s25] =	ssyncadd.s32 $0xFFFFC000  }
0x50: {  	_ =	swait.ge [sflag:s26], $0x4000  }
0x51: {  	[sflag:s26] =	ssyncset.done $0x0  }
0x52: {  	[sflag:s26] =	ssyncadd.s32 $0xFFFFC000  }
0x53: {  	_ =	swait.ge [sflag:s28], $0x4000  }
0x54: {  	[sflag:s28] =	ssyncset.done $0x0  }
0x55: {  	[sflag:s28] =	ssyncadd.s32 $0xFFFFC000  }
0x56: {  	_ =	swait.ge [sflag:s29], $0x4000  }
0x57: {  	s31 =	simm.s32 $0x800;
	s5 =	smov.u32 s0;
	[sflag:s29] =	ssyncset.done $0x0  }
.LBB2_2:
0x58: {  	[sflag:s29] =	ssyncadd.s32 $0xFFFFC000;
	s5 =	sadd.s32 $0x80, s5  }
0x59: {  	[tilespmem:s2], [sflag:$0xF] =	stream.linear.gather [hbm4b:s5+s2], $0x400, $0x38;
	[tilespmem:$0x1C400] =	vst v63  }
0x5a: {  	_ =	swait.ge [sflag:s6], $0x400  }
0x5b: {  	[sflag:s6] =	ssyncset.done $0x0  }
0x5c: {  	[sflag:s6] =	ssyncadd.s32 $0xFFFFFC00  }
0x5d: {  	[tilespmem:s8], [sflag:$0x1] =	stream.indirect.gather [hbm4b:s3+s7], $0x80, s2, s7, $0xb8;
	[tilespmem:$0x1C400] =	vst v63  }
0x5e: {  	_ = 	snop  }
0x5f: {  	[tilespmem:s9], [sflag:$0x2] =	stream.indirect.gather [hbm4b:s3+s7], $0x80, s7, s7, $0xb8;
	[tilespmem:$0x1C400] =	vst v63  }
0x60: {  	s4 =	rddreg [dreg:$0x4]  }
0x61: {  	[tilespmem:s10], [sflag:$0x3] =	stream.indirect.gather [hbm4b:s3+s7], $0x80, s4, s7, $0xb8;
	[tilespmem:$0x1C400] =	vst v63  }
0x62: {  	s0 =	rddreg [dreg:$0x5]  }
0x63: {  	[tilespmem:s11], [sflag:$0x4] =	stream.indirect.gather [hbm4b:s3+s7], $0x80, s0, s7, $0xb8;
	[tilespmem:$0x1C400] =	vst v63  }
0x64: {  	s4 =	rddreg [dreg:$0x6]  }
0x65: {  	[tilespmem:s12], [sflag:$0x5] =	stream.indirect.gather [hbm4b:s3+s7], $0x80, s4, s7, $0xb8;
	[tilespmem:$0x1C400] =	vst v63  }
0x66: {  	s0 =	rddreg [dreg:$0x7]  }
0x67: {  	[tilespmem:s13], [sflag:$0x6] =	stream.indirect.gather [hbm4b:s3+s7], $0x80, s0, s7, $0xb8;
	[tilespmem:$0x1C400] =	vst v63  }
0x68: {  	s4 =	rddreg [dreg:$0x8]  }
0x69: {  	[tilespmem:s14], [sflag:$0x7] =	stream.indirect.gather [hbm4b:s3+s7], $0x80, s4, s7, $0xb8;
	[tilespmem:$0x1C400] =	vst v63  }
0x6a: {  	_ =	swait.ge [sflag:s15], $0x4000  }
0x6b: {  	s1 =	smov.u32 s31;
	s4 =	rddreg [dreg:$0x3];
	[sflag:s15] =	ssyncset.done $0x0  }
0x6c: {  	[sflag:s15] =	ssyncadd.s32 $0xFFFFC000;
	s0 =	sadd.s32 s1, s4  }
0x6d: {  	[hbm4b:s0+s2] =	stream.linear.scatter [tilespmem:s8], [sflag:$0x8], $0x4000, $0x38;
	[tilespmem:$0x1C400] =	vst v63  }
0x6e: {  	_ =	swait.ge [sflag:s16], $0x4000  }
0x6f: {  	[sflag:s16] =	ssyncset.done $0x0  }
0x70: {  	s1 =	sadd.s32 $0x190000, s0;
	[sflag:s16] =	ssyncadd.s32 $0xFFFFC000  }
0x71: {  	[hbm4b:s1+s2] =	stream.linear.scatter [tilespmem:s9], [sflag:$0x9], $0x4000, $0x38;
	[tilespmem:$0x1C400] =	vst v63  }
0x72: {  	_ =	swait.ge [sflag:s17], $0x4000  }
0x73: {  	[sflag:s17] =	ssyncset.done $0x0  }
0x74: {  	s4 =	sadd.s32 $0x320000, s0;
	[sflag:s17] =	ssyncadd.s32 $0xFFFFC000  }
0x75: {  	[hbm4b:s4+s2] =	stream.linear.scatter [tilespmem:s10], [sflag:$0xA], $0x4000, $0x38;
	[tilespmem:$0x1C400] =	vst v63  }
0x76: {  	_ =	swait.ge [sflag:s18], $0x4000  }
0x77: {  	[sflag:s18] =	ssyncset.done $0x0  }
0x78: {  	s4 =	sadd.s32 $0x4B0000, s0;
	[sflag:s18] =	ssyncadd.s32 $0xFFFFC000  }
0x79: {  	[hbm4b:s4+s2] =	stream.linear.scatter [tilespmem:s11], [sflag:$0xB], $0x4000, $0x38;
	[tilespmem:$0x1C400] =	vst v63  }
0x7a: {  	_ =	swait.ge [sflag:s19], $0x4000  }
0x7b: {  	[sflag:s19] =	ssyncset.done $0x0  }
0x7c: {  	s4 =	sadd.s32 $0x640000, s0;
	[sflag:s19] =	ssyncadd.s32 $0xFFFFC000  }
0x7d: {  	[hbm4b:s4+s2] =	stream.linear.scatter [tilespmem:s12], [sflag:$0xC], $0x4000, $0x38;
	[tilespmem:$0x1C400] =	vst v63  }
0x7e: {  	_ =	swait.ge [sflag:s20], $0x4000  }
0x7f: {  	[sflag:s20] =	ssyncset.done $0x0  }
0x80: {  	s4 =	sadd.s32 $0x7D0000, s0;
	[sflag:s20] =	ssyncadd.s32 $0xFFFFC000  }
0x81: {  	[hbm4b:s4+s2] =	stream.linear.scatter [tilespmem:s13], [sflag:$0xD], $0x4000, $0x38;
	[tilespmem:$0x1C400] =	vst v63  }
0x82: {  	_ =	swait.ge [sflag:s21], $0x4000  }
0x83: {  	[sflag:s21] =	ssyncset.done $0x0  }
0x84: {  	s0 =	sadd.s32 $0x960000, s0;
	[sflag:s21] =	ssyncadd.s32 $0xFFFFC000  }
0x85: {  	[hbm4b:s0+s2] =	stream.linear.scatter [tilespmem:s14], [sflag:$0xE], $0x4000, $0x38;
	[tilespmem:$0x1C400] =	vst v63  }
0x86: {  	_ =	swait.ge [sflag:s22], $0x4000  }
0x87: {  	[sflag:s22] =	ssyncset.done $0x0  }
0x88: {  	[sflag:s22] =	ssyncadd.s32 $0xFFFFC000  }
0x89: {  	_ =	swait.ge [sflag:s23], $0x4000  }
0x8a: {  	[sflag:s23] =	ssyncset.done $0x0  }
0x8b: {  	[sflag:s23] =	ssyncadd.s32 $0xFFFFC000  }
0x8c: {  	_ =	swait.ge [sflag:s24], $0x4000  }
0x8d: {  	[sflag:s24] =	ssyncset.done $0x0  }
0x8e: {  	[sflag:s24] =	ssyncadd.s32 $0xFFFFC000  }
0x8f: {  	_ =	swait.ge [sflag:s25], $0x4000  }
0x90: {  	[sflag:s25] =	ssyncset.done $0x0  }
0x91: {  	[sflag:s25] =	ssyncadd.s32 $0xFFFFC000  }
0x92: {  	_ =	swait.ge [sflag:s26], $0x4000  }
0x93: {  	[sflag:s26] =	ssyncset.done $0x0  }
0x94: {  	p0 =	sne.s32 s31, $0xC000;
	[sflag:s26] =	ssyncadd.s32 $0xFFFFC000  }
.Ltmp0:
0x95: {  	_ =	swait.ge [sflag:s28], $0x4000;
	(pc) =	sbr.rel @p0 .LBB2_2-.Ltmp0, $4  }
0x96: {  	[sflag:s28] =	ssyncset.done $0x0  }
0x97: {  	[sflag:s28] =	ssyncadd.s32 $0xFFFFC000  }
0x98: {  	_ =	swait.ge [sflag:s29], $0x4000  }
0x99: {  	s31 =	sadd.s32 $0x800, s31;
	[sflag:s29] =	ssyncset.done $0x0  }
0x9a: {  	s30 =	sadd.s32 $0x1, s30;
	s0 =	rddreg [dreg:$0x9]  }
0x9b: {  	p0 =	sne.s32 s30, s0  }
.Ltmp1:
0x9c: {  	_ = 	snop;
	(pc) =	sbr.rel @p0 .LBB2_1-.Ltmp1, $2  }
0x9d: {  	_ =	sdelay $0x2  }
0x9e: {  	[sflag:s29] =	ssyncadd.s32 $0xFFFFC000  }
0x9f: {  	_ =	sfence.sel $0x180000  }
0xa0: {  	[bflag:$0x0] =	sbarrier.arrive $0xFFFF  }
0xa1: {  	_ =	strace $0x9000005F  }
0xa2: {  	s0 =	stileid.u32;
	[bflag:$0x2] =	sbarrier.arrive $0xFFFF  }
0xa3: {  	p0 =	sne.s32 s0, $0x0;
	s0 =	rddreg [dreg:$0x2]  }
0xa4: {  	s0 =	sadd.s32 @!p0 $0x100000, s0  }
0xa5: {  	[sflag:s0] =	ssyncadd.tile.s32 @!p0 $0x1;
	_ =	shalt  }
.Lfunc_end2:
_tile_overlayer_lowered:
.L_overlay_start_2:
0xa6: {  	(tag) =	ssettag $0x2  }
0xa7: {  	s0 =	rddreg [dreg:$0x0];
	s2 =	stileid.u32  }
0xa8: {  	s1 =	rddreg [dreg:$0x1];
	p0 =	sne.s32 s2, $0x0  }
0xa9: {  	s3 =	rddreg [dreg:$0x2];
	[bflag:$0x3] =	sbarrier.arrive $0xFFFF;
	s2 =	simm.s32 @!p0 $0x1C0F  }
0xaa: {  	[timem:s3], [sflag:s2] =	dma.local @!p0 [hbm:s0], s1  }
0xab: {  	s0 =	simm.s32 @!p0 $0xF  }
0xac: {  	_ =	swait.ge @!p0 [sflag:s0], s1  }
0xad: {  	s1 =	ssub.s32 @!p0 $0x0, s1;
	[sflag:s0] =	ssyncset.done @!p0 $0x0  }
0xae: {  	[sflag:s0] =	ssyncadd.s32 @!p0 s1  }
0xaf: {  	[bflag:$0x3] =	sbarrier.arrive $0xFFFF  }
0xb0: {  	_ =	shalt  }

// kernel: scatter_offload_async_start
scs
__scs_entry_jumppad:
0x0: {  	(pc) =	sbr.rel $0x88, $3  }
0x1: {  	(tag) =	ssettag $0x0;
	lr =	simm.s32 $0x1  }
0x2: {  	[smem:$0x3F9C] =	sst lr;
	_ =	strace $0xD0000000  }
0x3: {  	_ = 	snop  }
0x4: {  	_ = 	snop  }
0x5: {  	_ = 	snop  }
0x6: {  	_ = 	snop  }
0x7: {  	_ = 	snop  }
__scs_overlays_trampoline_lowered:
0x8: {  	[smem:$0x3FAB] =	sst s0  }
0x9: {  	[smem:$0x3FAC] =	sst s1  }
0xa: {  	[smem:$0x3FAD] =	sst s2  }
0xb: {  	[smem:$0x3FAE] =	sst s3  }
0xc: {  	[smem:$0x3FAF] =	sst s4  }
0xd: {  	[smem:$0x3FB0] =	sst s5  }
0xe: {  	[smem:$0x3FB1] =	sst s6  }
0xf: {  	[smem:$0x3FB2] =	sst s7  }
0x10: {  	[smem:$0x3FB3] =	sst s8  }
0x11: {  	[smem:$0x3FB4] =	sst s9;
	s0 =	simm.s32 @!p0 $0x0  }
0x12: {  	s1 =	sld [smem:$0x3F9A];
	s0 =	simm.s32 @p0 $0x1  }
0x13: {  	[smem:$0x3FB5] =	sst s0;
	s0 =	simm.s32 @!p1 $0x0  }
0x14: {  	s2 =	sld [smem:$0x3F99];
	s0 =	simm.s32 @p1 $0x1  }
0x15: {  	[smem:$0x3FB6] =	sst s0;
	s0 =	simm.s32 @!p2 $0x0  }
0x16: {  	s3 =	sld [smem:$0x3FDB];
	s0 =	simm.s32 @p2 $0x1  }
0x17: {  	s4 =	simm.s32 $0x1BF5;
	[smem:$0x3FB8] =	sst s0  }
0x18: {  	s0 =	sld [smem:$0x3F9B];
	_ =	swait.ge [sflag:s4], $0x0  }
0x19: {  	s7 =	sld [smem:$0x3F9C]  }
0x1a: {  	s8 =	sadd.s32 $0xFFFFE003, lr  }
0x1b: {  	s9 =	sadd.s32 $0xFFFFFEF7, lr;
	s5 =	simm.s32 $0xFFFFFFFF;
	p2 =	slt.u32 s8, $0xFFFFF086  }
0x1c: {  	p1 =	slt.u32 s9, $0xF7A;
	s5 =	simm.s32 @!p2 $0x0  }
0x1d: {  	s5 =	simm.s32 @p1 $0x1;
	p0 =	seq.s32 s7, s2  }
0x1e: {  	s7 =	smul.u32 @!p0 $0xF7A, s2;
	p2 =	seq.s32 @!p0 s5, $0x0  }
0x1f: {  	s9 =	smul.u32 $0xF7A, s1;
	s8 =	simm.s32 @!p0 $0x1BF5;
	p2 =	por !p2, p0  }
0x20: {  	[sflag:s8] =	ssyncset.s32 @!p0 $0xFFFFF086;
	s6 =	sadd.s32 @!p0 s3, s7;
	s7 =	simm.s32 @!p0 $0x108  }
0x21: {  	s3 =	sadd.s32 s3, s9;
	s6 =	sadd.s32 @!p0 $0x88, s6;
	s7 =	simm.s32 @p2 $0x1082  }
0x22: {  	[simem:s7], [sflag:s8] =	dma.local @!p0 [hbm:s6], $0xF7A  }
0x23: {  	s9 =	sor.u32 $0xD0000000, s2;
	s6 =	simm.s32 $0x108;
	_ =	swait.ge @!p0 [sflag:s8], $0x0  }
0x24: {  	s3 =	sadd.s32 $0x88, s3;
	s6 =	simm.s32 @!p1 $0x1082;
	[sflag:s4] =	ssyncset.s32 $0xFFFFF086  }
0x25: {  	[simem:s6], [sflag:s4] =	dma.local [hbm:s3], $0xF7A  }
0x26: {  	[smem:$0x3F9C] =	sst s1;
	(tag) =	ssettag s2;
	_ =	strace s9  }
0x27: {  	s1 =	sld [smem:$0x3FAC]  }
0x28: {  	s2 =	sld [smem:$0x3FAD]  }
0x29: {  	s4 =	sld [smem:$0x3FAF]  }
0x2a: {  	p0 =	seq.s32 s5, $0x0;
	s5 =	sld [smem:$0x3FB0]  }
0x2b: {  	s6 =	sld [smem:$0x3FB1]  }
0x2c: {  	s7 =	sld [smem:$0x3FB2]  }
0x2d: {  	s3 =	simm.s32 $0x108;
	s8 =	sld [smem:$0x3FB3]  }
0x2e: {  	s3 =	simm.s32 @!p0 $0x1082;
	s9 =	sld [smem:$0x3FB4]  }
0x2f: {  	lr =	sadd.s32 s0, s3;
	s0 =	sld [smem:$0x3FAB]  }
0x30: {  	s3 =	sld [smem:$0x3FAE]  }
0x31: {  	[smem:$0x3FB7] =	sst s10  }
0x32: {  	s10 =	sld [smem:$0x3FB5];
	_ =	sdelay $0x3  }
0x33: {  	p0 =	seq.s32 s10, $0x1;
	s10 =	sld [smem:$0x3FB7];
	_ =	sdelay $0x3  }
0x34: {  	[smem:$0x3FB7] =	sst s10  }
0x35: {  	s10 =	sld [smem:$0x3FB6];
	_ =	sdelay $0x3  }
0x36: {  	p1 =	seq.s32 s10, $0x1;
	s10 =	sld [smem:$0x3FB7];
	_ =	sdelay $0x3  }
0x37: {  	[smem:$0x3FB7] =	sst s10  }
0x38: {  	s10 =	sld [smem:$0x3FB8]  }
0x39: {  	_ = 	snop;
	(pc) =	sbr.ind lr, $3  }
0x3a: {  	_ = 	snop  }
0x3b: {  	_ = 	snop  }
0x3c: {  	p2 =	seq.s32 s10, $0x1;
	s10 =	sld [smem:$0x3FB7]  }
0x3d: {  	_ =	shalt  }
0x3e: {  	_ =	shalt  }
0x3f: {  	_ =	shalt  }
0x40: {  	_ =	shalt  }
0x41: {  	_ =	shalt  }
0x42: {  	_ =	shalt  }
0x43: {  	_ =	shalt  }
0x44: {  	_ =	shalt  }
0x45: {  	_ =	shalt  }
0x46: {  	_ =	shalt  }
0x47: {  	_ =	shalt  }
0x48: {  	_ =	shalt  }
0x49: {  	_ =	shalt  }
0x4a: {  	_ =	shalt  }
0x4b: {  	_ =	shalt  }
0x4c: {  	_ =	shalt  }
0x4d: {  	_ =	shalt  }
0x4e: {  	_ =	shalt  }
0x4f: {  	_ =	shalt  }
0x50: {  	_ =	shalt  }
0x51: {  	_ =	shalt  }
0x52: {  	_ =	shalt  }
0x53: {  	_ =	shalt  }
0x54: {  	_ =	shalt  }
0x55: {  	_ =	shalt  }
0x56: {  	_ =	shalt  }
0x57: {  	_ =	shalt  }
0x58: {  	_ =	shalt  }
0x59: {  	_ =	shalt  }
0x5a: {  	_ =	shalt  }
0x5b: {  	_ =	shalt  }
0x5c: {  	_ =	shalt  }
0x5d: {  	_ =	shalt  }
0x5e: {  	_ =	shalt  }
0x5f: {  	_ =	shalt  }
0x60: {  	_ =	shalt  }
0x61: {  	_ =	shalt  }
0x62: {  	_ =	shalt  }
0x63: {  	_ =	shalt  }
0x64: {  	_ =	shalt  }
0x65: {  	_ =	shalt  }
0x66: {  	_ =	shalt  }
0x67: {  	_ =	shalt  }
0x68: {  	_ =	shalt  }
0x69: {  	_ =	shalt  }
0x6a: {  	_ =	shalt  }
0x6b: {  	_ =	shalt  }
0x6c: {  	_ =	shalt  }
0x6d: {  	_ =	shalt  }
0x6e: {  	_ =	shalt  }
0x6f: {  	_ =	shalt  }
0x70: {  	_ =	shalt  }
0x71: {  	_ =	shalt  }
0x72: {  	_ =	shalt  }
0x73: {  	_ =	shalt  }
0x74: {  	_ =	shalt  }
0x75: {  	_ =	shalt  }
0x76: {  	_ =	shalt  }
0x77: {  	_ =	shalt  }
0x78: {  	_ =	shalt  }
0x79: {  	_ =	shalt  }
0x7a: {  	_ =	shalt  }
0x7b: {  	_ =	shalt  }
0x7c: {  	_ =	shalt  }
0x7d: {  	_ =	shalt  }
0x7e: {  	_ =	shalt  }
0x7f: {  	_ =	shalt  }
0x80: {  	_ =	shalt  }
0x81: {  	_ =	shalt  }
0x82: {  	_ =	shalt  }
0x83: {  	_ =	shalt  }
0x84: {  	_ =	shalt  }
0x85: {  	_ =	shalt  }
0x86: {  	_ =	shalt  }
0x87: {  	_ =	shalt  }
.Lfunc_end0:
.L_simem_size_0:
called_computation_lowered:
.L_overlay_start_0:
0x88: {  	s0 =	sld [smem:$0x3FD9]  }
0x89: {  	s1 =	sld [smem:$0x3FFE];
	_ =	sdelay $0x3  }
0x8a: {  	s0 =	sadd.s32 s1, s0  }
0x8b: {  	[smem:$0x3FC3] =	sst s0  }
0x8c: {  	_ = 	snop  }
0x8d: {  	s0 =	sld [smem:$0x3FD0];
	(tm) =	ssettm $0x1  }
0x8e: {  	s16 =	sld [smem:$0x3FFB];
	_ =	sdelay $0x3  }
0x8f: {  	_ =	strace s16  }
0x90: {  	s1 =	sld [smem:$0x3FFC];
	_ =	sdelay $0x3  }
0x91: {  	_ =	strace s1  }
0x92: {  	s1 =	sld [smem:$0x3FFD];
	_ =	sdelay $0x3  }
0x93: {  	_ =	strace s1  }
0x94: {  	_ =	strace $0x8FFFFFFF  }
0x95: {  	s17 =	sld [smem:$0x3FDB];
	_ =	sdelay $0x1  }
0x96: {  	s2 =	simm.s32 $_scs_section_size  }
0x97: {  	s3 =	simm.s32 $_size__tile_overlayer_lowered;
	s4 =	simm.s32 $_tile_overlayer_lowered  }
0x98: {  	s20 =	simm.s32 $0x1BFF;
	s19 =	sshll.u32 s4, $0x1;
	s1 =	sadd.s32 s2, s17  }
0x99: {  	s5 =	simm.s32 $0x0;
	s18 =	sshll.u32 s3, $0x1;
	s3 =	sadd.s32 s19, s1  }
0x9a: {  	[timem:s5], [sflag:s20] =	dma.local [hbm:s3], s18  }
0x9b: {  	_ =	swait.ge [sflag:s20], s18  }
0x9c: {  	s2 =	ssub.s32 $0x0, s18;
	[sflag:s20] =	ssyncset.done $0x0  }
0x9d: {  	[sflag:s20] =	ssyncadd.s32 s2;
	_ =	sdelay $0x1  }
0x9e: {  	s21 =	simm.s32 $0x1B8B  }
0x9f: {  	_ =	swait.ge [sflag:s21], $0x1  }
0xa0: {  	[sflag:s21] =	ssyncset.done $0x0  }
0xa1: {  	s23 =	simm.s32 $0x1B8E;
	s22 =	sld [smem:$0x3FFE];
	[sflag:s21] =	ssyncadd.s32 $0xFFFFFFFF  }
0xa2: {  	s24 =	simm.s32 $execute0_lowered;
	[smem:$0x3FD2] =	sst s23  }
0xa3: {  	s3 =	sshll.u32 s24, $0x1;
	_ =	strace $0x80000046;
	[dreg:$0x1] =	wrdreg $0xFFFFFFFF  }
0xa4: {  	s25 =	simm.s32 $_size_execute0_lowered;
	s1 =	sadd.s32 s1, s3;
	[dreg:$0x0] =	wrdreg $0x0  }
0xa5: {  	s3 =	sshll.u32 s25, $0x1;
	[dreg:$0x2] =	wrdreg s1  }
0xa6: {  	[dreg:$0x3] =	wrdreg s3  }
0xa7: {  	[dreg:$0x4] =	wrdreg $0xC0  }
0xa8: {  	_ =	task [dreg:s5], $0x5FFFF  }
0xa9: {  	[dreg:$0x1] =	wrdreg $0xFFFFFFFF  }
0xaa: {  	[dreg:$0x0] =	wrdreg $0x60  }
0xab: {  	[dreg:$0x2] =	wrdreg s0  }
0xac: {  	[dreg:$0x3] =	wrdreg s22  }
0xad: {  	[dreg:$0x4] =	wrdreg $0x9  }
0xae: {  	_ =	task.clear_ibuf [dreg:s5], $0x5FFFF;
	_ =	strace $0x90000046  }
0xaf: {  	s26 =	simm.s32 $0x9;
	_ =	strace $0x80000048  }
0xb0: {  	_ =	swait.ge [sflag:s26], $0x1  }
0xb1: {  	[sflag:s26] =	ssyncadd.s32 $0xFFFFFFFF  }
0xb2: {  	_ =	strace $0x90000048  }
0xb3: {  	_ =	sfence  }
0xb4: {  	s28 =	sld [smem:$0x0];
	_ =	sdelay $0x1  }
0xb5: {  	s29 =	srdreg.scid  }
0xb6: {  	s30 =	sshll.u32 s29, $0xD;
	s31 =	sshrl.u32 s29, $0x2  }
0xb7: {  	s2 =	sand.u32 $0x4000, s30;
	s1 =	sand.u32 $0x1, s29;
	s0 =	sadd.s32 s31, s28  }
0xb8: {  	s1 =	sor.u32 s2, s1;
	s0 =	sshll.u32 s0, $0x11  }
0xb9: {  	s0 =	sor.u32 s0, s1  }
0xba: {  	s0 =	sadd.s32 $0x8F2B, s0  }
0xbb: {  	[sflag:s0] =	ssyncadd.remote.s32 $0x1  }
0xbc: {  	_ =	sfence.sel $0xFFFF  }
0xbd: {  	[dreg:$0x0] =	wrdreg $0xFFFFFFFF;
	(pc) =	sbr.abs _section_cstart, $3  }
0xbe: {  	[dreg:$0x1] =	wrdreg $0xFFFFFFFF  }
0xbf: {  	_ =	task.clear_ibuf [dreg:s5], $0x2FFFF;
	_ =	strace $0x9FFFFFFF  }
0xc0: {  	(tm) =	ssettm $0x7FFFFFFF  }
0xc1: {  	_ =	shalt  }
tec
execute0_lowered:
.L_overlay_start_1:
0x0: {  	(tag) =	ssettag $0x1  }
0x1: {  	s1 =	rddreg [dreg:$0x0]  }
0x2: {  	s0 =	rddreg [dreg:$0x1];
	_ =	strace $0x80000047;
	s2 =	simm.s32 $0x1  }
0x3: {  	s14 =	stileid.u32;
	v1 =	vimm.s32 $0xFFFFFFFF;
	[sflag:s2] =	ssyncpa.u1 $0x0  }
0x4: {  	s3 =	smin.u32 s14, $0x9;
	[tilespmem:$0x10] =	vst v1  }
0x5: {  	v0 =	vimm.s32 $0x80000000;
	s3 =	sadd.s32 s14, s3;
	[tilespmem:$0x20] =	vst v1  }
0x6: {  	s4 =	simm.s32 $0x1F40;
	p0 =	slt.u32 s14, $0x9;
	[tilespmem:$0x30] =	vst v0;
	s3 =	smul.u32 $0xFA0, s3  }
0x7: {  	s4 =	simm.s32 @!p0 $0xFA0;
	[tilespmem:$0x40] =	vst v0  }
0x8: {  	[tilespmem:$0x50] =	vst v0;
	s4 =	sadd.s32 s4, s3  }
0x9: {  	s7 =	simm.s32 $0x2;
	[tilespmem:$0x60] =	vst v1;
	s4 =	smin.u32 s4, $0x186A0  }
0xa: {  	s8 =	simm.s32 $0x8;
	s31 =	simm.s32 $0x9;
	[tilespmem:$0x70] =	vst v1;
	s6 =	ssub.s32 s4, s3  }
0xb: {  	s16 =	simm.s32 $0x0;
	s17 =	simm.s32 $0xF0;
	[tilespmem:$0x80] =	vst v1;
	p0 =	sgt.s32 s6, $0x0  }
0xc: {  	s18 =	simm.s32 $0xFFFFFFFF;
	s19 =	simm.s32 $0xFFFFE1C0;
	v1 =	vimm.s32 $0x0;
	[tilespmem:$0xB0] =	vst v0;
	s6 =	simm.s32 @!p0 $0x0  }
0xd: {  	s20 =	simm.s32 $0xFFFFFFFE;
	s21 =	simm.s32 $0xF;
	[tilespmem:$0x90] =	vst v1;
	s5 =	smulhi.u32 $0x10624DD3, s6  }
0xe: {  	s25 =	simm.s32 $0x0;
	[tilespmem:$0xA0] =	vst v1;
	[sflag:s7] =	ssyncpa.u1 $0x0;
	s7 =	simm.s32 $0x7  }
0xf: {  	s24 =	simm.s32 $0x0;
	[sflag:s7] =	ssyncpa.u1 $0x0;
	s9 =	sshrl.u32 s5, $0x8  }
0x10: {  	[sflag:s8] =	ssyncpa.u1 $0x0;
	s23 =	smov.u32 s3;
	s10 =	smul.u32 $0xFA0, s9  }
.Ltmp0:
0x11: {  	s5 =	sadd.s32 $0x1F200, s0;
	s0 =	sadd.s32 $0x22400, s0;
	(pc) =	sbr.rel .LBB2_1-.Ltmp0, $4  }
0x12: {  	[sflag:s31] =	ssyncpa.u1 $0x0;
	[dreg:$0x3] =	wrdreg s0;
	p0 =	sne.s32 s6, s10  }
0x13: {  	s10 =	sshll.u32 s14, $0x1;
	s14 =	sshllo.u32 s14, $0x1;
	s2 =	simm.s32 @!p0 $0x0  }
0x14: {  	vm0 =	vmmov $0xffff;
	v2 =	vlaneseq.u32;
	s13 =	sor.u32 $0x81, s10;
	s15 =	sor.u32 $0x80, s10;
	s9 =	sadd.s32 s2, s9  }
0x15: {  	vm1 =	vmxor vm1, vm1;
	vm2 =	vmmov $0x1;
	vm3 =	vcmask $0x3F3C;
	p0 =	por $0x0, $0x0;
	s11 =	sadd.s32 $0x1, s9;
	s12 =	sadd.s32 $0x2, s9  }
.LBB2_9:
0x16: {  	p1 =	slt.u32 s24, $0x3  }
0x17: {  	s0 =	simm.s32 @!p1 $0x2  }
0x18: {  	_ =	swait.ge @!p1 [sflag:s0], $0xFA0  }
0x19: {  	[sflag:s0] =	ssyncset.done @!p1 $0x0  }
0x1a: {  	[sflag:s0] =	ssyncadd.s32 @!p1 $0xFFFFF060;
	s0 =	simm.s32 @!p1 $0x9  }
0x1b: {  	_ =	swait.ge @!p1 [sflag:s0], $0x10  }
0x1c: {  	[sflag:s0] =	ssyncset.done @!p1 $0x0  }
0x1d: {  	[sflag:s0] =	ssyncadd.s32 @!p1 $0xFFFFFFF0;
	p1 =	sne.s32 s24, s12  }
.Ltmp1:
0x1e: {  	s2 =	sadd.s32 $0xFA0, s23;
	(pc) =	sbr.rel @!p1 .LBB2_10-.Ltmp1, $4  }
0x1f: {  	s6 =	smov.u32 s3;
	s31 =	sadd.s32 $0x1, s24;
	s17 =	sadd.s32 $0xFA0, s17  }
0x20: {  	s18 =	sadd.s32 $0x1, s18;
	s25 =	smov.u32 s23;
	p2 =	slt.s32 s2, s4  }
0x21: {  	p0 =	por !p0, !p0;
	s19 =	sadd.s32 $0xFA0, s19;
	s6 =	smov.u32 @p2 s2  }
0x22: {  	s20 =	sadd.s32 $0x1, s20;
	s23 =	smov.u32 s6;
	s24 =	smov.u32 s31  }
.LBB2_1:
0x23: {  	p1 =	sge.u32 s24, s9  }
0x24: {  	s0 =	smulhi.u32 @!p1 $0xAAAAAAAB, s24;
	_ =	sdelay $0x1  }
0x25: {  	s0 =	sshrl.u32 @!p1 s0, $0x1  }
0x26: {  	s0 =	smul.u32 @!p1 $0x3, s0;
	_ =	sdelay $0x1  }
0x27: {  	s0 =	ssub.s32 @!p1 s24, s0  }
0x28: {  	s0 =	smul.u32 @!p1 $0x3E80, s0;
	_ =	sdelay $0x1  }
0x29: {  	s2 =	sshrl.u32 @!p1 s23, $0x3;
	s0 =	sshrl.u32 @!p1 s0, $0x2  }
0x2a: {  	s6 =	sand.u32 @!p1 $0x7, s23;
	s2 =	sadd.s32 @!p1 s5, s2;
	s0 =	sadd.s32 @!p1 $0x100, s0  }
0x2b: {  	[tilespmem:s0], [sflag:$0x7] =	stream.linear.gather @!p1 [hbm4b:s2+s6], $0xFA0, $0x38;
	[tilespmem:$0x8DC0] =	vst v63  }
0x2c: {  	s0 =	sadd.s32 $0xFFFFFFFF, s24  }
0x2d: {  	p1 =	sge.u32 s0, s9  }
.Ltmp2:
0x2e: {  	_ = 	snop;
	(pc) =	sbr.rel @p1 .LBB2_5-.Ltmp2, $1  }
0x2f: {  	_ =	sdelay $0x3  }
0x30: {  	s2 =	smulhi.u32 $0xAAAAAAAB, s0;
	_ =	sdelay $0x1  }
0x31: {  	s2 =	sshrl.u32 s2, $0x1  }
0x32: {  	s2 =	smul.u32 $0x3, s2;
	_ =	sdelay $0x1  }
0x33: {  	s2 =	ssub.s32 s0, s2  }
0x34: {  	s2 =	smul.u32 $0x3E80, s2  }
0x35: {  	_ =	swait.ge [sflag:s7], $0xFA0  }
0x36: {  	[sflag:s7] =	ssyncset.done $0x0;
	s2 =	sshrl.u32 s2, $0x2  }
0x37: {  	[sflag:s7] =	ssyncadd.s32 $0xFFFFF060;
	(ifvalue) =	ssetifvalue $0xFFFFFFFF;
	v3 =	vld.msk [tilespmem:s2+$0x100 ss:$0x1], $0xffff;
	_ =	sdelay $0x2  }
0x38: {  	s30 =	smulhi.u32 $0xAAAAAAAB, s18;
	p1 =	sne.s32 s24, $0x1  }
0x39: {  	v4 =	vimm.s32 @!p1 $0x0  }
0x3a: {  	s2 =	sshrl.u32 s30, $0x1;
	v4 =	vperm.xlane @!p1 v3, v4  }
0x3b: {  	s6 =	sshll.u32 s24, $0x4;
	s2 =	smul.u32 $0xFFFF4480, s2;
	vm4 =	vlt.u32 v3, $0x40000  }
0x3c: {  	s6 =	sand.u32 $0x10, s6;
	v3 =	vnsel vm4, $0xFFFFFFFE, v3;
	vm4 =	vlt.u32 @!p1 v4, $0x40000  }
0x3d: {  	s2 =	sshra.s32 s2, $0x2;
	[tilespmem:s6+$0x60] =	vst v3;
	v3 =	vnsel @!p1 vm4, $0xFFFFFFFE, v4  }
0x3e: {  	s26 =	sadd.s32 s2, s17;
	[tilespmem:$0x80] =	vst @!p1 v3  }
0x3f: {  	v3 =	vld.msk [tilespmem:s26+$0x0 ss:$0x1], $0xffff;
	_ =	sdelay $0x4  }
0x40: {  	(xrf1) =	vunique.msk.u32 $0xffff, v3;
	_ =	sdelay $0xd  }
0x41: {  	v4 =	vimm.s32 $0xFFFFFFFF;
	v5, _, _ =	vpop (xrf1)  }
0x42: {  	vm5 =	vne.s32 v3, v4;
	vm4 =	veq.s32 v5, v2  }
0x43: {  	vm6 =	vlt.u32 v3, $0x40000;
	vm4 =	vmand vm5, vm4  }
0x44: {  	vm4 =	vmand vm6, vm4  }
0x45: {  	v4 =	vnsel vm4, $0xFFFFFFFF, v3  }
0x46: {  	s31 =	sand.u32 $0x1, s0  }
0x47: {  	s0 =	simm.s32 $0xFA0;
	p1 =	seq.s32 s31, $0x1  }
0x48: {  	s0 =	simm.s32 @!p1 $0x0  }
0x49: {  	s2 =	sadd.s32 $0x3F70, s0;
	(ifvalue) =	ssetifvalue $0xFFFFFFFF  }
0x4a: {  	v3 =	vperm.xlane v3, v1;
	[tilespmem:s2], [sflag:$0x8] =	stream.indirect_vreg.gather [hbm4b:s1+s16], $0x1, v4, vm0, $0x4038;
	v4 =	vnsel vm6, $0xFFFFFFFE, v4;
	[tilespmem:$0x8DC0] =	vst v63  }
0x4b: {  	s22 =	sadd.s32 $0xFFFFFFF0, s26;
	s6 =	simm.s32 $0x0;
	[tilespmem:s26+$0x0] =	vst v4  }
.LBB2_3:
0x4c: {  	v4 =	vld.msk [tilespmem:s22+$0x0 ss:$0x1], $0xffff;
	s6 =	sadd.s32 $0x10, s6;
	v5 =	vmov v3;
	s26 =	smov.u32 s22  }
0x4d: {  	p1 =	slt.u32 s6, $0xF90;
	_ =	sdelay $0x4  }
0x4e: {  	v3 =	vperm.xlane v4, v1;
	(xrf1) =	vunique.msk.u32 $0xffff, v4;
	_ =	sdelay $0xd  }
0x4f: {  	v6, _, _ =	vpop (xrf1)  }
0x50: {  	vm5 =	vne.s32 v4, v5;
	vm4 =	veq.s32 v6, v2  }
0x51: {  	vm6 =	vlt.u32 v4, $0x40000;
	vm4 =	vmand vm5, vm4  }
0x52: {  	vm4 =	vmand vm6, vm4  }
0x53: {  	v4 =	vnsel vm4, $0xFFFFFFFF, v4  }
.Ltmp3:
0x54: {  	v5 =	vnsel vm6, $0xFFFFFFFE, v4;
	(pc) =	sbr.rel @p1 .LBB2_3-.Ltmp3, $3  }
0x55: {  	_ =	sdelay $0x1  }
0x56: {  	s22 =	sadd.s32 $0xFFFFFFF0, s22;
	s2 =	sadd.s32 $0xFFFFFFF0, s2;
	(ifvalue) =	ssetifvalue $0xFFFFFFFF  }
0x57: {  	[tilespmem:s2], [sflag:$0x8] =	stream.indirect_vreg.gather [hbm4b:s1+s16], $0x1, v4, vm0, $0x4038;
	[tilespmem:s26+$0x0] =	vst v5  }
0x58: {  	s2 =	sshrl.u32 s25, $0x3;
	s6 =	rddreg [dreg:$0x3]  }
0x59: {  	s0 =	sadd.s32 $0x4F20, s0;
	s2 =	sadd.s32 s6, s2  }
0x5a: {  	[tilespmem:s0], [sflag:$0x8] =	stream.linear.gather [hbm:s2], $0xFA0, $0x38;
	[tilespmem:$0x8DC0] =	vst v63  }
.LBB2_5:
0x5b: {  	p1 =	slt.u32 s24, $0x2  }
0x5c: {  	p2 =	sge.u32 @!p1 s24, s12  }
0x5d: {  	p1 =	por p1, p2  }
.Ltmp4:
0x5e: {  	_ = 	snop;
	(pc) =	sbr.rel @p1 .LBB2_9-.Ltmp4, $1  }
0x5f: {  	_ =	sdelay $0x3  }
0x60: {  	s0 =	sadd.s32 $0xFFFFFFFE, s24  }
0x61: {  	s2 =	smulhi.u32 $0xAAAAAAAB, s0;
	_ =	sdelay $0x1  }
0x62: {  	s2 =	sshrl.u32 s2, $0x1  }
0x63: {  	s2 =	smul.u32 $0x3, s2;
	_ =	sdelay $0x1  }
0x64: {  	s0 =	ssub.s32 s0, s2  }
0x65: {  	_ =	swait.ge [sflag:s8], $0x1F40;
	s0 =	smul.u32 $0xFA0, s0  }
0x66: {  	p1 =	sne.s32 s24, s11;
	[sflag:s8] =	ssyncset.done $0x0  }
0x67: {  	[sflag:s8] =	ssyncadd.s32 $0xFFFFE0C0;
	s2 =	sadd.s32 @!p1 $0x109F, s0  }
0x68: {  	[spmem:s13] =	stream.linear.scatter @!p1 [tilespmem:s2], [sflag:$0x1], $0x1, $0x38;
	[tilespmem:$0x8DC0] =	vst v63  }
0x69: {  	s2 =	simm.s32 @!p1 $0x1  }
0x6a: {  	_ =	swait.ge @!p1 [sflag:s2], $0x1  }
0x6b: {  	s6 =	sshll.u32 s24, $0x4;
	[sflag:s2] =	ssyncset.done @!p1 $0x0  }
0x6c: {  	s25 =	sand.u32 $0x10, s6;
	[sflag:s2] =	ssyncadd.s32 @!p1 $0xFFFFFFFF  }
0x6d: {  	s2 =	sxor.u32 $0x10, s25;
	v4 =	vld [tilespmem:s25+$0x10]  }
0x6e: {  	v5 =	vld [tilespmem:s2+$0x60]  }
0x6f: {  	v3 =	vld [tilespmem:$0x80];
	_ =	sdelay $0x2  }
0x70: {  	(v2sf) =	vpush v4, $0x0  }
0x71: {  	(v2sf) =	vpush v5, $0x0  }
0x72: {  	(v2sf) =	vpush v3, $0x0;
	_ =	sdelay $0xc  }
0x73: {  	s26 =	spop (v2sf)  }
0x74: {  	s22 =	spop (v2sf)  }
0x75: {  	s28 =	spop (v2sf)  }
0x76: {  	p3 =	seq.s32 s26, s22;
	p2 =	seq.s32 s28, s26  }
0x77: {  	p2 =	por p3, p2  }
0x78: {  	s26 =	sand.u32 $0x1, s24;
	v4 =	vpsel p2, $0xFFFFFFFF, v4  }
0x79: {  	s29 =	smul.u32 $0xFA0, s26;
	[tilespmem:s25+$0x10] =	vst.msk $0x1, v4  }
0x7a: {  	v4 =	vld [tilespmem:$0x30]  }
0x7b: {  	v5 =	vld [tilespmem:s29+$0x4F20]  }
0x7c: {  	v6 =	vld [tilespmem:s25+$0x40];
	_ =	sdelay $0x3  }
0x7d: {  	vm4 =	vmmov vm1;
	vm6 =	vmmov vm2;
	vm5 =	vgt.s32 v4, v5  }
0x7e: {  	vm4 =	vmmov @p3 vm2;
	s6 =	sshll.u32 s26, $0x4;
	v5 =	vsel vm5, v4, v5;
	vm5 =	vgt.s32 v4, v6  }
0x7f: {  	vm6 =	vmmov @p2 vm1;
	s26 =	sor.u32 $0x8DA0, s6;
	v4 =	vsel vm5, v4, v6;
	[tilespmem:s29+$0x4F20] =	vst.msk vm4, v5  }
0x80: {  	[tilespmem:s26+$0x0] =	vst.msk vm6, v4  }
0x81: {  	v4 =	vld [tilespmem:s29+$0x3F70];
	_ =	sdelay $0x4  }
0x82: {  	v4 =	vshift.insert v4, v1, s21  }
0x83: {  	s22 =	sor.u32 $0x40, s2  }
0x84: {  	v5 =	vimm.s32 $0x80000000;
	[tilespmem:s22+$0x0] =	vst.msk $0x1, v4  }
0x85: {  	[tilespmem:s29+$0x3F7F] =	vst.msk $0x1, v5  }
0x86: {  	v4 =	vld [tilespmem:s0+$0x1090];
	_ =	sdelay $0x1  }
0x87: {  	s0 =	simm.s32 $0x1  }
0x88: {  	s22 =	smulhi.u32 $0xAAAAAAAB, s20;
	s0 =	simm.s32 @!p0 $0x0  }
0x89: {  	s0 =	smul.u32 $0x3E80, s0  }
0x8a: {  	s6 =	sshrl.u32 s22, $0x1;
	v4 =	vshift.insert v4, v1, s21  }
0x8b: {  	s6 =	smul.u32 $0xFFFF4480, s6;
	s0 =	sshrl.u32 s0, $0x2  }
0x8c: {  	s22 =	sadd.s32 $0x4F20, s0;
	[tilespmem:s2+$0x10] =	vst.msk $0x1, v4  }
0x8d: {  	s6 =	sshra.s32 s6, $0x2;
	v6 =	vld [tilespmem:s22+$0x0]  }
0x8e: {  	s2 =	sadd.s32 s6, s19  }
0x8f: {  	v7 =	vld [tilespmem:s2+$0x0];
	_ =	sdelay $0x2  }
0x90: {  	vm4 =	vgt.s32 v6, v5  }
0x91: {  	v5 =	vsel vm4, v6, v5  }
0x92: {  	vm4 =	vne.s32 v7, $0xFFFFFFFF;
	v5 =	vxor.u32 $0x80000000, v5  }
0x93: {  	(xrf0) =	vmax.seg.scan.u32 vm4, v5  }
0x94: {  	s6 =	sadd.s32 $0x2FE0, s0  }
0x95: {  	v8 =	vld [tilespmem:s6+$0x0]  }
0x96: {  	v6 =	vld [tilespmem:$0xA0];
	_ =	sdelay $0x2  }
0x97: {  	v5 =	vperm.xlane v4, v1;
	v9, _, _ =	vpop (xrf0)  }
0x98: {  	vm6 =	veq.s32 v7, v3;
	v9 =	vxor.u32 $0x80000000, v9  }
0x99: {  	vm8 =	veq.s32 v7, v5;
	vm5 =	veq.s32 v6, $0x1;
	vm7 =	vgt.s32 v9, v8  }
0x9a: {  	vm8 =	vmor vm8, vm6;
	v6 =	vsel vm7, v9, v8;
	vm7 =	vgt.u32 v7, $0xFFFFFFFD  }
0x9b: {  	v10 =	vld [tilespmem:$0x90];
	vm9 =	vmand vm4, vm3;
	vm4 =	vmor vm5, vm6;
	vm5 =	vmor vm8, vm7  }
0x9c: {  	v8 =	vsel vm5, $0xFFFFFFFF, v7;
	_ =	sdelay $0x1  }
0x9d: {  	s31 =	simm.s32 $0x0  }
0x9e: {  	s30 =	sadd.s32 $0x6E60, s0;
	s0 =	sadd.s32 $0x10, s22;
	s2 =	sadd.s32 $0x10, s2;
	v11 =	vsel vm9, $0x80000000, v9;
	v6 =	vsel vm6, v9, v6  }
0x9f: {  	s22 =	sadd.s32 $0x10, s30;
	s6 =	sadd.s32 $0x10, s6;
	[tilespmem:s30+$0x0] =	vst v6;
	v6 =	vsel vm6, v9, v10;
	v7 =	vshift.insert v11, v0, s21;
	(ifvalue) =	ssetifvalue $0xFFFFFFFF  }
.LBB2_7:
0xa0: {  	[hbm4b:s1+s16] =	stream.indirect_vreg.scatter [tilespmem:s30], [sflag:$0x2], $0x1, v8, vm0, $0x4038;
	[tilespmem:$0x8DC0] =	vst v63  }
0xa1: {  	s31 =	sadd.s32 $0x10, s31;
	s30 =	smov.u32 s22;
	v8 =	vld [tilespmem:s0+$0x0]  }
0xa2: {  	p2 =	slt.u32 s31, $0xF90  }
0xa3: {  	v9 =	vld [tilespmem:s2+$0x0];
	_ =	sdelay $0x2  }
0xa4: {  	vm5 =	vgt.s32 v8, v7  }
0xa5: {  	v7 =	vsel vm5, v8, v7  }
0xa6: {  	vm5 =	vne.s32 v9, $0xFFFFFFFF;
	v7 =	vxor.u32 $0x80000000, v7  }
0xa7: {  	(xrf0) =	vmax.seg.scan.u32 vm5, v7;
	_ =	sdelay $0x2  }
0xa8: {  	v7 =	vld [tilespmem:s6+$0x0];
	_ =	sdelay $0x1  }
0xa9: {  	vm6 =	veq.s32 v9, v3;
	vm7 =	veq.s32 v9, v5  }
0xaa: {  	vm8 =	vgt.u32 v9, $0xFFFFFFFD;
	vm4 =	vmor vm4, vm6;
	vm7 =	vmor vm7, vm6;
	v8, _, _ =	vpop (xrf0)  }
0xab: {  	vm5 =	vmand vm5, vm3;
	vm7 =	vmor vm7, vm8;
	v10 =	vxor.u32 $0x80000000, v8  }
.Ltmp5:
0xac: {  	v8 =	vsel vm7, $0xFFFFFFFF, v9;
	vm7 =	vgt.s32 v10, v7;
	v9 =	vsel vm5, $0x80000000, v10;
	(pc) =	sbr.rel @p2 .LBB2_7-.Ltmp5, $4  }
0xad: {  	v6 =	vsel vm6, v10, v6;
	v11 =	vsel vm7, v10, v7;
	v7 =	vshift.insert v9, v0, s21  }
0xae: {  	v9 =	vsel vm6, v10, v11  }
0xaf: {  	s0 =	sadd.s32 $0x10, s0;
	s2 =	sadd.s32 $0x10, s2;
	[tilespmem:s22+$0x0] =	vst v9  }
0xb0: {  	s6 =	sadd.s32 $0x10, s6;
	s22 =	sadd.s32 $0x10, s22;
	(ifvalue) =	ssetifvalue $0xFFFFFFFF  }
0xb1: {  	_ =	sdelay $0x3  }
0xb2: {  	[hbm4b:s1+s16] =	stream.indirect_vreg.scatter [tilespmem:s30], [sflag:$0x2], $0x1, v8, vm0, $0x4038;
	[tilespmem:$0x8DC0] =	vst v63  }
0xb3: {  	v3 =	vld [tilespmem:s29+$0x7DF0];
	_ =	sdelay $0x4  }
0xb4: {  	v3 =	vshift.insert v3, v1, s21  }
0xb5: {  	s0 =	simm.s32 $0x30  }
0xb6: {  	[tilespmem:s0+$0x0] =	vst.msk $0x1, v3  }
0xb7: {  	v3 =	vsel vm4, $0x1, v1;
	[tilespmem:$0x90] =	vst v6  }
0xb8: {  	s0 =	sadd.s32 @!p1 $0x7DFF, s29;
	[tilespmem:$0xA0] =	vst v3  }
0xb9: {  	[spmem:s14] =	stream.linear.scatter @!p1 [tilespmem:s0], [sflag:$0x1], $0x1, $0x38;
	[tilespmem:$0x8DC0] =	vst v63  }
0xba: {  	s0 =	simm.s32 @!p1 $0x1  }
0xbb: {  	v3 =	vmctz.xlane @!p1 vm4;
	_ =	swait.ge @!p1 [sflag:s0], $0x1  }
0xbc: {  	(v2sf) =	vpush @!p1 v4, $0x0  }
0xbd: {  	(v2sf) =	vpush @!p1 v3, $0x0;
	_ =	sdelay $0xd  }
0xbe: {  	s2 =	spop @!p1 (v2sf)  }
0xbf: {  	s6 =	spop @!p1 (v2sf)  }
0xc0: {  	p2 =	sne.s32 @!p1 s28, s2;
	p3 =	slt.s32 @!p1 s6, $0xF  }
0xc1: {  	[sflag:s0] =	ssyncset.done @!p1 $0x0;
	p2 =	por p2, p1;
	p3 =	por !p3, p1  }
0xc2: {  	[sflag:s0] =	ssyncadd.s32 @!p1 $0xFFFFFFFF;
	v3 =	vimm.s32 @!p2 $0xFFFFFFFF;
	s6 =	simm.s32 @p3 $0xF  }
0xc3: {  	[tilespmem:$0x80] =	vst @!p2 v3;
	s2 =	sadd.s32 @!p1 $0x90, s6  }
0xc4: {  	[spmem:s10] =	stream.linear.scatter @!p1 [tilespmem:s2], [sflag:$0x1], $0x1, $0x38;
	[tilespmem:$0x8DC0] =	vst v63  }
0xc5: {  	_ =	swait.ge @!p1 [sflag:s0], $0x1  }
0xc6: {  	[sflag:s0] =	ssyncset.done @!p1 $0x0  }
0xc7: {  	s2 =	simm.s32 @!p1 $0x80;
	[sflag:s0] =	ssyncadd.s32 @!p1 $0xFFFFFFFF  }
0xc8: {  	[spmem:s15] =	stream.linear.scatter @!p1 [tilespmem:s2], [sflag:$0x1], $0x1, $0x38;
	[tilespmem:$0x8DC0] =	vst v63  }
0xc9: {  	_ =	swait.ge @!p1 [sflag:s0], $0x1  }
0xca: {  	[sflag:s0] =	ssyncset.done @!p1 $0x0  }
0xcb: {  	[sflag:s0] =	ssyncadd.s32 @!p1 $0xFFFFFFFF;
	(ifvalue) =	ssetifvalue $0xFFFFFFFF;
	v3 =	vld [tilespmem:s25+$0x10];
	_ =	sdelay $0x3  }
.Ltmp6:
0xcc: {  	_ = 	snop;
	(pc) =	sbr.rel .LBB2_9-.Ltmp6, $3  }
0xcd: {  	_ =	sdelay $0x1  }
0xce: {  	(ifvalue) =	ssetifvalue $0xFFFFFFFF  }
0xcf: {  	[hbm4b:s1+s16] =	stream.indirect_vreg.scatter [tilespmem:s26], [sflag:$0x9], $0x1, v3, vm0, $0x4038;
	[tilespmem:$0x8DC0] =	vst v63  }
.LBB2_10:
0xd0: {  	_ =	sfence.sel $0x180000  }
0xd1: {  	s0 =	simm.s32 $0x7;
	[bflag:$0x0] =	sbarrier.arrive $0xFFFF  }
0xd2: {  	s26 =	simm.s32 $0x8;
	[sflag:s0] =	ssyncpa.u1 $0x1  }
0xd3: {  	s28 =	simm.s32 $0x9;
	[sflag:s26] =	ssyncpa.u1 $0x1  }
0xd4: {  	[sflag:s28] =	ssyncpa.u1 $0x1  }
0xd5: {  	_ =	sfence.stream.spmem  }
0xd6: {  	s29 =	simm.s32 $0x3;
	[bflag:$0x0] =	sbarrier.arrive $0xFFFF  }
0xd7: {  	s30 =	simm.s32 $0x4;
	[sflag:s29] =	ssyncpa.u1 $0x1  }
0xd8: {  	s31 =	simm.s32 $0x3C;
	s2 =	stileid.u32;
	[sflag:s30] =	ssyncpa.u1 $0x1  }
0xd9: {  	p0 =	sne.s32 s2, $0x0;
	[sflag:s31] =	ssyncpa.u1 $0x1  }
0xda: {  	s0 =	simm.s32 @p0 $0x1;
	_ =	sfence @p0  }
0xdb: {  	[sflag:s0] =	ssyncpa.u1 @p0 $0x1;
	s0 =	simm.s32 @p0 $0x2  }
0xdc: {  	[sflag:s0] =	ssyncpa.u1 @p0 $0x1  }
0xdd: {  	_ =	strace @p0 $0x90000047  }
0xde: {  	[bflag:$0x2] =	sbarrier.arrive @p0 $0xFFFF  }
0xdf: {  	_ =	shalt @p0  }
.LBB2_11:
0xe0: {  	_ =	sfence.stream.spmem;
	s0 =	simm.s32 $0x5  }
0xe1: {  	s2 =	simm.s32 $0x80;
	s3 =	simm.s32 $0xC0;
	[sflag:s0] =	ssyncpa.u1 $0x0  }
0xe2: {  	[tilespmem:s3], [sflag:$0x5] =	stream.linear.gather [spmem:s2], $0x20, $0x38;
	[tilespmem:$0x8DC0] =	vst v63  }
0xe3: {  	s30 =	simm.s32 $0xE0;
	s2 =	simm.s32 $0x0  }
0xe4: {  	[tilespmem:s30], [sflag:$0x5] =	stream.linear.gather [spmem:s2], $0x20, $0x38;
	[tilespmem:$0x8DC0] =	vst v63  }
.Ltmp7:
0xe5: {  	_ = 	snop;
	(pc) =	sbr.rel .LBB2_12-.Ltmp7, $4  }
0xe6: {  	_ =	swait.ge [sflag:s0], $0x40  }
0xe7: {  	[sflag:s0] =	ssyncset.done $0x0  }
0xe8: {  	s31 =	simm.s32 $0x6;
	[sflag:s0] =	ssyncadd.s32 $0xFFFFFFC0  }
0xe9: {  	s3 =	simm.s32 $0x0;
	[sflag:s31] =	ssyncpa.u1 $0x0  }
.LBB2_17:
0xea: {  	p0 =	sgt.u32 s4, $0x3FFFF  }
0xeb: {  	s0 =	sshrl.u32 @!p0 s4, $0x3  }
0xec: {  	s4 =	sand.u32 @!p0 $0x7, s4;
	s5 =	simm.s32 @!p0 $0xB0;
	s0 =	sadd.s32 @!p0 s1, s0  }
0xed: {  	[tilespmem:s5], [sflag:$0x6] =	stream.linear.gather @!p0 [hbm4b:s0+s4], $0x1, $0x38;
	[tilespmem:$0x8DC0] =	vst v63  }
0xee: {  	s0 =	simm.s32 @!p0 $0x6  }
0xef: {  	_ =	swait.ge @!p0 [sflag:s0], $0x1  }
0xf0: {  	[sflag:s0] =	ssyncset.done @!p0 $0x0  }
0xf1: {  	[sflag:s0] =	ssyncadd.s32 @!p0 $0xFFFFFFFF  }
0xf2: {  	v1 =	vld.msk @!p0 [tilespmem:$0xB0], $0x1  }
0xf3: {  	v2 =	vld.msk @!p0 [tilespmem:s3+$0xE0], $0x1;
	_ =	sdelay $0x4  }
0xf4: {  	vm0 =	vgt.s32 @!p0 v2, v1  }
0xf5: {  	v1 =	vsel @!p0 vm0, v2, v1  }
0xf6: {  	[tilespmem:s3+$0xE0] =	vst.msk @!p0 $0x1, v1  }
0xf7: {  	[tilespmem:s2+$0xC0] =	vst.msk $0x1, v0  }
0xf8: {  	v0 =	vld.msk [tilespmem:s3+$0xE0], $0x1;
	_ =	sdelay $0x4  }
0xf9: {  	[tilespmem:s2+$0xE0] =	vst.msk $0x1, v0;
	s2 =	sadd.s32 $0x1, s2  }
.LBB2_19:
0xfa: {  	s3 =	sadd.s32 $0x1, s3  }
0xfb: {  	p0 =	sne.s32 s3, $0x20  }
.Ltmp8:
0xfc: {  	_ = 	snop;
	(pc) =	sbr.rel @!p0 .LBB2_20-.Ltmp8, $1  }
0xfd: {  	_ =	sdelay $0x3  }
.LBB2_12:
0xfe: {  	v0 =	vld.msk [tilespmem:s3+$0xC0], $0x1;
	_ =	sdelay $0x4  }
0xff: {  	(v2sf) =	vpush v0, $0x0;
	_ =	sdelay $0xe  }
0x100: {  	s4 =	spop (v2sf)  }
0x101: {  	p0 =	seq.s32 s4, $0xFFFFFFFF  }
.Ltmp9:
0x102: {  	_ = 	snop;
	(pc) =	sbr.rel @p0 .LBB2_19-.Ltmp9, $1  }
0x103: {  	_ =	sdelay $0x3  }
0x104: {  	p0 =	slt.s32 s2, $0x1  }
.Ltmp10:
0x105: {  	_ = 	snop;
	(pc) =	sbr.rel @p0 .LBB2_17-.Ltmp10, $1  }
0x106: {  	_ =	sdelay $0x3  }
0x107: {  	s0 =	simm.s32 $0xC0;
	p0 =	por $0x0, $0x0  }
0x108: {  	v1 =	vld.msk @!p0 [tilespmem:s0+$0x0], $0x1;
	_ =	sdelay $0x4  }
0x109: {  	(v2sf) =	vpush @!p0 v1, $0x0;
	_ =	sdelay $0xd  }
0x10a: {  	p2 =	sne.s32 s2, $0x1  }
.Ltmp11:
0x10b: {  	s5 =	spop @!p0 (v2sf);
	(pc) =	sbr.rel @!p2 .LBB2_16-.Ltmp11, $4  }
0x10c: {  	p1 =	seq.s32 @!p0 s4, s5  }
0x10d: {  	s5 =	simm.s32 $0x0;
	p1 =	por !p1, p0  }
0x10e: {  	s7 =	simm.s32 $0xFFFFFFFF;
	s5 =	simm.s32 @p1 $0xFFFFFFFF  }
0x10f: {  	s6 =	simm.s32 $0x1;
	s5 =	smov.u32 @p0 s7  }
.LBB2_15:
0x110: {  	s7 =	smov.u32 s5;
	p0 =	sne.s32 s5, $0xFFFFFFFF  }
0x111: {  	s0 =	sadd.s32 $0x1, s0;
	s5 =	smov.u32 s6;
	s6 =	sadd.s32 $0x1, s6  }
0x112: {  	p1 =	sne.s32 s2, s6;
	v1 =	vld.msk @!p0 [tilespmem:s0+$0x0], $0x1;
	_ =	sdelay $0x4  }
0x113: {  	(v2sf) =	vpush @!p0 v1, $0x0;
	_ =	sdelay $0xe  }
.Ltmp12:
0x114: {  	s8 =	spop @!p0 (v2sf);
	(pc) =	sbr.rel @p1 .LBB2_15-.Ltmp12, $4  }
0x115: {  	p2 =	seq.s32 @!p0 s4, s8  }
0x116: {  	p2 =	por !p2, p0  }
0x117: {  	s5 =	simm.s32 @p2 $0xFFFFFFFF  }
0x118: {  	s5 =	smov.u32 @p0 s7  }
.LBB2_16:
0x119: {  	p0 =	sne.s32 s5, $0xFFFFFFFF  }
.Ltmp13:
0x11a: {  	_ = 	snop;
	(pc) =	sbr.rel @!p0 .LBB2_17-.Ltmp13, $1  }
0x11b: {  	_ =	sdelay $0x3  }
0x11c: {  	v0 =	vld.msk [tilespmem:s3+$0xE0], $0x1  }
0x11d: {  	v1 =	vld.msk [tilespmem:s5+$0xE0], $0x1;
	_ =	sdelay $0x2  }
.Ltmp14:
0x11e: {  	_ = 	snop;
	(pc) =	sbr.rel .LBB2_19-.Ltmp14, $4  }
0x11f: {  	_ = 	snop  }
0x120: {  	vm0 =	vgt.s32 v1, v0  }
0x121: {  	v0 =	vsel vm0, v1, v0  }
0x122: {  	[tilespmem:s5+$0xE0] =	vst.msk $0x1, v0  }
.LBB2_20:
0x123: {  	p0 =	slt.s32 s2, $0x1  }
.Ltmp15:
0x124: {  	_ = 	snop;
	(pc) =	sbr.rel @p0 .LBB2_24-.Ltmp15, $3  }
0x125: {  	_ =	sdelay $0x1  }
0x126: {  	s0 =	simm.s32 $0x6  }
0x127: {  	s3 =	simm.s32 $0x0;
	[sflag:s0] =	ssyncpa.u1 $0x1  }
0x128: {  	s0 =	simm.s32 $0xC0  }
0x129: {  	v0 =	vld.msk [tilespmem:s0+$0x0], $0x1;
	_ =	sdelay $0x4  }
0x12a: {  	(v2sf) =	vpush v0, $0x0;
	_ =	sdelay $0xe  }
0x12b: {  	s2 =	sadd.s32 $0xFFFFFFFF, s2;
	s4 =	spop (v2sf)  }
0x12c: {  	p1 =	sne.s32 s2, $0x0;
	p0 =	sgt.u32 s4, $0x3FFFF  }
.Ltmp16:
0x12d: {  	s5 =	sshrl.u32 @!p0 s4, $0x3;
	(pc) =	sbr.rel @!p1 .LBB2_23-.Ltmp16, $4  }
0x12e: {  	s0 =	simm.s32 $0xE0;
	s4 =	sand.u32 @!p0 $0x7, s4;
	s5 =	sadd.s32 @!p0 s1, s5  }
0x12f: {  	[hbm4b:s5+s4] =	stream.linear.scatter @!p0 [tilespmem:s0], [sflag:$0x5], $0x1, $0x38;
	[tilespmem:$0x8DC0] =	vst v63  }
0x130: {  	s5 =	simm.s32 $0x0  }
0x131: {  	s4 =	simm.s32 $0xC1;
	s5 =	simm.s32 @!p0 $0x4  }
.LBB2_22:
0x132: {  	v0 =	vld.msk [tilespmem:s4+$0x0], $0x1;
	s2 =	sadd.s32 $0xFFFFFFFF, s2;
	s3 =	sadd.s32 s3, s5  }
0x133: {  	p0 =	sne.s32 s2, $0x0;
	_ =	sdelay $0x3  }
0x134: {  	(v2sf) =	vpush v0, $0x0;
	_ =	sdelay $0xe  }
.Ltmp17:
0x135: {  	s6 =	spop (v2sf);
	(pc) =	sbr.rel @p0 .LBB2_22-.Ltmp17, $4  }
0x136: {  	s5 =	simm.s32 $0x0;
	p1 =	sgt.u32 s6, $0x3FFFF  }
0x137: {  	s0 =	sadd.s32 $0x1, s0;
	s5 =	simm.s32 @!p1 $0x4;
	s7 =	sshrl.u32 @!p1 s6, $0x3  }
0x138: {  	s4 =	sadd.s32 $0x1, s4;
	s6 =	sand.u32 @!p1 $0x7, s6;
	s7 =	sadd.s32 @!p1 s1, s7  }
0x139: {  	[hbm4b:s7+s6] =	stream.linear.scatter @!p1 [tilespmem:s0], [sflag:$0x5], $0x1, $0x38;
	[tilespmem:$0x8DC0] =	vst v63  }
.LBB2_23:
0x13a: {  	s0 =	sadd.s32 s3, s5  }
0x13b: {  	s3 =	sshrl.u32 s0, $0x2  }
.LBB2_24:
0x13c: {  	s0 =	simm.s32 $0x5  }
0x13d: {  	_ =	swait.ge [sflag:s0], s3  }
0x13e: {  	s1 =	ssub.s32 $0x0, s3;
	[sflag:s0] =	ssyncset.done $0x0  }
0x13f: {  	[sflag:s0] =	ssyncadd.s32 s1  }
0x140: {  	[sflag:s0] =	ssyncpa.u1 $0x1  }
0x141: {  	s29 =	simm.s32 $0x1;
	_ =	sfence  }
0x142: {  	s30 =	simm.s32 $0x2;
	[sflag:s29] =	ssyncpa.u1 $0x1  }
0x143: {  	[sflag:s30] =	ssyncpa.u1 $0x1  }
0x144: {  	_ =	strace $0x90000047  }
0x145: {  	[bflag:$0x2] =	sbarrier.arrive $0xFFFF  }
0x146: {  	s31 =	rddreg [dreg:$0x2]  }
0x147: {  	s0 =	sadd.s32 $0x100000, s31  }
0x148: {  	[sflag:s0] =	ssyncadd.tile.s32 $0x1;
	_ =	shalt  }
.Lfunc_end2:
_tile_overlayer_lowered:
.L_overlay_start_2:
0x149: {  	(tag) =	ssettag $0x2  }
0x14a: {  	s0 =	rddreg [dreg:$0x0];
	s2 =	stileid.u32  }
0x14b: {  	s1 =	rddreg [dreg:$0x1];
	p0 =	sne.s32 s2, $0x0  }
0x14c: {  	s3 =	rddreg [dreg:$0x2];
	[bflag:$0x3] =	sbarrier.arrive $0xFFFF;
	s2 =	simm.s32 @!p0 $0x1C01  }
0x14d: {  	[timem:s3], [sflag:s2] =	dma.local @!p0 [hbm:s0], s1  }
0x14e: {  	s0 =	simm.s32 @!p0 $0x1  }
0x14f: {  	_ =	swait.ge @!p0 [sflag:s0], s1  }
0x150: {  	s1 =	ssub.s32 @!p0 $0x0, s1;
	[sflag:s0] =	ssyncset.done @!p0 $0x0  }
0x151: {  	[sflag:s0] =	ssyncadd.s32 @!p0 s1  }
0x152: {  	[bflag:$0x3] =	sbarrier.arrive $0xFFFF  }
0x153: {  	_ =	shalt  }

</sc_bundles>
